<compile_context>
chip_gen: v7x
topology: tpu7x:2x2x1
jax: 0.10.2.dev20260603
libtpu: 0.0.44.dev20260713+nightly
codegen_flags: <defaults>
</compile_context>

<pallas_src>
import functools

import jax
import jax.numpy as jnp
from jax import lax
from jax.experimental import pallas as pl
from jax.experimental.pallas import tpu as pltpu
from jax.experimental.pallas import tpu_sc as plsc

N = 100000
D = 20
DH = 16
E = 3200000
NC = 2
NS = 16
NW = NC * NS
EPR = 128
W = 8
ROWS = E // EPR
RPT = 1568
ROWS_PAD = RPT * NS
STRIPE = 6248
REM = N - STRIPE * NS
NPAD = N + 8
TRASH = N
CCOL = 4
BLK = 2000
G = N // BLK

_mesh = plsc.VectorSubcoreMesh(
    core_axis_name="c", subcore_axis_name="s", num_cores=NC, num_subcores=NS
)


@functools.partial(
    pl.kernel,
    out_type=jax.ShapeDtypeStruct((NC, N, DH), jnp.float32),
    mesh=_mesh,
    scratch_types=[
        pltpu.VMEM_SHARED((NPAD, DH), jnp.float32),
        pltpu.VMEM((W, EPR), jnp.int32),
        pltpu.VMEM((W, EPR), jnp.int32),
        pltpu.VMEM((W, EPR, DH), jnp.float32),
        pltpu.SemaphoreType.DMA,
        pltpu.SemaphoreType.DMA,
    ],
    compiler_params=pltpu.CompilerParams(use_tc_tiling_on_sc=False),
)
def _segsum(tab2, srcr, dstr, zf, out2,
            acc, srcw, dstw, rows, gsem, ssem):
  core = lax.axis_index("c")
  sub = lax.axis_index("s")
  base = sub * RPT
  table = tab2.at[core]
  pltpu.sync_copy(zf, acc.at[pl.ds(sub * STRIPE, STRIPE), :])

  @pl.when(sub == 0)
  def _():
    pltpu.sync_copy(zf.at[pl.ds(0, REM + 8), :],
                    acc.at[pl.ds(NS * STRIPE, REM + 8), :])

  plsc.subcore_barrier()

  def step(g, carry):
    i0 = base + g * W
    pltpu.sync_copy(srcr.at[pl.ds(i0, W)], srcw)
    pltpu.sync_copy(dstr.at[pl.ds(i0, W)], dstw)
    gcps = [pltpu.async_copy(table.at[srcw.at[j]], rows.at[j], gsem)
            for j in range(W)]
    scps = []
    for j in range(W):
      gcps[j].wait()
      scps.append(
          pltpu.async_copy(rows.at[j], acc.at[dstw.at[j]], ssem, add=True))
    for j in range(W):
      scps[j].wait()
    return carry

  lax.fori_loop(0, RPT // W, step, 0)
  plsc.subcore_barrier()
  pltpu.sync_copy(acc.at[pl.ds(sub * STRIPE, STRIPE), :],
                  out2.at[core, pl.ds(sub * STRIPE, STRIPE), :])

  @pl.when(sub == 0)
  def _():
    pltpu.sync_copy(acc.at[pl.ds(NS * STRIPE, REM), :],
                    out2.at[core, pl.ds(NS * STRIPE, REM), :])


def _tc1_body(p_ref, x_ref, wl_ref, wr_ref, b_ref, h_ref, inv_ref):
  sa = p_ref[0]
  sb = p_ref[1]
  cnt = sb[:, CCOL:CCOL + 1]
  inv = 1.0 / jnp.maximum(cnt, 1.0)
  m = jnp.concatenate([sa, sb[:, :D - DH]], axis=1) * inv
  h = (jnp.dot(m, wl_ref[...], preferred_element_type=jnp.float32)
       + jnp.dot(x_ref[...], wr_ref[...], preferred_element_type=jnp.float32)
       + b_ref[...])
  h_ref[...] = jnp.maximum(h, 0.0)
  inv_ref[...] = inv


def _tc2_body(p_ref, inv_ref, h_ref, wl_ref, wr_ref, b_ref, o_ref):
  sa = p_ref[0]
  sb = p_ref[1]
  m = jnp.concatenate([sa, sb[:, :D - DH]], axis=1) * inv_ref[...]
  o_ref[...] = (jnp.dot(m, wl_ref[...], preferred_element_type=jnp.float32)
                + jnp.dot(h_ref[...], wr_ref[...],
                          preferred_element_type=jnp.float32)
                + b_ref[...])


_tc1 = pl.pallas_call(
    _tc1_body,
    grid=(G,),
    in_specs=[
        pl.BlockSpec((NC, BLK, DH), lambda i: (0, i, 0)),
        pl.BlockSpec((BLK, D), lambda i: (i, 0)),
        pl.BlockSpec((D, D), lambda i: (0, 0)),
        pl.BlockSpec((D, D), lambda i: (0, 0)),
        pl.BlockSpec((1, D), lambda i: (0, 0)),
    ],
    out_specs=[
        pl.BlockSpec((BLK, D), lambda i: (i, 0)),
        pl.BlockSpec((BLK, 1), lambda i: (i, 0)),
    ],
    out_shape=[
        jax.ShapeDtypeStruct((N, D), jnp.float32),
        jax.ShapeDtypeStruct((N, 1), jnp.float32),
    ],
)

_tc2 = pl.pallas_call(
    _tc2_body,
    grid=(G,),
    in_specs=[
        pl.BlockSpec((NC, BLK, DH), lambda i: (0, i, 0)),
        pl.BlockSpec((BLK, 1), lambda i: (i, 0)),
        pl.BlockSpec((BLK, D), lambda i: (i, 0)),
        pl.BlockSpec((D, D), lambda i: (0, 0)),
        pl.BlockSpec((D, D), lambda i: (0, 0)),
        pl.BlockSpec((1, D), lambda i: (0, 0)),
    ],
    out_specs=pl.BlockSpec((BLK, D), lambda i: (i, 0)),
    out_shape=jax.ShapeDtypeStruct((N, D), jnp.float32),
)


def _halves(t):
  ta = t[:, :DH]
  tb = jnp.concatenate(
      [t[:, DH:], jnp.ones((N, 1), jnp.float32),
       jnp.zeros((N, DH - (D - DH) - 1), jnp.float32)], axis=1)
  return ta, tb


@jax.jit
def kernel(x, edge_index, W1_l, W1_r, b1, W2_l, W2_r, b2):
  ei = edge_index.astype(jnp.int32)
  npad_e = ROWS_PAD * EPR - E
  srcr = jnp.concatenate(
      [ei[0], jnp.zeros((npad_e,), jnp.int32)]).reshape(ROWS_PAD, EPR)
  dstr = jnp.concatenate(
      [ei[1], jnp.full((npad_e,), TRASH, jnp.int32)]).reshape(ROWS_PAD, EPR)
  zf = jnp.zeros((STRIPE, DH), jnp.float32)

  xa, xb = _halves(x)
  p1 = _segsum(jnp.stack([xa, xb]), srcr, dstr, zf)
  h, inv = _tc1(p1, x, W1_l, W1_r, b1.reshape(1, D))
  ha, hb = _halves(h)
  p2 = _segsum(jnp.stack([ha, hb]), srcr, dstr, zf)
  out = _tc2(p2, inv, h, W2_l, W2_r, b2.reshape(1, D))
  return out

# --- scband reference (transcript-rebuilt; emitter-appended) ---
"""Pipeline reference for scband-gcn-82506321756776 (READ-ONLY COPY).

The authoritative reference and input builder live on the scoring server;
editing this copy changes nothing except your own understanding.
"""

import jax, jax.numpy as jnp
import numpy as np

N_NODES = 100000
N_EDGES = 3200000
D_IN = 20
D_HID = 20
D_OUT = 20


def setup_inputs(seed: int = 0) -> dict:
    key = jax.random.key(seed)
    k = jax.random.split(key, 8)
    x = jax.random.normal(k[0], (N_NODES, D_IN), dtype=jnp.float32)
    edge_index = jax.random.randint(k[1], (2, N_EDGES), 0, N_NODES, dtype=jnp.int64)
    s = 0.1
    W1_l = jax.random.normal(k[2], (D_IN, D_HID), dtype=jnp.float32) * s
    W1_r = jax.random.normal(k[3], (D_IN, D_HID), dtype=jnp.float32) * s
    b1 = jnp.zeros((D_HID,), dtype=jnp.float32)
    W2_l = jax.random.normal(k[4], (D_HID, D_OUT), dtype=jnp.float32) * s
    W2_r = jax.random.normal(k[5], (D_HID, D_OUT), dtype=jnp.float32) * s
    b2 = jnp.zeros((D_OUT,), dtype=jnp.float32)
    return {"x": x, "edge_index": edge_index, "W1_l": W1_l, "W1_r": W1_r, "b1": b1, "W2_l": W2_l, "W2_r": W2_r, "b2": b2}


def _sage_conv(x, edge_index, W_l, W_r, b):
    # PyG SAGEConv with mean aggregation:
    # out = lin_l(mean_{j in N(i)} x_j) + lin_r(x_i)
    src = edge_index[0]
    dst = edge_index[1]
    n = x.shape[0]
    msgs = jnp.take(x, src, axis=0)
    agg = jax.ops.segment_sum(msgs, dst, num_segments=n)
    cnt = jax.ops.segment_sum(jnp.ones((edge_index.shape[1],), dtype=x.dtype), dst, num_segments=n)
    agg = agg / jnp.clip(cnt, 1.0, None)[:, None]
    return agg @ W_l + x @ W_r + b


def reference(x, edge_index, W1_l, W1_r, b1, W2_l, W2_r, b2):
    h = _sage_conv(x, edge_index, W1_l, W1_r, b1)
    h = jax.nn.relu(h)
    out = _sage_conv(h, edge_index, W2_l, W2_r, b2)
    return out

if __name__ == "__main__":
    import jax
    _d = setup_inputs()
    print(jax.jit(kernel)(*tuple(_d.values())))

</pallas_src>

<mosaic_0001>
#map = affine_map<(d0, d1) -> (0, 0, 0)>
#map1 = affine_map<(d0, d1) -> (0, 0)>
module attributes {stable_mosaic.version = 14 : i64} {
  func.func @_segsum(%arg0: i32, %arg1: i32, %arg2: memref<2x100000x16xf32, #tpu.memory_space<hbm>>, %arg3: memref<25088x128xi32, #tpu.memory_space<hbm>>, %arg4: memref<25088x128xi32, #tpu.memory_space<hbm>>, %arg5: memref<6248x16xf32, #tpu.memory_space<hbm>>, %arg6: memref<2x100000x16xf32, #tpu.memory_space<hbm>>, %arg7: memref<100008x16xf32, #tpu.memory_space<vmem_shared>>, %arg8: memref<8x128xi32, #tpu.memory_space<vmem>>, %arg9: memref<8x128xi32, #tpu.memory_space<vmem>>, %arg10: memref<8x128x16xf32, #tpu.memory_space<vmem>>, %arg11: memref<!tpu.dma_semaphore, #tpu.memory_space<semaphore_mem>>, %arg12: memref<!tpu.dma_semaphore, #tpu.memory_space<semaphore_mem>>) attributes {dimension_semantics = [#tpu.dimension_semantics<core_parallel>, #tpu.dimension_semantics<subcore_parallel>], iteration_bounds = array<i64: 2, 16>, scalar_prefetch = 0 : i64, scratch_operands = 6 : i64, tpu.core_type = #tpu.core_type<sc_vector_subcore>, window_params = [{transform_indices = #map}, {transform_indices = #map1}, {transform_indices = #map1}, {transform_indices = #map1}, {transform_indices = #map}]} {
    %mul3A = arith.constant 1568 : i32
    %mul3A_0 = arith.muli %arg1, %mul3A : i32
    %mul3A_1 = arith.constant 6248 : i32
    %mul3A_2 = arith.muli %arg1, %mul3A_1 : i32
    "tpu.region"() ({
      %run_scoped3A = tpu.sem_alloc : memref<!tpu.dma_semaphore, #tpu.memory_space<semaphore_mem>>
      %dma_start3A = arith.constant 0 : i32
      %dma_start3A_20 = tpu.memref_slice %arg7[%mul3A_2, %dma_start3A] : memref<100008x16xf32, #tpu.memory_space<vmem_shared>> -> memref<6248x16xf32, #tpu.memory_space<vmem_shared>>
      tpu.enqueue_dma source(%arg5 : memref<6248x16xf32, #tpu.memory_space<hbm>>) target(%dma_start3A_20 : memref<6248x16xf32, #tpu.memory_space<vmem_shared>>) target_semaphore(%run_scoped3A : memref<!tpu.dma_semaphore, #tpu.memory_space<semaphore_mem>>)
      %dma_wait3A = arith.constant 0 : i32
      %dma_wait3A_21 = tpu.memref_slice %arg7[%mul3A_2, %dma_wait3A] : memref<100008x16xf32, #tpu.memory_space<vmem_shared>> -> memref<6248x16xf32, #tpu.memory_space<vmem_shared>>
      tpu.wait_dma2 semaphore(%run_scoped3A : memref<!tpu.dma_semaphore, #tpu.memory_space<semaphore_mem>>) src(%arg5 : memref<6248x16xf32, #tpu.memory_space<hbm>>) dst(%dma_wait3A_21 : memref<6248x16xf32, #tpu.memory_space<vmem_shared>>)
      tpu.yield
    }) : () -> ()
    %eq3A = arith.constant 0 : i32
    %eq3A_3 = arith.cmpi eq, %arg1, %eq3A : i32
    %convert_element_type3A = arith.extui %eq3A_3 : i1 to i32
    %cond3A = arith.constant 0 : i32
    %cond3A_4 = arith.cmpi ne, %convert_element_type3A, %cond3A : i32
    scf.if %cond3A_4 {
      "tpu.region"() ({
        %run_scoped3A = tpu.sem_alloc : memref<!tpu.dma_semaphore, #tpu.memory_space<semaphore_mem>>
        %dma_start3A = arith.constant 99968 : i32
        %dma_start3A_20 = arith.constant 0 : i32
        %dma_start3A_21 = tpu.memref_slice %arg7[%dma_start3A, %dma_start3A_20] : memref<100008x16xf32, #tpu.memory_space<vmem_shared>> -> memref<40x16xf32, #tpu.memory_space<vmem_shared>>
        %dma_start3A_22 = arith.constant 0 : i32
        %dma_start3A_23 = arith.constant 0 : i32
        %dma_start3A_24 = tpu.memref_slice %arg5[%dma_start3A_22, %dma_start3A_23] : memref<6248x16xf32, #tpu.memory_space<hbm>> -> memref<40x16xf32, #tpu.memory_space<hbm>>
        tpu.enqueue_dma source(%dma_start3A_24 : memref<40x16xf32, #tpu.memory_space<hbm>>) target(%dma_start3A_21 : memref<40x16xf32, #tpu.memory_space<vmem_shared>>) target_semaphore(%run_scoped3A : memref<!tpu.dma_semaphore, #tpu.memory_space<semaphore_mem>>)
        %dma_wait3A = arith.constant 99968 : i32
        %dma_wait3A_25 = arith.constant 0 : i32
        %dma_wait3A_26 = tpu.memref_slice %arg7[%dma_wait3A, %dma_wait3A_25] : memref<100008x16xf32, #tpu.memory_space<vmem_shared>> -> memref<40x16xf32, #tpu.memory_space<vmem_shared>>
        %dma_wait3A_27 = arith.constant 0 : i32
        %dma_wait3A_28 = arith.constant 0 : i32
        %dma_wait3A_29 = tpu.memref_slice %arg5[%dma_wait3A_27, %dma_wait3A_28] : memref<6248x16xf32, #tpu.memory_space<hbm>> -> memref<40x16xf32, #tpu.memory_space<hbm>>
        tpu.wait_dma2 semaphore(%run_scoped3A : memref<!tpu.dma_semaphore, #tpu.memory_space<semaphore_mem>>) src(%dma_wait3A_29 : memref<40x16xf32, #tpu.memory_space<hbm>>) dst(%dma_wait3A_26 : memref<40x16xf32, #tpu.memory_space<vmem_shared>>)
        tpu.yield
      }) : () -> ()
    } else {
    }
    %barrier3A = arith.constant 0 : index
    tpu.barrier barrier_id(%barrier3A)
    %scan3A = arith.constant 0 : i32
    %scan3A_5 = arith.constant 0 : i32
    %scan3A_6 = arith.constant 196 : i32
    %scan3A_7 = arith.addi %scan3A_5, %scan3A_6 : i32
    %scan3A_8 = arith.constant 1 : i32
    scf.for %scan3A_20 = %scan3A_5 to %scan3A_7 step %scan3A_8  : i32 {
      %mul3A_21 = arith.constant 8 : i32
      %mul3A_22 = arith.muli %scan3A_20, %mul3A_21 : i32
      %add3A = arith.addi %mul3A_0, %mul3A_22 : i32
      "tpu.region"() ({
        %run_scoped3A = tpu.sem_alloc : memref<!tpu.dma_semaphore, #tpu.memory_space<semaphore_mem>>
        %dma_start3A_469 = arith.constant 0 : i32
        %dma_start3A_470 = tpu.memref_slice %arg3[%add3A, %dma_start3A_469] : memref<25088x128xi32, #tpu.memory_space<hbm>> -> memref<8x128xi32, #tpu.memory_space<hbm>>
        %dma_start3A_471 = arith.constant 0 : i32
        %dma_start3A_472 = tpu.memref_slice %arg3[%add3A, %dma_start3A_471] : memref<25088x128xi32, #tpu.memory_space<hbm>> -> memref<8x128xi32, #tpu.memory_space<hbm>>
        tpu.enqueue_dma source(%dma_start3A_472 : memref<8x128xi32, #tpu.memory_space<hbm>>) target(%arg8 : memref<8x128xi32, #tpu.memory_space<vmem>>) target_semaphore(%run_scoped3A : memref<!tpu.dma_semaphore, #tpu.memory_space<semaphore_mem>>)
        %dma_wait3A_473 = arith.constant 0 : i32
        %dma_wait3A_474 = tpu.memref_slice %arg3[%add3A, %dma_wait3A_473] : memref<25088x128xi32, #tpu.memory_space<hbm>> -> memref<8x128xi32, #tpu.memory_space<hbm>>
        %dma_wait3A_475 = arith.constant 0 : i32
        %dma_wait3A_476 = tpu.memref_slice %arg3[%add3A, %dma_wait3A_475] : memref<25088x128xi32, #tpu.memory_space<hbm>> -> memref<8x128xi32, #tpu.memory_space<hbm>>
        tpu.wait_dma2 semaphore(%run_scoped3A : memref<!tpu.dma_semaphore, #tpu.memory_space<semaphore_mem>>) src(%dma_wait3A_476 : memref<8x128xi32, #tpu.memory_space<hbm>>) dst(%arg8 : memref<8x128xi32, #tpu.memory_space<vmem>>)
        tpu.yield
      }) : () -> ()
      "tpu.region"() ({
        %run_scoped3A = tpu.sem_alloc : memref<!tpu.dma_semaphore, #tpu.memory_space<semaphore_mem>>
        %dma_start3A_469 = arith.constant 0 : i32
        %dma_start3A_470 = tpu.memref_slice %arg4[%add3A, %dma_start3A_469] : memref<25088x128xi32, #tpu.memory_space<hbm>> -> memref<8x128xi32, #tpu.memory_space<hbm>>
        %dma_start3A_471 = arith.constant 0 : i32
        %dma_start3A_472 = tpu.memref_slice %arg4[%add3A, %dma_start3A_471] : memref<25088x128xi32, #tpu.memory_space<hbm>> -> memref<8x128xi32, #tpu.memory_space<hbm>>
        tpu.enqueue_dma source(%dma_start3A_472 : memref<8x128xi32, #tpu.memory_space<hbm>>) target(%arg9 : memref<8x128xi32, #tpu.memory_space<vmem>>) target_semaphore(%run_scoped3A : memref<!tpu.dma_semaphore, #tpu.memory_space<semaphore_mem>>)
        %dma_wait3A_473 = arith.constant 0 : i32
        %dma_wait3A_474 = tpu.memref_slice %arg4[%add3A, %dma_wait3A_473] : memref<25088x128xi32, #tpu.memory_space<hbm>> -> memref<8x128xi32, #tpu.memory_space<hbm>>
        %dma_wait3A_475 = arith.constant 0 : i32
        %dma_wait3A_476 = tpu.memref_slice %arg4[%add3A, %dma_wait3A_475] : memref<25088x128xi32, #tpu.memory_space<hbm>> -> memref<8x128xi32, #tpu.memory_space<hbm>>
        tpu.wait_dma2 semaphore(%run_scoped3A : memref<!tpu.dma_semaphore, #tpu.memory_space<semaphore_mem>>) src(%dma_wait3A_476 : memref<8x128xi32, #tpu.memory_space<hbm>>) dst(%arg9 : memref<8x128xi32, #tpu.memory_space<vmem>>)
        tpu.yield
      }) : () -> ()
      %dma_start3A = arith.constant 0 : i32
      %dma_start3A_23 = arith.constant 0 : i32
      %dma_start3A_24 = arith.constant 0 : i32
      %dma_start3A_25 = arith.constant 0 : i32
      %dma_start3A_26 = tpu.memref_slice %arg10[%dma_start3A_23, %dma_start3A_24, %dma_start3A_25] : memref<8x128x16xf32, #tpu.memory_space<vmem>> -> memref<1x128x16xf32, #tpu.memory_space<vmem>>
      %dma_start3A_27 = tpu.memref_squeeze %dma_start3A_26 : memref<1x128x16xf32, #tpu.memory_space<vmem>> -> memref<128x16xf32, #tpu.memory_space<vmem>>
      %dma_start3A_28 = arith.constant 0 : i32
      %dma_start3A_29 = tpu.memref_slice %arg8[%dma_start3A, %dma_start3A_28] : memref<8x128xi32, #tpu.memory_space<vmem>> -> memref<1x128xi32, #tpu.memory_space<vmem>>
      %dma_start3A_30 = tpu.memref_squeeze %dma_start3A_29 : memref<1x128xi32, #tpu.memory_space<vmem>> -> memref<128xi32, #tpu.memory_space<vmem>>
      %dma_start3A_31 = arith.constant 0 : i32
      %dma_start3A_32 = arith.constant 0 : i32
      %dma_start3A_33 = tpu.memref_slice %arg2[%arg0, %dma_start3A_31, %dma_start3A_32] : memref<2x100000x16xf32, #tpu.memory_space<hbm>> -> memref<1x100000x16xf32, #tpu.memory_space<hbm>>
      %dma_start3A_34 = tpu.memref_squeeze %dma_start3A_33 : memref<1x100000x16xf32, #tpu.memory_space<hbm>> -> memref<100000x16xf32, #tpu.memory_space<hbm>>
      %dma_start3A_35 = arith.constant 0 : i32
      %dma_start3A_36 = arith.constant 0 : i32
      %dma_start3A_37 = tpu.memref_slice %dma_start3A_34[%dma_start3A_35, %dma_start3A_36] : memref<100000x16xf32, #tpu.memory_space<hbm>> -> memref<100000x16xf32, #tpu.memory_space<hbm>>
      tpu.enqueue_indirect_dma source(%dma_start3A_37 : memref<100000x16xf32, #tpu.memory_space<hbm>>) target(%dma_start3A_27 : memref<128x16xf32, #tpu.memory_space<vmem>>) offsets(%dma_start3A_30 : memref<128xi32, #tpu.memory_space<vmem>>) semaphore(%arg11 : memref<!tpu.dma_semaphore, #tpu.memory_space<semaphore_mem>>)
      %dma_start3A_38 = arith.constant 1 : i32
      %dma_start3A_39 = arith.constant 1 : i32
      %dma_start3A_40 = arith.constant 0 : i32
      %dma_start3A_41 = arith.constant 0 : i32
      %dma_start3A_42 = tpu.memref_slice %arg10[%dma_start3A_39, %dma_start3A_40, %dma_start3A_41] : memref<8x128x16xf32, #tpu.memory_space<vmem>> -> memref<1x128x16xf32, #tpu.memory_space<vmem>>
      %dma_start3A_43 = tpu.memref_squeeze %dma_start3A_42 : memref<1x128x16xf32, #tpu.memory_space<vmem>> -> memref<128x16xf32, #tpu.memory_space<vmem>>
      %dma_start3A_44 = arith.constant 0 : i32
      %dma_start3A_45 = tpu.memref_slice %arg8[%dma_start3A_38, %dma_start3A_44] : memref<8x128xi32, #tpu.memory_space<vmem>> -> memref<1x128xi32, #tpu.memory_space<vmem>>
      %dma_start3A_46 = tpu.memref_squeeze %dma_start3A_45 : memref<1x128xi32, #tpu.memory_space<vmem>> -> memref<128xi32, #tpu.memory_space<vmem>>
      %dma_start3A_47 = arith.constant 0 : i32
      %dma_start3A_48 = arith.constant 0 : i32
      %dma_start3A_49 = tpu.memref_slice %arg2[%arg0, %dma_start3A_47, %dma_start3A_48] : memref<2x100000x16xf32, #tpu.memory_space<hbm>> -> memref<1x100000x16xf32, #tpu.memory_space<hbm>>
      %dma_start3A_50 = tpu.memref_squeeze %dma_start3A_49 : memref<1x100000x16xf32, #tpu.memory_space<hbm>> -> memref<100000x16xf32, #tpu.memory_space<hbm>>
      %dma_start3A_51 = arith.constant 0 : i32
      %dma_start3A_52 = arith.constant 0 : i32
      %dma_start3A_53 = tpu.memref_slice %dma_start3A_50[%dma_start3A_51, %dma_start3A_52] : memref<100000x16xf32, #tpu.memory_space<hbm>> -> memref<100000x16xf32, #tpu.memory_space<hbm>>
      tpu.enqueue_indirect_dma source(%dma_start3A_53 : memref<100000x16xf32, #tpu.memory_space<hbm>>) target(%dma_start3A_43 : memref<128x16xf32, #tpu.memory_space<vmem>>) offsets(%dma_start3A_46 : memref<128xi32, #tpu.memory_space<vmem>>) semaphore(%arg11 : memref<!tpu.dma_semaphore, #tpu.memory_space<semaphore_mem>>)
      %dma_start3A_54 = arith.constant 2 : i32
      %dma_start3A_55 = arith.constant 2 : i32
      %dma_start3A_56 = arith.constant 0 : i32
      %dma_start3A_57 = arith.constant 0 : i32
      %dma_start3A_58 = tpu.memref_slice %arg10[%dma_start3A_55, %dma_start3A_56, %dma_start3A_57] : memref<8x128x16xf32, #tpu.memory_space<vmem>> -> memref<1x128x16xf32, #tpu.memory_space<vmem>>
      %dma_start3A_59 = tpu.memref_squeeze %dma_start3A_58 : memref<1x128x16xf32, #tpu.memory_space<vmem>> -> memref<128x16xf32, #tpu.memory_space<vmem>>
      %dma_start3A_60 = arith.constant 0 : i32
      %dma_start3A_61 = tpu.memref_slice %arg8[%dma_start3A_54, %dma_start3A_60] : memref<8x128xi32, #tpu.memory_space<vmem>> -> memref<1x128xi32, #tpu.memory_space<vmem>>
      %dma_start3A_62 = tpu.memref_squeeze %dma_start3A_61 : memref<1x128xi32, #tpu.memory_space<vmem>> -> memref<128xi32, #tpu.memory_space<vmem>>
      %dma_start3A_63 = arith.constant 0 : i32
      %dma_start3A_64 = arith.constant 0 : i32
      %dma_start3A_65 = tpu.memref_slice %arg2[%arg0, %dma_start3A_63, %dma_start3A_64] : memref<2x100000x16xf32, #tpu.memory_space<hbm>> -> memref<1x100000x16xf32, #tpu.memory_space<hbm>>
      %dma_start3A_66 = tpu.memref_squeeze %dma_start3A_65 : memref<1x100000x16xf32, #tpu.memory_space<hbm>> -> memref<100000x16xf32, #tpu.memory_space<hbm>>
      %dma_start3A_67 = arith.constant 0 : i32
      %dma_start3A_68 = arith.constant 0 : i32
      %dma_start3A_69 = tpu.memref_slice %dma_start3A_66[%dma_start3A_67, %dma_start3A_68] : memref<100000x16xf32, #tpu.memory_space<hbm>> -> memref<100000x16xf32, #tpu.memory_space<hbm>>
      tpu.enqueue_indirect_dma source(%dma_start3A_69 : memref<100000x16xf32, #tpu.memory_space<hbm>>) target(%dma_start3A_59 : memref<128x16xf32, #tpu.memory_space<vmem>>) offsets(%dma_start3A_62 : memref<128xi32, #tpu.memory_space<vmem>>) semaphore(%arg11 : memref<!tpu.dma_semaphore, #tpu.memory_space<semaphore_mem>>)
      %dma_start3A_70 = arith.constant 3 : i32
      %dma_start3A_71 = arith.constant 3 : i32
      %dma_start3A_72 = arith.constant 0 : i32
      %dma_start3A_73 = arith.constant 0 : i32
      %dma_start3A_74 = tpu.memref_slice %arg10[%dma_start3A_71, %dma_start3A_72, %dma_start3A_73] : memref<8x128x16xf32, #tpu.memory_space<vmem>> -> memref<1x128x16xf32, #tpu.memory_space<vmem>>
      %dma_start3A_75 = tpu.memref_squeeze %dma_start3A_74 : memref<1x128x16xf32, #tpu.memory_space<vmem>> -> memref<128x16xf32, #tpu.memory_space<vmem>>
      %dma_start3A_76 = arith.constant 0 : i32
      %dma_start3A_77 = tpu.memref_slice %arg8[%dma_start3A_70, %dma_start3A_76] : memref<8x128xi32, #tpu.memory_space<vmem>> -> memref<1x128xi32, #tpu.memory_space<vmem>>
      %dma_start3A_78 = tpu.memref_squeeze %dma_start3A_77 : memref<1x128xi32, #tpu.memory_space<vmem>> -> memref<128xi32, #tpu.memory_space<vmem>>
      %dma_start3A_79 = arith.constant 0 : i32
      %dma_start3A_80 = arith.constant 0 : i32
      %dma_start3A_81 = tpu.memref_slice %arg2[%arg0, %dma_start3A_79, %dma_start3A_80] : memref<2x100000x16xf32, #tpu.memory_space<hbm>> -> memref<1x100000x16xf32, #tpu.memory_space<hbm>>
      %dma_start3A_82 = tpu.memref_squeeze %dma_start3A_81 : memref<1x100000x16xf32, #tpu.memory_space<hbm>> -> memref<100000x16xf32, #tpu.memory_space<hbm>>
      %dma_start3A_83 = arith.constant 0 : i32
      %dma_start3A_84 = arith.constant 0 : i32
      %dma_start3A_85 = tpu.memref_slice %dma_start3A_82[%dma_start3A_83, %dma_start3A_84] : memref<100000x16xf32, #tpu.memory_space<hbm>> -> memref<100000x16xf32, #tpu.memory_space<hbm>>
      tpu.enqueue_indirect_dma source(%dma_start3A_85 : memref<100000x16xf32, #tpu.memory_space<hbm>>) target(%dma_start3A_75 : memref<128x16xf32, #tpu.memory_space<vmem>>) offsets(%dma_start3A_78 : memref<128xi32, #tpu.memory_space<vmem>>) semaphore(%arg11 : memref<!tpu.dma_semaphore, #tpu.memory_space<semaphore_mem>>)
      %dma_start3A_86 = arith.constant 4 : i32
      %dma_start3A_87 = arith.constant 4 : i32
      %dma_start3A_88 = arith.constant 0 : i32
      %dma_start3A_89 = arith.constant 0 : i32
      %dma_start3A_90 = tpu.memref_slice %arg10[%dma_start3A_87, %dma_start3A_88, %dma_start3A_89] : memref<8x128x16xf32, #tpu.memory_space<vmem>> -> memref<1x128x16xf32, #tpu.memory_space<vmem>>
      %dma_start3A_91 = tpu.memref_squeeze %dma_start3A_90 : memref<1x128x16xf32, #tpu.memory_space<vmem>> -> memref<128x16xf32, #tpu.memory_space<vmem>>
      %dma_start3A_92 = arith.constant 0 : i32
      %dma_start3A_93 = tpu.memref_slice %arg8[%dma_start3A_86, %dma_start3A_92] : memref<8x128xi32, #tpu.memory_space<vmem>> -> memref<1x128xi32, #tpu.memory_space<vmem>>
      %dma_start3A_94 = tpu.memref_squeeze %dma_start3A_93 : memref<1x128xi32, #tpu.memory_space<vmem>> -> memref<128xi32, #tpu.memory_space<vmem>>
      %dma_start3A_95 = arith.constant 0 : i32
      %dma_start3A_96 = arith.constant 0 : i32
      %dma_start3A_97 = tpu.memref_slice %arg2[%arg0, %dma_start3A_95, %dma_start3A_96] : memref<2x100000x16xf32, #tpu.memory_space<hbm>> -> memref<1x100000x16xf32, #tpu.memory_space<hbm>>
      %dma_start3A_98 = tpu.memref_squeeze %dma_start3A_97 : memref<1x100000x16xf32, #tpu.memory_space<hbm>> -> memref<100000x16xf32, #tpu.memory_space<hbm>>
      %dma_start3A_99 = arith.constant 0 : i32
      %dma_start3A_100 = arith.constant 0 : i32
      %dma_start3A_101 = tpu.memref_slice %dma_start3A_98[%dma_start3A_99, %dma_start3A_100] : memref<100000x16xf32, #tpu.memory_space<hbm>> -> memref<100000x16xf32, #tpu.memory_space<hbm>>
      tpu.enqueue_indirect_dma source(%dma_start3A_101 : memref<100000x16xf32, #tpu.memory_space<hbm>>) target(%dma_start3A_91 : memref<128x16xf32, #tpu.memory_space<vmem>>) offsets(%dma_start3A_94 : memref<128xi32, #tpu.memory_space<vmem>>) semaphore(%arg11 : memref<!tpu.dma_semaphore, #tpu.memory_space<semaphore_mem>>)
      %dma_start3A_102 = arith.constant 5 : i32
      %dma_start3A_103 = arith.constant 5 : i32
      %dma_start3A_104 = arith.constant 0 : i32
      %dma_start3A_105 = arith.constant 0 : i32
      %dma_start3A_106 = tpu.memref_slice %arg10[%dma_start3A_103, %dma_start3A_104, %dma_start3A_105] : memref<8x128x16xf32, #tpu.memory_space<vmem>> -> memref<1x128x16xf32, #tpu.memory_space<vmem>>
      %dma_start3A_107 = tpu.memref_squeeze %dma_start3A_106 : memref<1x128x16xf32, #tpu.memory_space<vmem>> -> memref<128x16xf32, #tpu.memory_space<vmem>>
      %dma_start3A_108 = arith.constant 0 : i32
      %dma_start3A_109 = tpu.memref_slice %arg8[%dma_start3A_102, %dma_start3A_108] : memref<8x128xi32, #tpu.memory_space<vmem>> -> memref<1x128xi32, #tpu.memory_space<vmem>>
      %dma_start3A_110 = tpu.memref_squeeze %dma_start3A_109 : memref<1x128xi32, #tpu.memory_space<vmem>> -> memref<128xi32, #tpu.memory_space<vmem>>
      %dma_start3A_111 = arith.constant 0 : i32
      %dma_start3A_112 = arith.constant 0 : i32
      %dma_start3A_113 = tpu.memref_slice %arg2[%arg0, %dma_start3A_111, %dma_start3A_112] : memref<2x100000x16xf32, #tpu.memory_space<hbm>> -> memref<1x100000x16xf32, #tpu.memory_space<hbm>>
      %dma_start3A_114 = tpu.memref_squeeze %dma_start3A_113 : memref<1x100000x16xf32, #tpu.memory_space<hbm>> -> memref<100000x16xf32, #tpu.memory_space<hbm>>
      %dma_start3A_115 = arith.constant 0 : i32
      %dma_start3A_116 = arith.constant 0 : i32
      %dma_start3A_117 = tpu.memref_slice %dma_start3A_114[%dma_start3A_115, %dma_start3A_116] : memref<100000x16xf32, #tpu.memory_space<hbm>> -> memref<100000x16xf32, #tpu.memory_space<hbm>>
      tpu.enqueue_indirect_dma source(%dma_start3A_117 : memref<100000x16xf32, #tpu.memory_space<hbm>>) target(%dma_start3A_107 : memref<128x16xf32, #tpu.memory_space<vmem>>) offsets(%dma_start3A_110 : memref<128xi32, #tpu.memory_space<vmem>>) semaphore(%arg11 : memref<!tpu.dma_semaphore, #tpu.memory_space<semaphore_mem>>)
      %dma_start3A_118 = arith.constant 6 : i32
      %dma_start3A_119 = arith.constant 6 : i32
      %dma_start3A_120 = arith.constant 0 : i32
      %dma_start3A_121 = arith.constant 0 : i32
      %dma_start3A_122 = tpu.memref_slice %arg10[%dma_start3A_119, %dma_start3A_120, %dma_start3A_121] : memref<8x128x16xf32, #tpu.memory_space<vmem>> -> memref<1x128x16xf32, #tpu.memory_space<vmem>>
      %dma_start3A_123 = tpu.memref_squeeze %dma_start3A_122 : memref<1x128x16xf32, #tpu.memory_space<vmem>> -> memref<128x16xf32, #tpu.memory_space<vmem>>
      %dma_start3A_124 = arith.constant 0 : i32
      %dma_start3A_125 = tpu.memref_slice %arg8[%dma_start3A_118, %dma_start3A_124] : memref<8x128xi32, #tpu.memory_space<vmem>> -> memref<1x128xi32, #tpu.memory_space<vmem>>
      %dma_start3A_126 = tpu.memref_squeeze %dma_start3A_125 : memref<1x128xi32, #tpu.memory_space<vmem>> -> memref<128xi32, #tpu.memory_space<vmem>>
      %dma_start3A_127 = arith.constant 0 : i32
      %dma_start3A_128 = arith.constant 0 : i32
      %dma_start3A_129 = tpu.memref_slice %arg2[%arg0, %dma_start3A_127, %dma_start3A_128] : memref<2x100000x16xf32, #tpu.memory_space<hbm>> -> memref<1x100000x16xf32, #tpu.memory_space<hbm>>
      %dma_start3A_130 = tpu.memref_squeeze %dma_start3A_129 : memref<1x100000x16xf32, #tpu.memory_space<hbm>> -> memref<100000x16xf32, #tpu.memory_space<hbm>>
      %dma_start3A_131 = arith.constant 0 : i32
      %dma_start3A_132 = arith.constant 0 : i32
      %dma_start3A_133 = tpu.memref_slice %dma_start3A_130[%dma_start3A_131, %dma_start3A_132] : memref<100000x16xf32, #tpu.memory_space<hbm>> -> memref<100000x16xf32, #tpu.memory_space<hbm>>
      tpu.enqueue_indirect_dma source(%dma_start3A_133 : memref<100000x16xf32, #tpu.memory_space<hbm>>) target(%dma_start3A_123 : memref<128x16xf32, #tpu.memory_space<vmem>>) offsets(%dma_start3A_126 : memref<128xi32, #tpu.memory_space<vmem>>) semaphore(%arg11 : memref<!tpu.dma_semaphore, #tpu.memory_space<semaphore_mem>>)
      %dma_start3A_134 = arith.constant 7 : i32
      %dma_start3A_135 = arith.constant 7 : i32
      %dma_start3A_136 = arith.constant 0 : i32
      %dma_start3A_137 = arith.constant 0 : i32
      %dma_start3A_138 = tpu.memref_slice %arg10[%dma_start3A_135, %dma_start3A_136, %dma_start3A_137] : memref<8x128x16xf32, #tpu.memory_space<vmem>> -> memref<1x128x16xf32, #tpu.memory_space<vmem>>
      %dma_start3A_139 = tpu.memref_squeeze %dma_start3A_138 : memref<1x128x16xf32, #tpu.memory_space<vmem>> -> memref<128x16xf32, #tpu.memory_space<vmem>>
      %dma_start3A_140 = arith.constant 0 : i32
      %dma_start3A_141 = tpu.memref_slice %arg8[%dma_start3A_134, %dma_start3A_140] : memref<8x128xi32, #tpu.memory_space<vmem>> -> memref<1x128xi32, #tpu.memory_space<vmem>>
      %dma_start3A_142 = tpu.memref_squeeze %dma_start3A_141 : memref<1x128xi32, #tpu.memory_space<vmem>> -> memref<128xi32, #tpu.memory_space<vmem>>
      %dma_start3A_143 = arith.constant 0 : i32
      %dma_start3A_144 = arith.constant 0 : i32
      %dma_start3A_145 = tpu.memref_slice %arg2[%arg0, %dma_start3A_143, %dma_start3A_144] : memref<2x100000x16xf32, #tpu.memory_space<hbm>> -> memref<1x100000x16xf32, #tpu.memory_space<hbm>>
      %dma_start3A_146 = tpu.memref_squeeze %dma_start3A_145 : memref<1x100000x16xf32, #tpu.memory_space<hbm>> -> memref<100000x16xf32, #tpu.memory_space<hbm>>
      %dma_start3A_147 = arith.constant 0 : i32
      %dma_start3A_148 = arith.constant 0 : i32
      %dma_start3A_149 = tpu.memref_slice %dma_start3A_146[%dma_start3A_147, %dma_start3A_148] : memref<100000x16xf32, #tpu.memory_space<hbm>> -> memref<100000x16xf32, #tpu.memory_space<hbm>>
      tpu.enqueue_indirect_dma source(%dma_start3A_149 : memref<100000x16xf32, #tpu.memory_space<hbm>>) target(%dma_start3A_139 : memref<128x16xf32, #tpu.memory_space<vmem>>) offsets(%dma_start3A_142 : memref<128xi32, #tpu.memory_space<vmem>>) semaphore(%arg11 : memref<!tpu.dma_semaphore, #tpu.memory_space<semaphore_mem>>)
      %dma_wait3A = arith.constant 0 : i32
      %dma_wait3A_150 = arith.constant 0 : i32
      %dma_wait3A_151 = arith.constant 0 : i32
      %dma_wait3A_152 = arith.constant 0 : i32
      %dma_wait3A_153 = tpu.memref_slice %arg10[%dma_wait3A_150, %dma_wait3A_151, %dma_wait3A_152] : memref<8x128x16xf32, #tpu.memory_space<vmem>> -> memref<1x128x16xf32, #tpu.memory_space<vmem>>
      %dma_wait3A_154 = tpu.memref_squeeze %dma_wait3A_153 : memref<1x128x16xf32, #tpu.memory_space<vmem>> -> memref<128x16xf32, #tpu.memory_space<vmem>>
      %dma_wait3A_155 = arith.constant 0 : i32
      %dma_wait3A_156 = tpu.memref_slice %arg8[%dma_wait3A, %dma_wait3A_155] : memref<8x128xi32, #tpu.memory_space<vmem>> -> memref<1x128xi32, #tpu.memory_space<vmem>>
      %dma_wait3A_157 = tpu.memref_squeeze %dma_wait3A_156 : memref<1x128xi32, #tpu.memory_space<vmem>> -> memref<128xi32, #tpu.memory_space<vmem>>
      %dma_wait3A_158 = arith.constant 0 : i32
      %dma_wait3A_159 = arith.constant 0 : i32
      %dma_wait3A_160 = tpu.memref_slice %arg2[%arg0, %dma_wait3A_158, %dma_wait3A_159] : memref<2x100000x16xf32, #tpu.memory_space<hbm>> -> memref<1x100000x16xf32, #tpu.memory_space<hbm>>
      %dma_wait3A_161 = tpu.memref_squeeze %dma_wait3A_160 : memref<1x100000x16xf32, #tpu.memory_space<hbm>> -> memref<100000x16xf32, #tpu.memory_space<hbm>>
      %dma_wait3A_162 = arith.constant 0 : i32
      %dma_wait3A_163 = arith.constant 0 : i32
      %dma_wait3A_164 = tpu.memref_slice %dma_wait3A_161[%dma_wait3A_162, %dma_wait3A_163] : memref<100000x16xf32, #tpu.memory_space<hbm>> -> memref<100000x16xf32, #tpu.memory_space<hbm>>
      tpu.wait_indirect_dma semaphore(%arg11 : memref<!tpu.dma_semaphore, #tpu.memory_space<semaphore_mem>>) src(%dma_wait3A_164 : memref<100000x16xf32, #tpu.memory_space<hbm>>) dst(%dma_wait3A_154 : memref<128x16xf32, #tpu.memory_space<vmem>>)
      %dma_start3A_165 = arith.constant 0 : i32
      %dma_start3A_166 = arith.constant 0 : i32
      %dma_start3A_167 = arith.constant 0 : i32
      %dma_start3A_168 = arith.constant 0 : i32
      %dma_start3A_169 = tpu.memref_slice %arg10[%dma_start3A_165, %dma_start3A_167, %dma_start3A_168] : memref<8x128x16xf32, #tpu.memory_space<vmem>> -> memref<1x128x16xf32, #tpu.memory_space<vmem>>
      %dma_start3A_170 = tpu.memref_squeeze %dma_start3A_169 : memref<1x128x16xf32, #tpu.memory_space<vmem>> -> memref<128x16xf32, #tpu.memory_space<vmem>>
      %dma_start3A_171 = arith.constant 0 : i32
      %dma_start3A_172 = tpu.memref_slice %arg9[%dma_start3A_166, %dma_start3A_171] : memref<8x128xi32, #tpu.memory_space<vmem>> -> memref<1x128xi32, #tpu.memory_space<vmem>>
      %dma_start3A_173 = tpu.memref_squeeze %dma_start3A_172 : memref<1x128xi32, #tpu.memory_space<vmem>> -> memref<128xi32, #tpu.memory_space<vmem>>
      %dma_start3A_174 = arith.constant 0 : i32
      %dma_start3A_175 = arith.constant 0 : i32
      %dma_start3A_176 = tpu.memref_slice %arg7[%dma_start3A_174, %dma_start3A_175] : memref<100008x16xf32, #tpu.memory_space<vmem_shared>> -> memref<100008x16xf32, #tpu.memory_space<vmem_shared>>
      tpu.enqueue_indirect_dma source(%dma_start3A_170 : memref<128x16xf32, #tpu.memory_space<vmem>>) target(%dma_start3A_176 : memref<100008x16xf32, #tpu.memory_space<vmem_shared>>) offsets(%dma_start3A_173 : memref<128xi32, #tpu.memory_space<vmem>>) semaphore(%arg12 : memref<!tpu.dma_semaphore, #tpu.memory_space<semaphore_mem>>) {add = true}
      %dma_wait3A_177 = arith.constant 1 : i32
      %dma_wait3A_178 = arith.constant 1 : i32
      %dma_wait3A_179 = arith.constant 0 : i32
      %dma_wait3A_180 = arith.constant 0 : i32
      %dma_wait3A_181 = tpu.memref_slice %arg10[%dma_wait3A_178, %dma_wait3A_179, %dma_wait3A_180] : memref<8x128x16xf32, #tpu.memory_space<vmem>> -> memref<1x128x16xf32, #tpu.memory_space<vmem>>
      %dma_wait3A_182 = tpu.memref_squeeze %dma_wait3A_181 : memref<1x128x16xf32, #tpu.memory_space<vmem>> -> memref<128x16xf32, #tpu.memory_space<vmem>>
      %dma_wait3A_183 = arith.constant 0 : i32
      %dma_wait3A_184 = tpu.memref_slice %arg8[%dma_wait3A_177, %dma_wait3A_183] : memref<8x128xi32, #tpu.memory_space<vmem>> -> memref<1x128xi32, #tpu.memory_space<vmem>>
      %dma_wait3A_185 = tpu.memref_squeeze %dma_wait3A_184 : memref<1x128xi32, #tpu.memory_space<vmem>> -> memref<128xi32, #tpu.memory_space<vmem>>
      %dma_wait3A_186 = arith.constant 0 : i32
      %dma_wait3A_187 = arith.constant 0 : i32
      %dma_wait3A_188 = tpu.memref_slice %arg2[%arg0, %dma_wait3A_186, %dma_wait3A_187] : memref<2x100000x16xf32, #tpu.memory_space<hbm>> -> memref<1x100000x16xf32, #tpu.memory_space<hbm>>
      %dma_wait3A_189 = tpu.memref_squeeze %dma_wait3A_188 : memref<1x100000x16xf32, #tpu.memory_space<hbm>> -> memref<100000x16xf32, #tpu.memory_space<hbm>>
      %dma_wait3A_190 = arith.constant 0 : i32
      %dma_wait3A_191 = arith.constant 0 : i32
      %dma_wait3A_192 = tpu.memref_slice %dma_wait3A_189[%dma_wait3A_190, %dma_wait3A_191] : memref<100000x16xf32, #tpu.memory_space<hbm>> -> memref<100000x16xf32, #tpu.memory_space<hbm>>
      tpu.wait_indirect_dma semaphore(%arg11 : memref<!tpu.dma_semaphore, #tpu.memory_space<semaphore_mem>>) src(%dma_wait3A_192 : memref<100000x16xf32, #tpu.memory_space<hbm>>) dst(%dma_wait3A_182 : memref<128x16xf32, #tpu.memory_space<vmem>>)
      %dma_start3A_193 = arith.constant 1 : i32
      %dma_start3A_194 = arith.constant 1 : i32
      %dma_start3A_195 = arith.constant 0 : i32
      %dma_start3A_196 = arith.constant 0 : i32
      %dma_start3A_197 = tpu.memref_slice %arg10[%dma_start3A_193, %dma_start3A_195, %dma_start3A_196] : memref<8x128x16xf32, #tpu.memory_space<vmem>> -> memref<1x128x16xf32, #tpu.memory_space<vmem>>
      %dma_start3A_198 = tpu.memref_squeeze %dma_start3A_197 : memref<1x128x16xf32, #tpu.memory_space<vmem>> -> memref<128x16xf32, #tpu.memory_space<vmem>>
      %dma_start3A_199 = arith.constant 0 : i32
      %dma_start3A_200 = tpu.memref_slice %arg9[%dma_start3A_194, %dma_start3A_199] : memref<8x128xi32, #tpu.memory_space<vmem>> -> memref<1x128xi32, #tpu.memory_space<vmem>>
      %dma_start3A_201 = tpu.memref_squeeze %dma_start3A_200 : memref<1x128xi32, #tpu.memory_space<vmem>> -> memref<128xi32, #tpu.memory_space<vmem>>
      %dma_start3A_202 = arith.constant 0 : i32
      %dma_start3A_203 = arith.constant 0 : i32
      %dma_start3A_204 = tpu.memref_slice %arg7[%dma_start3A_202, %dma_start3A_203] : memref<100008x16xf32, #tpu.memory_space<vmem_shared>> -> memref<100008x16xf32, #tpu.memory_space<vmem_shared>>
      tpu.enqueue_indirect_dma source(%dma_start3A_198 : memref<128x16xf32, #tpu.memory_space<vmem>>) target(%dma_start3A_204 : memref<100008x16xf32, #tpu.memory_space<vmem_shared>>) offsets(%dma_start3A_201 : memref<128xi32, #tpu.memory_space<vmem>>) semaphore(%arg12 : memref<!tpu.dma_semaphore, #tpu.memory_space<semaphore_mem>>) {add = true}
      %dma_wait3A_205 = arith.constant 2 : i32
      %dma_wait3A_206 = arith.constant 2 : i32
      %dma_wait3A_207 = arith.constant 0 : i32
      %dma_wait3A_208 = arith.constant 0 : i32
      %dma_wait3A_209 = tpu.memref_slice %arg10[%dma_wait3A_206, %dma_wait3A_207, %dma_wait3A_208] : memref<8x128x16xf32, #tpu.memory_space<vmem>> -> memref<1x128x16xf32, #tpu.memory_space<vmem>>
      %dma_wait3A_210 = tpu.memref_squeeze %dma_wait3A_209 : memref<1x128x16xf32, #tpu.memory_space<vmem>> -> memref<128x16xf32, #tpu.memory_space<vmem>>
      %dma_wait3A_211 = arith.constant 0 : i32
      %dma_wait3A_212 = tpu.memref_slice %arg8[%dma_wait3A_205, %dma_wait3A_211] : memref<8x128xi32, #tpu.memory_space<vmem>> -> memref<1x128xi32, #tpu.memory_space<vmem>>
      %dma_wait3A_213 = tpu.memref_squeeze %dma_wait3A_212 : memref<1x128xi32, #tpu.memory_space<vmem>> -> memref<128xi32, #tpu.memory_space<vmem>>
      %dma_wait3A_214 = arith.constant 0 : i32
      %dma_wait3A_215 = arith.constant 0 : i32
      %dma_wait3A_216 = tpu.memref_slice %arg2[%arg0, %dma_wait3A_214, %dma_wait3A_215] : memref<2x100000x16xf32, #tpu.memory_space<hbm>> -> memref<1x100000x16xf32, #tpu.memory_space<hbm>>
      %dma_wait3A_217 = tpu.memref_squeeze %dma_wait3A_216 : memref<1x100000x16xf32, #tpu.memory_space<hbm>> -> memref<100000x16xf32, #tpu.memory_space<hbm>>
      %dma_wait3A_218 = arith.constant 0 : i32
      %dma_wait3A_219 = arith.constant 0 : i32
      %dma_wait3A_220 = tpu.memref_slice %dma_wait3A_217[%dma_wait3A_218, %dma_wait3A_219] : memref<100000x16xf32, #tpu.memory_space<hbm>> -> memref<100000x16xf32, #tpu.memory_space<hbm>>
      tpu.wait_indirect_dma semaphore(%arg11 : memref<!tpu.dma_semaphore, #tpu.memory_space<semaphore_mem>>) src(%dma_wait3A_220 : memref<100000x16xf32, #tpu.memory_space<hbm>>) dst(%dma_wait3A_210 : memref<128x16xf32, #tpu.memory_space<vmem>>)
      %dma_start3A_221 = arith.constant 2 : i32
      %dma_start3A_222 = arith.constant 2 : i32
      %dma_start3A_223 = arith.constant 0 : i32
      %dma_start3A_224 = arith.constant 0 : i32
      %dma_start3A_225 = tpu.memref_slice %arg10[%dma_start3A_221, %dma_start3A_223, %dma_start3A_224] : memref<8x128x16xf32, #tpu.memory_space<vmem>> -> memref<1x128x16xf32, #tpu.memory_space<vmem>>
      %dma_start3A_226 = tpu.memref_squeeze %dma_start3A_225 : memref<1x128x16xf32, #tpu.memory_space<vmem>> -> memref<128x16xf32, #tpu.memory_space<vmem>>
      %dma_start3A_227 = arith.constant 0 : i32
      %dma_start3A_228 = tpu.memref_slice %arg9[%dma_start3A_222, %dma_start3A_227] : memref<8x128xi32, #tpu.memory_space<vmem>> -> memref<1x128xi32, #tpu.memory_space<vmem>>
      %dma_start3A_229 = tpu.memref_squeeze %dma_start3A_228 : memref<1x128xi32, #tpu.memory_space<vmem>> -> memref<128xi32, #tpu.memory_space<vmem>>
      %dma_start3A_230 = arith.constant 0 : i32
      %dma_start3A_231 = arith.constant 0 : i32
      %dma_start3A_232 = tpu.memref_slice %arg7[%dma_start3A_230, %dma_start3A_231] : memref<100008x16xf32, #tpu.memory_space<vmem_shared>> -> memref<100008x16xf32, #tpu.memory_space<vmem_shared>>
      tpu.enqueue_indirect_dma source(%dma_start3A_226 : memref<128x16xf32, #tpu.memory_space<vmem>>) target(%dma_start3A_232 : memref<100008x16xf32, #tpu.memory_space<vmem_shared>>) offsets(%dma_start3A_229 : memref<128xi32, #tpu.memory_space<vmem>>) semaphore(%arg12 : memref<!tpu.dma_semaphore, #tpu.memory_space<semaphore_mem>>) {add = true}
      %dma_wait3A_233 = arith.constant 3 : i32
      %dma_wait3A_234 = arith.constant 3 : i32
      %dma_wait3A_235 = arith.constant 0 : i32
      %dma_wait3A_236 = arith.constant 0 : i32
      %dma_wait3A_237 = tpu.memref_slice %arg10[%dma_wait3A_234, %dma_wait3A_235, %dma_wait3A_236] : memref<8x128x16xf32, #tpu.memory_space<vmem>> -> memref<1x128x16xf32, #tpu.memory_space<vmem>>
      %dma_wait3A_238 = tpu.memref_squeeze %dma_wait3A_237 : memref<1x128x16xf32, #tpu.memory_space<vmem>> -> memref<128x16xf32, #tpu.memory_space<vmem>>
      %dma_wait3A_239 = arith.constant 0 : i32
      %dma_wait3A_240 = tpu.memref_slice %arg8[%dma_wait3A_233, %dma_wait3A_239] : memref<8x128xi32, #tpu.memory_space<vmem>> -> memref<1x128xi32, #tpu.memory_space<vmem>>
      %dma_wait3A_241 = tpu.memref_squeeze %dma_wait3A_240 : memref<1x128xi32, #tpu.memory_space<vmem>> -> memref<128xi32, #tpu.memory_space<vmem>>
      %dma_wait3A_242 = arith.constant 0 : i32
      %dma_wait3A_243 = arith.constant 0 : i32
      %dma_wait3A_244 = tpu.memref_slice %arg2[%arg0, %dma_wait3A_242, %dma_wait3A_243] : memref<2x100000x16xf32, #tpu.memory_space<hbm>> -> memref<1x100000x16xf32, #tpu.memory_space<hbm>>
      %dma_wait3A_245 = tpu.memref_squeeze %dma_wait3A_244 : memref<1x100000x16xf32, #tpu.memory_space<hbm>> -> memref<100000x16xf32, #tpu.memory_space<hbm>>
      %dma_wait3A_246 = arith.constant 0 : i32
      %dma_wait3A_247 = arith.constant 0 : i32
      %dma_wait3A_248 = tpu.memref_slice %dma_wait3A_245[%dma_wait3A_246, %dma_wait3A_247] : memref<100000x16xf32, #tpu.memory_space<hbm>> -> memref<100000x16xf32, #tpu.memory_space<hbm>>
      tpu.wait_indirect_dma semaphore(%arg11 : memref<!tpu.dma_semaphore, #tpu.memory_space<semaphore_mem>>) src(%dma_wait3A_248 : memref<100000x16xf32, #tpu.memory_space<hbm>>) dst(%dma_wait3A_238 : memref<128x16xf32, #tpu.memory_space<vmem>>)
      %dma_start3A_249 = arith.constant 3 : i32
      %dma_start3A_250 = arith.constant 3 : i32
      %dma_start3A_251 = arith.constant 0 : i32
      %dma_start3A_252 = arith.constant 0 : i32
      %dma_start3A_253 = tpu.memref_slice %arg10[%dma_start3A_249, %dma_start3A_251, %dma_start3A_252] : memref<8x128x16xf32, #tpu.memory_space<vmem>> -> memref<1x128x16xf32, #tpu.memory_space<vmem>>
      %dma_start3A_254 = tpu.memref_squeeze %dma_start3A_253 : memref<1x128x16xf32, #tpu.memory_space<vmem>> -> memref<128x16xf32, #tpu.memory_space<vmem>>
      %dma_start3A_255 = arith.constant 0 : i32
      %dma_start3A_256 = tpu.memref_slice %arg9[%dma_start3A_250, %dma_start3A_255] : memref<8x128xi32, #tpu.memory_space<vmem>> -> memref<1x128xi32, #tpu.memory_space<vmem>>
      %dma_start3A_257 = tpu.memref_squeeze %dma_start3A_256 : memref<1x128xi32, #tpu.memory_space<vmem>> -> memref<128xi32, #tpu.memory_space<vmem>>
      %dma_start3A_258 = arith.constant 0 : i32
      %dma_start3A_259 = arith.constant 0 : i32
      %dma_start3A_260 = tpu.memref_slice %arg7[%dma_start3A_258, %dma_start3A_259] : memref<100008x16xf32, #tpu.memory_space<vmem_shared>> -> memref<100008x16xf32, #tpu.memory_space<vmem_shared>>
      tpu.enqueue_indirect_dma source(%dma_start3A_254 : memref<128x16xf32, #tpu.memory_space<vmem>>) target(%dma_start3A_260 : memref<100008x16xf32, #tpu.memory_space<vmem_shared>>) offsets(%dma_start3A_257 : memref<128xi32, #tpu.memory_space<vmem>>) semaphore(%arg12 : memref<!tpu.dma_semaphore, #tpu.memory_space<semaphore_mem>>) {add = true}
      %dma_wait3A_261 = arith.constant 4 : i32
      %dma_wait3A_262 = arith.constant 4 : i32
      %dma_wait3A_263 = arith.constant 0 : i32
      %dma_wait3A_264 = arith.constant 0 : i32
      %dma_wait3A_265 = tpu.memref_slice %arg10[%dma_wait3A_262, %dma_wait3A_263, %dma_wait3A_264] : memref<8x128x16xf32, #tpu.memory_space<vmem>> -> memref<1x128x16xf32, #tpu.memory_space<vmem>>
      %dma_wait3A_266 = tpu.memref_squeeze %dma_wait3A_265 : memref<1x128x16xf32, #tpu.memory_space<vmem>> -> memref<128x16xf32, #tpu.memory_space<vmem>>
      %dma_wait3A_267 = arith.constant 0 : i32
      %dma_wait3A_268 = tpu.memref_slice %arg8[%dma_wait3A_261, %dma_wait3A_267] : memref<8x128xi32, #tpu.memory_space<vmem>> -> memref<1x128xi32, #tpu.memory_space<vmem>>
      %dma_wait3A_269 = tpu.memref_squeeze %dma_wait3A_268 : memref<1x128xi32, #tpu.memory_space<vmem>> -> memref<128xi32, #tpu.memory_space<vmem>>
      %dma_wait3A_270 = arith.constant 0 : i32
      %dma_wait3A_271 = arith.constant 0 : i32
      %dma_wait3A_272 = tpu.memref_slice %arg2[%arg0, %dma_wait3A_270, %dma_wait3A_271] : memref<2x100000x16xf32, #tpu.memory_space<hbm>> -> memref<1x100000x16xf32, #tpu.memory_space<hbm>>
      %dma_wait3A_273 = tpu.memref_squeeze %dma_wait3A_272 : memref<1x100000x16xf32, #tpu.memory_space<hbm>> -> memref<100000x16xf32, #tpu.memory_space<hbm>>
      %dma_wait3A_274 = arith.constant 0 : i32
      %dma_wait3A_275 = arith.constant 0 : i32
      %dma_wait3A_276 = tpu.memref_slice %dma_wait3A_273[%dma_wait3A_274, %dma_wait3A_275] : memref<100000x16xf32, #tpu.memory_space<hbm>> -> memref<100000x16xf32, #tpu.memory_space<hbm>>
      tpu.wait_indirect_dma semaphore(%arg11 : memref<!tpu.dma_semaphore, #tpu.memory_space<semaphore_mem>>) src(%dma_wait3A_276 : memref<100000x16xf32, #tpu.memory_space<hbm>>) dst(%dma_wait3A_266 : memref<128x16xf32, #tpu.memory_space<vmem>>)
      %dma_start3A_277 = arith.constant 4 : i32
      %dma_start3A_278 = arith.constant 4 : i32
      %dma_start3A_279 = arith.constant 0 : i32
      %dma_start3A_280 = arith.constant 0 : i32
      %dma_start3A_281 = tpu.memref_slice %arg10[%dma_start3A_277, %dma_start3A_279, %dma_start3A_280] : memref<8x128x16xf32, #tpu.memory_space<vmem>> -> memref<1x128x16xf32, #tpu.memory_space<vmem>>
      %dma_start3A_282 = tpu.memref_squeeze %dma_start3A_281 : memref<1x128x16xf32, #tpu.memory_space<vmem>> -> memref<128x16xf32, #tpu.memory_space<vmem>>
      %dma_start3A_283 = arith.constant 0 : i32
      %dma_start3A_284 = tpu.memref_slice %arg9[%dma_start3A_278, %dma_start3A_283] : memref<8x128xi32, #tpu.memory_space<vmem>> -> memref<1x128xi32, #tpu.memory_space<vmem>>
      %dma_start3A_285 = tpu.memref_squeeze %dma_start3A_284 : memref<1x128xi32, #tpu.memory_space<vmem>> -> memref<128xi32, #tpu.memory_space<vmem>>
      %dma_start3A_286 = arith.constant 0 : i32
      %dma_start3A_287 = arith.constant 0 : i32
      %dma_start3A_288 = tpu.memref_slice %arg7[%dma_start3A_286, %dma_start3A_287] : memref<100008x16xf32, #tpu.memory_space<vmem_shared>> -> memref<100008x16xf32, #tpu.memory_space<vmem_shared>>
      tpu.enqueue_indirect_dma source(%dma_start3A_282 : memref<128x16xf32, #tpu.memory_space<vmem>>) target(%dma_start3A_288 : memref<100008x16xf32, #tpu.memory_space<vmem_shared>>) offsets(%dma_start3A_285 : memref<128xi32, #tpu.memory_space<vmem>>) semaphore(%arg12 : memref<!tpu.dma_semaphore, #tpu.memory_space<semaphore_mem>>) {add = true}
      %dma_wait3A_289 = arith.constant 5 : i32
      %dma_wait3A_290 = arith.constant 5 : i32
      %dma_wait3A_291 = arith.constant 0 : i32
      %dma_wait3A_292 = arith.constant 0 : i32
      %dma_wait3A_293 = tpu.memref_slice %arg10[%dma_wait3A_290, %dma_wait3A_291, %dma_wait3A_292] : memref<8x128x16xf32, #tpu.memory_space<vmem>> -> memref<1x128x16xf32, #tpu.memory_space<vmem>>
      %dma_wait3A_294 = tpu.memref_squeeze %dma_wait3A_293 : memref<1x128x16xf32, #tpu.memory_space<vmem>> -> memref<128x16xf32, #tpu.memory_space<vmem>>
      %dma_wait3A_295 = arith.constant 0 : i32
      %dma_wait3A_296 = tpu.memref_slice %arg8[%dma_wait3A_289, %dma_wait3A_295] : memref<8x128xi32, #tpu.memory_space<vmem>> -> memref<1x128xi32, #tpu.memory_space<vmem>>
      %dma_wait3A_297 = tpu.memref_squeeze %dma_wait3A_296 : memref<1x128xi32, #tpu.memory_space<vmem>> -> memref<128xi32, #tpu.memory_space<vmem>>
      %dma_wait3A_298 = arith.constant 0 : i32
      %dma_wait3A_299 = arith.constant 0 : i32
      %dma_wait3A_300 = tpu.memref_slice %arg2[%arg0, %dma_wait3A_298, %dma_wait3A_299] : memref<2x100000x16xf32, #tpu.memory_space<hbm>> -> memref<1x100000x16xf32, #tpu.memory_space<hbm>>
      %dma_wait3A_301 = tpu.memref_squeeze %dma_wait3A_300 : memref<1x100000x16xf32, #tpu.memory_space<hbm>> -> memref<100000x16xf32, #tpu.memory_space<hbm>>
      %dma_wait3A_302 = arith.constant 0 : i32
      %dma_wait3A_303 = arith.constant 0 : i32
      %dma_wait3A_304 = tpu.memref_slice %dma_wait3A_301[%dma_wait3A_302, %dma_wait3A_303] : memref<100000x16xf32, #tpu.memory_space<hbm>> -> memref<100000x16xf32, #tpu.memory_space<hbm>>
      tpu.wait_indirect_dma semaphore(%arg11 : memref<!tpu.dma_semaphore, #tpu.memory_space<semaphore_mem>>) src(%dma_wait3A_304 : memref<100000x16xf32, #tpu.memory_space<hbm>>) dst(%dma_wait3A_294 : memref<128x16xf32, #tpu.memory_space<vmem>>)
      %dma_start3A_305 = arith.constant 5 : i32
      %dma_start3A_306 = arith.constant 5 : i32
      %dma_start3A_307 = arith.constant 0 : i32
      %dma_start3A_308 = arith.constant 0 : i32
      %dma_start3A_309 = tpu.memref_slice %arg10[%dma_start3A_305, %dma_start3A_307, %dma_start3A_308] : memref<8x128x16xf32, #tpu.memory_space<vmem>> -> memref<1x128x16xf32, #tpu.memory_space<vmem>>
      %dma_start3A_310 = tpu.memref_squeeze %dma_start3A_309 : memref<1x128x16xf32, #tpu.memory_space<vmem>> -> memref<128x16xf32, #tpu.memory_space<vmem>>
      %dma_start3A_311 = arith.constant 0 : i32
      %dma_start3A_312 = tpu.memref_slice %arg9[%dma_start3A_306, %dma_start3A_311] : memref<8x128xi32, #tpu.memory_space<vmem>> -> memref<1x128xi32, #tpu.memory_space<vmem>>
      %dma_start3A_313 = tpu.memref_squeeze %dma_start3A_312 : memref<1x128xi32, #tpu.memory_space<vmem>> -> memref<128xi32, #tpu.memory_space<vmem>>
      %dma_start3A_314 = arith.constant 0 : i32
      %dma_start3A_315 = arith.constant 0 : i32
      %dma_start3A_316 = tpu.memref_slice %arg7[%dma_start3A_314, %dma_start3A_315] : memref<100008x16xf32, #tpu.memory_space<vmem_shared>> -> memref<100008x16xf32, #tpu.memory_space<vmem_shared>>
      tpu.enqueue_indirect_dma source(%dma_start3A_310 : memref<128x16xf32, #tpu.memory_space<vmem>>) target(%dma_start3A_316 : memref<100008x16xf32, #tpu.memory_space<vmem_shared>>) offsets(%dma_start3A_313 : memref<128xi32, #tpu.memory_space<vmem>>) semaphore(%arg12 : memref<!tpu.dma_semaphore, #tpu.memory_space<semaphore_mem>>) {add = true}
      %dma_wait3A_317 = arith.constant 6 : i32
      %dma_wait3A_318 = arith.constant 6 : i32
      %dma_wait3A_319 = arith.constant 0 : i32
      %dma_wait3A_320 = arith.constant 0 : i32
      %dma_wait3A_321 = tpu.memref_slice %arg10[%dma_wait3A_318, %dma_wait3A_319, %dma_wait3A_320] : memref<8x128x16xf32, #tpu.memory_space<vmem>> -> memref<1x128x16xf32, #tpu.memory_space<vmem>>
      %dma_wait3A_322 = tpu.memref_squeeze %dma_wait3A_321 : memref<1x128x16xf32, #tpu.memory_space<vmem>> -> memref<128x16xf32, #tpu.memory_space<vmem>>
      %dma_wait3A_323 = arith.constant 0 : i32
      %dma_wait3A_324 = tpu.memref_slice %arg8[%dma_wait3A_317, %dma_wait3A_323] : memref<8x128xi32, #tpu.memory_space<vmem>> -> memref<1x128xi32, #tpu.memory_space<vmem>>
      %dma_wait3A_325 = tpu.memref_squeeze %dma_wait3A_324 : memref<1x128xi32, #tpu.memory_space<vmem>> -> memref<128xi32, #tpu.memory_space<vmem>>
      %dma_wait3A_326 = arith.constant 0 : i32
      %dma_wait3A_327 = arith.constant 0 : i32
      %dma_wait3A_328 = tpu.memref_slice %arg2[%arg0, %dma_wait3A_326, %dma_wait3A_327] : memref<2x100000x16xf32, #tpu.memory_space<hbm>> -> memref<1x100000x16xf32, #tpu.memory_space<hbm>>
      %dma_wait3A_329 = tpu.memref_squeeze %dma_wait3A_328 : memref<1x100000x16xf32, #tpu.memory_space<hbm>> -> memref<100000x16xf32, #tpu.memory_space<hbm>>
      %dma_wait3A_330 = arith.constant 0 : i32
      %dma_wait3A_331 = arith.constant 0 : i32
      %dma_wait3A_332 = tpu.memref_slice %dma_wait3A_329[%dma_wait3A_330, %dma_wait3A_331] : memref<100000x16xf32, #tpu.memory_space<hbm>> -> memref<100000x16xf32, #tpu.memory_space<hbm>>
      tpu.wait_indirect_dma semaphore(%arg11 : memref<!tpu.dma_semaphore, #tpu.memory_space<semaphore_mem>>) src(%dma_wait3A_332 : memref<100000x16xf32, #tpu.memory_space<hbm>>) dst(%dma_wait3A_322 : memref<128x16xf32, #tpu.memory_space<vmem>>)
      %dma_start3A_333 = arith.constant 6 : i32
      %dma_start3A_334 = arith.constant 6 : i32
      %dma_start3A_335 = arith.constant 0 : i32
      %dma_start3A_336 = arith.constant 0 : i32
      %dma_start3A_337 = tpu.memref_slice %arg10[%dma_start3A_333, %dma_start3A_335, %dma_start3A_336] : memref<8x128x16xf32, #tpu.memory_space<vmem>> -> memref<1x128x16xf32, #tpu.memory_space<vmem>>
      %dma_start3A_338 = tpu.memref_squeeze %dma_start3A_337 : memref<1x128x16xf32, #tpu.memory_space<vmem>> -> memref<128x16xf32, #tpu.memory_space<vmem>>
      %dma_start3A_339 = arith.constant 0 : i32
      %dma_start3A_340 = tpu.memref_slice %arg9[%dma_start3A_334, %dma_start3A_339] : memref<8x128xi32, #tpu.memory_space<vmem>> -> memref<1x128xi32, #tpu.memory_space<vmem>>
      %dma_start3A_341 = tpu.memref_squeeze %dma_start3A_340 : memref<1x128xi32, #tpu.memory_space<vmem>> -> memref<128xi32, #tpu.memory_space<vmem>>
      %dma_start3A_342 = arith.constant 0 : i32
      %dma_start3A_343 = arith.constant 0 : i32
      %dma_start3A_344 = tpu.memref_slice %arg7[%dma_start3A_342, %dma_start3A_343] : memref<100008x16xf32, #tpu.memory_space<vmem_shared>> -> memref<100008x16xf32, #tpu.memory_space<vmem_shared>>
      tpu.enqueue_indirect_dma source(%dma_start3A_338 : memref<128x16xf32, #tpu.memory_space<vmem>>) target(%dma_start3A_344 : memref<100008x16xf32, #tpu.memory_space<vmem_shared>>) offsets(%dma_start3A_341 : memref<128xi32, #tpu.memory_space<vmem>>) semaphore(%arg12 : memref<!tpu.dma_semaphore, #tpu.memory_space<semaphore_mem>>) {add = true}
      %dma_wait3A_345 = arith.constant 7 : i32
      %dma_wait3A_346 = arith.constant 7 : i32
      %dma_wait3A_347 = arith.constant 0 : i32
      %dma_wait3A_348 = arith.constant 0 : i32
      %dma_wait3A_349 = tpu.memref_slice %arg10[%dma_wait3A_346, %dma_wait3A_347, %dma_wait3A_348] : memref<8x128x16xf32, #tpu.memory_space<vmem>> -> memref<1x128x16xf32, #tpu.memory_space<vmem>>
      %dma_wait3A_350 = tpu.memref_squeeze %dma_wait3A_349 : memref<1x128x16xf32, #tpu.memory_space<vmem>> -> memref<128x16xf32, #tpu.memory_space<vmem>>
      %dma_wait3A_351 = arith.constant 0 : i32
      %dma_wait3A_352 = tpu.memref_slice %arg8[%dma_wait3A_345, %dma_wait3A_351] : memref<8x128xi32, #tpu.memory_space<vmem>> -> memref<1x128xi32, #tpu.memory_space<vmem>>
      %dma_wait3A_353 = tpu.memref_squeeze %dma_wait3A_352 : memref<1x128xi32, #tpu.memory_space<vmem>> -> memref<128xi32, #tpu.memory_space<vmem>>
      %dma_wait3A_354 = arith.constant 0 : i32
      %dma_wait3A_355 = arith.constant 0 : i32
      %dma_wait3A_356 = tpu.memref_slice %arg2[%arg0, %dma_wait3A_354, %dma_wait3A_355] : memref<2x100000x16xf32, #tpu.memory_space<hbm>> -> memref<1x100000x16xf32, #tpu.memory_space<hbm>>
      %dma_wait3A_357 = tpu.memref_squeeze %dma_wait3A_356 : memref<1x100000x16xf32, #tpu.memory_space<hbm>> -> memref<100000x16xf32, #tpu.memory_space<hbm>>
      %dma_wait3A_358 = arith.constant 0 : i32
      %dma_wait3A_359 = arith.constant 0 : i32
      %dma_wait3A_360 = tpu.memref_slice %dma_wait3A_357[%dma_wait3A_358, %dma_wait3A_359] : memref<100000x16xf32, #tpu.memory_space<hbm>> -> memref<100000x16xf32, #tpu.memory_space<hbm>>
      tpu.wait_indirect_dma semaphore(%arg11 : memref<!tpu.dma_semaphore, #tpu.memory_space<semaphore_mem>>) src(%dma_wait3A_360 : memref<100000x16xf32, #tpu.memory_space<hbm>>) dst(%dma_wait3A_350 : memref<128x16xf32, #tpu.memory_space<vmem>>)
      %dma_start3A_361 = arith.constant 7 : i32
      %dma_start3A_362 = arith.constant 7 : i32
      %dma_start3A_363 = arith.constant 0 : i32
      %dma_start3A_364 = arith.constant 0 : i32
      %dma_start3A_365 = tpu.memref_slice %arg10[%dma_start3A_361, %dma_start3A_363, %dma_start3A_364] : memref<8x128x16xf32, #tpu.memory_space<vmem>> -> memref<1x128x16xf32, #tpu.memory_space<vmem>>
      %dma_start3A_366 = tpu.memref_squeeze %dma_start3A_365 : memref<1x128x16xf32, #tpu.memory_space<vmem>> -> memref<128x16xf32, #tpu.memory_space<vmem>>
      %dma_start3A_367 = arith.constant 0 : i32
      %dma_start3A_368 = tpu.memref_slice %arg9[%dma_start3A_362, %dma_start3A_367] : memref<8x128xi32, #tpu.memory_space<vmem>> -> memref<1x128xi32, #tpu.memory_space<vmem>>
      %dma_start3A_369 = tpu.memref_squeeze %dma_start3A_368 : memref<1x128xi32, #tpu.memory_space<vmem>> -> memref<128xi32, #tpu.memory_space<vmem>>
      %dma_start3A_370 = arith.constant 0 : i32
      %dma_start3A_371 = arith.constant 0 : i32
      %dma_start3A_372 = tpu.memref_slice %arg7[%dma_start3A_370, %dma_start3A_371] : memref<100008x16xf32, #tpu.memory_space<vmem_shared>> -> memref<100008x16xf32, #tpu.memory_space<vmem_shared>>
      tpu.enqueue_indirect_dma source(%dma_start3A_366 : memref<128x16xf32, #tpu.memory_space<vmem>>) target(%dma_start3A_372 : memref<100008x16xf32, #tpu.memory_space<vmem_shared>>) offsets(%dma_start3A_369 : memref<128xi32, #tpu.memory_space<vmem>>) semaphore(%arg12 : memref<!tpu.dma_semaphore, #tpu.memory_space<semaphore_mem>>) {add = true}
      %dma_wait3A_373 = arith.constant 0 : i32
      %dma_wait3A_374 = arith.constant 0 : i32
      %dma_wait3A_375 = arith.constant 0 : i32
      %dma_wait3A_376 = arith.constant 0 : i32
      %dma_wait3A_377 = tpu.memref_slice %arg10[%dma_wait3A_373, %dma_wait3A_375, %dma_wait3A_376] : memref<8x128x16xf32, #tpu.memory_space<vmem>> -> memref<1x128x16xf32, #tpu.memory_space<vmem>>
      %dma_wait3A_378 = tpu.memref_squeeze %dma_wait3A_377 : memref<1x128x16xf32, #tpu.memory_space<vmem>> -> memref<128x16xf32, #tpu.memory_space<vmem>>
      %dma_wait3A_379 = arith.constant 0 : i32
      %dma_wait3A_380 = tpu.memref_slice %arg9[%dma_wait3A_374, %dma_wait3A_379] : memref<8x128xi32, #tpu.memory_space<vmem>> -> memref<1x128xi32, #tpu.memory_space<vmem>>
      %dma_wait3A_381 = tpu.memref_squeeze %dma_wait3A_380 : memref<1x128xi32, #tpu.memory_space<vmem>> -> memref<128xi32, #tpu.memory_space<vmem>>
      %dma_wait3A_382 = arith.constant 0 : i32
      %dma_wait3A_383 = arith.constant 0 : i32
      %dma_wait3A_384 = tpu.memref_slice %arg7[%dma_wait3A_382, %dma_wait3A_383] : memref<100008x16xf32, #tpu.memory_space<vmem_shared>> -> memref<100008x16xf32, #tpu.memory_space<vmem_shared>>
      tpu.wait_indirect_dma semaphore(%arg12 : memref<!tpu.dma_semaphore, #tpu.memory_space<semaphore_mem>>) src(%dma_wait3A_378 : memref<128x16xf32, #tpu.memory_space<vmem>>) dst(%dma_wait3A_384 : memref<100008x16xf32, #tpu.memory_space<vmem_shared>>)
      %dma_wait3A_385 = arith.constant 1 : i32
      %dma_wait3A_386 = arith.constant 1 : i32
      %dma_wait3A_387 = arith.constant 0 : i32
      %dma_wait3A_388 = arith.constant 0 : i32
      %dma_wait3A_389 = tpu.memref_slice %arg10[%dma_wait3A_385, %dma_wait3A_387, %dma_wait3A_388] : memref<8x128x16xf32, #tpu.memory_space<vmem>> -> memref<1x128x16xf32, #tpu.memory_space<vmem>>
      %dma_wait3A_390 = tpu.memref_squeeze %dma_wait3A_389 : memref<1x128x16xf32, #tpu.memory_space<vmem>> -> memref<128x16xf32, #tpu.memory_space<vmem>>
      %dma_wait3A_391 = arith.constant 0 : i32
      %dma_wait3A_392 = tpu.memref_slice %arg9[%dma_wait3A_386, %dma_wait3A_391] : memref<8x128xi32, #tpu.memory_space<vmem>> -> memref<1x128xi32, #tpu.memory_space<vmem>>
      %dma_wait3A_393 = tpu.memref_squeeze %dma_wait3A_392 : memref<1x128xi32, #tpu.memory_space<vmem>> -> memref<128xi32, #tpu.memory_space<vmem>>
      %dma_wait3A_394 = arith.constant 0 : i32
      %dma_wait3A_395 = arith.constant 0 : i32
      %dma_wait3A_396 = tpu.memref_slice %arg7[%dma_wait3A_394, %dma_wait3A_395] : memref<100008x16xf32, #tpu.memory_space<vmem_shared>> -> memref<100008x16xf32, #tpu.memory_space<vmem_shared>>
      tpu.wait_indirect_dma semaphore(%arg12 : memref<!tpu.dma_semaphore, #tpu.memory_space<semaphore_mem>>) src(%dma_wait3A_390 : memref<128x16xf32, #tpu.memory_space<vmem>>) dst(%dma_wait3A_396 : memref<100008x16xf32, #tpu.memory_space<vmem_shared>>)
      %dma_wait3A_397 = arith.constant 2 : i32
      %dma_wait3A_398 = arith.constant 2 : i32
      %dma_wait3A_399 = arith.constant 0 : i32
      %dma_wait3A_400 = arith.constant 0 : i32
      %dma_wait3A_401 = tpu.memref_slice %arg10[%dma_wait3A_397, %dma_wait3A_399, %dma_wait3A_400] : memref<8x128x16xf32, #tpu.memory_space<vmem>> -> memref<1x128x16xf32, #tpu.memory_space<vmem>>
      %dma_wait3A_402 = tpu.memref_squeeze %dma_wait3A_401 : memref<1x128x16xf32, #tpu.memory_space<vmem>> -> memref<128x16xf32, #tpu.memory_space<vmem>>
      %dma_wait3A_403 = arith.constant 0 : i32
      %dma_wait3A_404 = tpu.memref_slice %arg9[%dma_wait3A_398, %dma_wait3A_403] : memref<8x128xi32, #tpu.memory_space<vmem>> -> memref<1x128xi32, #tpu.memory_space<vmem>>
      %dma_wait3A_405 = tpu.memref_squeeze %dma_wait3A_404 : memref<1x128xi32, #tpu.memory_space<vmem>> -> memref<128xi32, #tpu.memory_space<vmem>>
      %dma_wait3A_406 = arith.constant 0 : i32
      %dma_wait3A_407 = arith.constant 0 : i32
      %dma_wait3A_408 = tpu.memref_slice %arg7[%dma_wait3A_406, %dma_wait3A_407] : memref<100008x16xf32, #tpu.memory_space<vmem_shared>> -> memref<100008x16xf32, #tpu.memory_space<vmem_shared>>
      tpu.wait_indirect_dma semaphore(%arg12 : memref<!tpu.dma_semaphore, #tpu.memory_space<semaphore_mem>>) src(%dma_wait3A_402 : memref<128x16xf32, #tpu.memory_space<vmem>>) dst(%dma_wait3A_408 : memref<100008x16xf32, #tpu.memory_space<vmem_shared>>)
      %dma_wait3A_409 = arith.constant 3 : i32
      %dma_wait3A_410 = arith.constant 3 : i32
      %dma_wait3A_411 = arith.constant 0 : i32
      %dma_wait3A_412 = arith.constant 0 : i32
      %dma_wait3A_413 = tpu.memref_slice %arg10[%dma_wait3A_409, %dma_wait3A_411, %dma_wait3A_412] : memref<8x128x16xf32, #tpu.memory_space<vmem>> -> memref<1x128x16xf32, #tpu.memory_space<vmem>>
      %dma_wait3A_414 = tpu.memref_squeeze %dma_wait3A_413 : memref<1x128x16xf32, #tpu.memory_space<vmem>> -> memref<128x16xf32, #tpu.memory_space<vmem>>
      %dma_wait3A_415 = arith.constant 0 : i32
      %dma_wait3A_416 = tpu.memref_slice %arg9[%dma_wait3A_410, %dma_wait3A_415] : memref<8x128xi32, #tpu.memory_space<vmem>> -> memref<1x128xi32, #tpu.memory_space<vmem>>
      %dma_wait3A_417 = tpu.memref_squeeze %dma_wait3A_416 : memref<1x128xi32, #tpu.memory_space<vmem>> -> memref<128xi32, #tpu.memory_space<vmem>>
      %dma_wait3A_418 = arith.constant 0 : i32
      %dma_wait3A_419 = arith.constant 0 : i32
      %dma_wait3A_420 = tpu.memref_slice %arg7[%dma_wait3A_418, %dma_wait3A_419] : memref<100008x16xf32, #tpu.memory_space<vmem_shared>> -> memref<100008x16xf32, #tpu.memory_space<vmem_shared>>
      tpu.wait_indirect_dma semaphore(%arg12 : memref<!tpu.dma_semaphore, #tpu.memory_space<semaphore_mem>>) src(%dma_wait3A_414 : memref<128x16xf32, #tpu.memory_space<vmem>>) dst(%dma_wait3A_420 : memref<100008x16xf32, #tpu.memory_space<vmem_shared>>)
      %dma_wait3A_421 = arith.constant 4 : i32
      %dma_wait3A_422 = arith.constant 4 : i32
      %dma_wait3A_423 = arith.constant 0 : i32
      %dma_wait3A_424 = arith.constant 0 : i32
      %dma_wait3A_425 = tpu.memref_slice %arg10[%dma_wait3A_421, %dma_wait3A_423, %dma_wait3A_424] : memref<8x128x16xf32, #tpu.memory_space<vmem>> -> memref<1x128x16xf32, #tpu.memory_space<vmem>>
      %dma_wait3A_426 = tpu.memref_squeeze %dma_wait3A_425 : memref<1x128x16xf32, #tpu.memory_space<vmem>> -> memref<128x16xf32, #tpu.memory_space<vmem>>
      %dma_wait3A_427 = arith.constant 0 : i32
      %dma_wait3A_428 = tpu.memref_slice %arg9[%dma_wait3A_422, %dma_wait3A_427] : memref<8x128xi32, #tpu.memory_space<vmem>> -> memref<1x128xi32, #tpu.memory_space<vmem>>
      %dma_wait3A_429 = tpu.memref_squeeze %dma_wait3A_428 : memref<1x128xi32, #tpu.memory_space<vmem>> -> memref<128xi32, #tpu.memory_space<vmem>>
      %dma_wait3A_430 = arith.constant 0 : i32
      %dma_wait3A_431 = arith.constant 0 : i32
      %dma_wait3A_432 = tpu.memref_slice %arg7[%dma_wait3A_430, %dma_wait3A_431] : memref<100008x16xf32, #tpu.memory_space<vmem_shared>> -> memref<100008x16xf32, #tpu.memory_space<vmem_shared>>
      tpu.wait_indirect_dma semaphore(%arg12 : memref<!tpu.dma_semaphore, #tpu.memory_space<semaphore_mem>>) src(%dma_wait3A_426 : memref<128x16xf32, #tpu.memory_space<vmem>>) dst(%dma_wait3A_432 : memref<100008x16xf32, #tpu.memory_space<vmem_shared>>)
      %dma_wait3A_433 = arith.constant 5 : i32
      %dma_wait3A_434 = arith.constant 5 : i32
      %dma_wait3A_435 = arith.constant 0 : i32
      %dma_wait3A_436 = arith.constant 0 : i32
      %dma_wait3A_437 = tpu.memref_slice %arg10[%dma_wait3A_433, %dma_wait3A_435, %dma_wait3A_436] : memref<8x128x16xf32, #tpu.memory_space<vmem>> -> memref<1x128x16xf32, #tpu.memory_space<vmem>>
      %dma_wait3A_438 = tpu.memref_squeeze %dma_wait3A_437 : memref<1x128x16xf32, #tpu.memory_space<vmem>> -> memref<128x16xf32, #tpu.memory_space<vmem>>
      %dma_wait3A_439 = arith.constant 0 : i32
      %dma_wait3A_440 = tpu.memref_slice %arg9[%dma_wait3A_434, %dma_wait3A_439] : memref<8x128xi32, #tpu.memory_space<vmem>> -> memref<1x128xi32, #tpu.memory_space<vmem>>
      %dma_wait3A_441 = tpu.memref_squeeze %dma_wait3A_440 : memref<1x128xi32, #tpu.memory_space<vmem>> -> memref<128xi32, #tpu.memory_space<vmem>>
      %dma_wait3A_442 = arith.constant 0 : i32
      %dma_wait3A_443 = arith.constant 0 : i32
      %dma_wait3A_444 = tpu.memref_slice %arg7[%dma_wait3A_442, %dma_wait3A_443] : memref<100008x16xf32, #tpu.memory_space<vmem_shared>> -> memref<100008x16xf32, #tpu.memory_space<vmem_shared>>
      tpu.wait_indirect_dma semaphore(%arg12 : memref<!tpu.dma_semaphore, #tpu.memory_space<semaphore_mem>>) src(%dma_wait3A_438 : memref<128x16xf32, #tpu.memory_space<vmem>>) dst(%dma_wait3A_444 : memref<100008x16xf32, #tpu.memory_space<vmem_shared>>)
      %dma_wait3A_445 = arith.constant 6 : i32
      %dma_wait3A_446 = arith.constant 6 : i32
      %dma_wait3A_447 = arith.constant 0 : i32
      %dma_wait3A_448 = arith.constant 0 : i32
      %dma_wait3A_449 = tpu.memref_slice %arg10[%dma_wait3A_445, %dma_wait3A_447, %dma_wait3A_448] : memref<8x128x16xf32, #tpu.memory_space<vmem>> -> memref<1x128x16xf32, #tpu.memory_space<vmem>>
      %dma_wait3A_450 = tpu.memref_squeeze %dma_wait3A_449 : memref<1x128x16xf32, #tpu.memory_space<vmem>> -> memref<128x16xf32, #tpu.memory_space<vmem>>
      %dma_wait3A_451 = arith.constant 0 : i32
      %dma_wait3A_452 = tpu.memref_slice %arg9[%dma_wait3A_446, %dma_wait3A_451] : memref<8x128xi32, #tpu.memory_space<vmem>> -> memref<1x128xi32, #tpu.memory_space<vmem>>
      %dma_wait3A_453 = tpu.memref_squeeze %dma_wait3A_452 : memref<1x128xi32, #tpu.memory_space<vmem>> -> memref<128xi32, #tpu.memory_space<vmem>>
      %dma_wait3A_454 = arith.constant 0 : i32
      %dma_wait3A_455 = arith.constant 0 : i32
      %dma_wait3A_456 = tpu.memref_slice %arg7[%dma_wait3A_454, %dma_wait3A_455] : memref<100008x16xf32, #tpu.memory_space<vmem_shared>> -> memref<100008x16xf32, #tpu.memory_space<vmem_shared>>
      tpu.wait_indirect_dma semaphore(%arg12 : memref<!tpu.dma_semaphore, #tpu.memory_space<semaphore_mem>>) src(%dma_wait3A_450 : memref<128x16xf32, #tpu.memory_space<vmem>>) dst(%dma_wait3A_456 : memref<100008x16xf32, #tpu.memory_space<vmem_shared>>)
      %dma_wait3A_457 = arith.constant 7 : i32
      %dma_wait3A_458 = arith.constant 7 : i32
      %dma_wait3A_459 = arith.constant 0 : i32
      %dma_wait3A_460 = arith.constant 0 : i32
      %dma_wait3A_461 = tpu.memref_slice %arg10[%dma_wait3A_457, %dma_wait3A_459, %dma_wait3A_460] : memref<8x128x16xf32, #tpu.memory_space<vmem>> -> memref<1x128x16xf32, #tpu.memory_space<vmem>>
      %dma_wait3A_462 = tpu.memref_squeeze %dma_wait3A_461 : memref<1x128x16xf32, #tpu.memory_space<vmem>> -> memref<128x16xf32, #tpu.memory_space<vmem>>
      %dma_wait3A_463 = arith.constant 0 : i32
      %dma_wait3A_464 = tpu.memref_slice %arg9[%dma_wait3A_458, %dma_wait3A_463] : memref<8x128xi32, #tpu.memory_space<vmem>> -> memref<1x128xi32, #tpu.memory_space<vmem>>
      %dma_wait3A_465 = tpu.memref_squeeze %dma_wait3A_464 : memref<1x128xi32, #tpu.memory_space<vmem>> -> memref<128xi32, #tpu.memory_space<vmem>>
      %dma_wait3A_466 = arith.constant 0 : i32
      %dma_wait3A_467 = arith.constant 0 : i32
      %dma_wait3A_468 = tpu.memref_slice %arg7[%dma_wait3A_466, %dma_wait3A_467] : memref<100008x16xf32, #tpu.memory_space<vmem_shared>> -> memref<100008x16xf32, #tpu.memory_space<vmem_shared>>
      tpu.wait_indirect_dma semaphore(%arg12 : memref<!tpu.dma_semaphore, #tpu.memory_space<semaphore_mem>>) src(%dma_wait3A_462 : memref<128x16xf32, #tpu.memory_space<vmem>>) dst(%dma_wait3A_468 : memref<100008x16xf32, #tpu.memory_space<vmem_shared>>)
    }
    %scan3A_9 = arith.constant 196 : i32
    %barrier3A_10 = arith.constant 0 : index
    tpu.barrier barrier_id(%barrier3A_10)
    %mul3A_11 = arith.constant 6248 : i32
    %mul3A_12 = arith.muli %arg1, %mul3A_11 : i32
    %mul3A_13 = arith.constant 6248 : i32
    %mul3A_14 = arith.muli %arg1, %mul3A_13 : i32
    "tpu.region"() ({
      %run_scoped3A = tpu.sem_alloc : memref<!tpu.dma_semaphore, #tpu.memory_space<semaphore_mem>>
      %dma_start3A = arith.constant 0 : i32
      %dma_start3A_20 = tpu.memref_slice %arg6[%arg0, %mul3A_14, %dma_start3A] : memref<2x100000x16xf32, #tpu.memory_space<hbm>> -> memref<1x6248x16xf32, #tpu.memory_space<hbm>>
      %dma_start3A_21 = tpu.memref_squeeze %dma_start3A_20 : memref<1x6248x16xf32, #tpu.memory_space<hbm>> -> memref<6248x16xf32, #tpu.memory_space<hbm>>
      %dma_start3A_22 = arith.constant 0 : i32
      %dma_start3A_23 = tpu.memref_slice %arg7[%mul3A_12, %dma_start3A_22] : memref<100008x16xf32, #tpu.memory_space<vmem_shared>> -> memref<6248x16xf32, #tpu.memory_space<vmem_shared>>
      tpu.enqueue_dma source(%dma_start3A_23 : memref<6248x16xf32, #tpu.memory_space<vmem_shared>>) target(%dma_start3A_21 : memref<6248x16xf32, #tpu.memory_space<hbm>>) target_semaphore(%run_scoped3A : memref<!tpu.dma_semaphore, #tpu.memory_space<semaphore_mem>>)
      %dma_wait3A = arith.constant 0 : i32
      %dma_wait3A_24 = tpu.memref_slice %arg6[%arg0, %mul3A_14, %dma_wait3A] : memref<2x100000x16xf32, #tpu.memory_space<hbm>> -> memref<1x6248x16xf32, #tpu.memory_space<hbm>>
      %dma_wait3A_25 = tpu.memref_squeeze %dma_wait3A_24 : memref<1x6248x16xf32, #tpu.memory_space<hbm>> -> memref<6248x16xf32, #tpu.memory_space<hbm>>
      %dma_wait3A_26 = arith.constant 0 : i32
      %dma_wait3A_27 = tpu.memref_slice %arg7[%mul3A_12, %dma_wait3A_26] : memref<100008x16xf32, #tpu.memory_space<vmem_shared>> -> memref<6248x16xf32, #tpu.memory_space<vmem_shared>>
      tpu.wait_dma2 semaphore(%run_scoped3A : memref<!tpu.dma_semaphore, #tpu.memory_space<semaphore_mem>>) src(%dma_wait3A_27 : memref<6248x16xf32, #tpu.memory_space<vmem_shared>>) dst(%dma_wait3A_25 : memref<6248x16xf32, #tpu.memory_space<hbm>>)
      tpu.yield
    }) : () -> ()
    %eq3A_15 = arith.constant 0 : i32
    %eq3A_16 = arith.cmpi eq, %arg1, %eq3A_15 : i32
    %convert_element_type3A_17 = arith.extui %eq3A_16 : i1 to i32
    %cond3A_18 = arith.constant 0 : i32
    %cond3A_19 = arith.cmpi ne, %convert_element_type3A_17, %cond3A_18 : i32
    scf.if %cond3A_19 {
      "tpu.region"() ({
        %run_scoped3A = tpu.sem_alloc : memref<!tpu.dma_semaphore, #tpu.memory_space<semaphore_mem>>
        %dma_start3A = arith.constant 99968 : i32
        %dma_start3A_20 = arith.constant 0 : i32
        %dma_start3A_21 = tpu.memref_slice %arg6[%arg0, %dma_start3A, %dma_start3A_20] : memref<2x100000x16xf32, #tpu.memory_space<hbm>> -> memref<1x32x16xf32, #tpu.memory_space<hbm>>
        %dma_start3A_22 = tpu.memref_squeeze %dma_start3A_21 : memref<1x32x16xf32, #tpu.memory_space<hbm>> -> memref<32x16xf32, #tpu.memory_space<hbm>>
        %dma_start3A_23 = arith.constant 99968 : i32
        %dma_start3A_24 = arith.constant 0 : i32
        %dma_start3A_25 = tpu.memref_slice %arg7[%dma_start3A_23, %dma_start3A_24] : memref<100008x16xf32, #tpu.memory_space<vmem_shared>> -> memref<32x16xf32, #tpu.memory_space<vmem_shared>>
        tpu.enqueue_dma source(%dma_start3A_25 : memref<32x16xf32, #tpu.memory_space<vmem_shared>>) target(%dma_start3A_22 : memref<32x16xf32, #tpu.memory_space<hbm>>) target_semaphore(%run_scoped3A : memref<!tpu.dma_semaphore, #tpu.memory_space<semaphore_mem>>)
        %dma_wait3A = arith.constant 99968 : i32
        %dma_wait3A_26 = arith.constant 0 : i32
        %dma_wait3A_27 = tpu.memref_slice %arg6[%arg0, %dma_wait3A, %dma_wait3A_26] : memref<2x100000x16xf32, #tpu.memory_space<hbm>> -> memref<1x32x16xf32, #tpu.memory_space<hbm>>
        %dma_wait3A_28 = tpu.memref_squeeze %dma_wait3A_27 : memref<1x32x16xf32, #tpu.memory_space<hbm>> -> memref<32x16xf32, #tpu.memory_space<hbm>>
        %dma_wait3A_29 = arith.constant 99968 : i32
        %dma_wait3A_30 = arith.constant 0 : i32
        %dma_wait3A_31 = tpu.memref_slice %arg7[%dma_wait3A_29, %dma_wait3A_30] : memref<100008x16xf32, #tpu.memory_space<vmem_shared>> -> memref<32x16xf32, #tpu.memory_space<vmem_shared>>
        tpu.wait_dma2 semaphore(%run_scoped3A : memref<!tpu.dma_semaphore, #tpu.memory_space<semaphore_mem>>) src(%dma_wait3A_31 : memref<32x16xf32, #tpu.memory_space<vmem_shared>>) dst(%dma_wait3A_28 : memref<32x16xf32, #tpu.memory_space<hbm>>)
        tpu.yield
      }) : () -> ()
    } else {
    }
    return
  }
}

#map = affine_map<(d0, d1) -> (0, 0, 0)>
#map1 = affine_map<(d0, d1) -> (0, 0)>
module attributes {stable_mosaic.version = 14 : i64} {
  func.func @_segsum(%arg0: i32, %arg1: i32, %arg2: memref<2x100000x16xf32, #tpu.memory_space<hbm>>, %arg3: memref<25088x128xi32, #tpu.memory_space<hbm>>, %arg4: memref<25088x128xi32, #tpu.memory_space<hbm>>, %arg5: memref<6248x16xf32, #tpu.memory_space<hbm>>, %arg6: memref<2x100000x16xf32, #tpu.memory_space<hbm>>, %arg7: memref<100008x16xf32, #tpu.memory_space<vmem_shared>>, %arg8: memref<8x128xi32, #tpu.memory_space<vmem>>, %arg9: memref<8x128xi32, #tpu.memory_space<vmem>>, %arg10: memref<8x128x16xf32, #tpu.memory_space<vmem>>, %arg11: memref<!tpu.dma_semaphore, #tpu.memory_space<semaphore_mem>>, %arg12: memref<!tpu.dma_semaphore, #tpu.memory_space<semaphore_mem>>) attributes {dimension_semantics = [#tpu.dimension_semantics<core_parallel>, #tpu.dimension_semantics<subcore_parallel>], iteration_bounds = array<i64: 2, 16>, scalar_prefetch = 0 : i64, scratch_operands = 6 : i64, tpu.core_type = #tpu.core_type<sc_vector_subcore>, window_params = [{transform_indices = #map}, {transform_indices = #map1}, {transform_indices = #map1}, {transform_indices = #map1}, {transform_indices = #map}]} {
    %mul3A = arith.constant 1568 : i32
    %mul3A_0 = arith.muli %arg1, %mul3A : i32
    %mul3A_1 = arith.constant 6248 : i32
    %mul3A_2 = arith.muli %arg1, %mul3A_1 : i32
    "tpu.region"() ({
      %run_scoped3A = tpu.sem_alloc : memref<!tpu.dma_semaphore, #tpu.memory_space<semaphore_mem>>
      %dma_start3A = arith.constant 0 : i32
      %dma_start3A_20 = tpu.memref_slice %arg7[%mul3A_2, %dma_start3A] : memref<100008x16xf32, #tpu.memory_space<vmem_shared>> -> memref<6248x16xf32, #tpu.memory_space<vmem_shared>>
      tpu.enqueue_dma source(%arg5 : memref<6248x16xf32, #tpu.memory_space<hbm>>) target(%dma_start3A_20 : memref<6248x16xf32, #tpu.memory_space<vmem_shared>>) target_semaphore(%run_scoped3A : memref<!tpu.dma_semaphore, #tpu.memory_space<semaphore_mem>>)
      %dma_wait3A = arith.constant 0 : i32
      %dma_wait3A_21 = tpu.memref_slice %arg7[%mul3A_2, %dma_wait3A] : memref<100008x16xf32, #tpu.memory_space<vmem_shared>> -> memref<6248x16xf32, #tpu.memory_space<vmem_shared>>
      tpu.wait_dma2 semaphore(%run_scoped3A : memref<!tpu.dma_semaphore, #tpu.memory_space<semaphore_mem>>) src(%arg5 : memref<6248x16xf32, #tpu.memory_space<hbm>>) dst(%dma_wait3A_21 : memref<6248x16xf32, #tpu.memory_space<vmem_shared>>)
      tpu.yield
    }) : () -> ()
    %eq3A = arith.constant 0 : i32
    %eq3A_3 = arith.cmpi eq, %arg1, %eq3A : i32
    %convert_element_type3A = arith.extui %eq3A_3 : i1 to i32
    %cond3A = arith.constant 0 : i32
    %cond3A_4 = arith.cmpi ne, %convert_element_type3A, %cond3A : i32
    scf.if %cond3A_4 {
      "tpu.region"() ({
        %run_scoped3A = tpu.sem_alloc : memref<!tpu.dma_semaphore, #tpu.memory_space<semaphore_mem>>
        %dma_start3A = arith.constant 99968 : i32
        %dma_start3A_20 = arith.constant 0 : i32
        %dma_start3A_21 = tpu.memref_slice %arg7[%dma_start3A, %dma_start3A_20] : memref<100008x16xf32, #tpu.memory_space<vmem_shared>> -> memref<40x16xf32, #tpu.memory_space<vmem_shared>>
        %dma_start3A_22 = arith.constant 0 : i32
        %dma_start3A_23 = arith.constant 0 : i32
        %dma_start3A_24 = tpu.memref_slice %arg5[%dma_start3A_22, %dma_start3A_23] : memref<6248x16xf32, #tpu.memory_space<hbm>> -> memref<40x16xf32, #tpu.memory_space<hbm>>
        tpu.enqueue_dma source(%dma_start3A_24 : memref<40x16xf32, #tpu.memory_space<hbm>>) target(%dma_start3A_21 : memref<40x16xf32, #tpu.memory_space<vmem_shared>>) target_semaphore(%run_scoped3A : memref<!tpu.dma_semaphore, #tpu.memory_space<semaphore_mem>>)
        %dma_wait3A = arith.constant 99968 : i32
        %dma_wait3A_25 = arith.constant 0 : i32
        %dma_wait3A_26 = tpu.memref_slice %arg7[%dma_wait3A, %dma_wait3A_25] : memref<100008x16xf32, #tpu.memory_space<vmem_shared>> -> memref<40x16xf32, #tpu.memory_space<vmem_shared>>
        %dma_wait3A_27 = arith.constant 0 : i32
        %dma_wait3A_28 = arith.constant 0 : i32
        %dma_wait3A_29 = tpu.memref_slice %arg5[%dma_wait3A_27, %dma_wait3A_28] : memref<6248x16xf32, #tpu.memory_space<hbm>> -> memref<40x16xf32, #tpu.memory_space<hbm>>
        tpu.wait_dma2 semaphore(%run_scoped3A : memref<!tpu.dma_semaphore, #tpu.memory_space<semaphore_mem>>) src(%dma_wait3A_29 : memref<40x16xf32, #tpu.memory_space<hbm>>) dst(%dma_wait3A_26 : memref<40x16xf32, #tpu.memory_space<vmem_shared>>)
        tpu.yield
      }) : () -> ()
    } else {
    }
    %barrier3A = arith.constant 0 : index
    tpu.barrier barrier_id(%barrier3A)
    %scan3A = arith.constant 0 : i32
    %scan3A_5 = arith.constant 0 : i32
    %scan3A_6 = arith.constant 196 : i32
    %scan3A_7 = arith.addi %scan3A_5, %scan3A_6 : i32
    %scan3A_8 = arith.constant 1 : i32
    scf.for %scan3A_20 = %scan3A_5 to %scan3A_7 step %scan3A_8  : i32 {
      %mul3A_21 = arith.constant 8 : i32
      %mul3A_22 = arith.muli %scan3A_20, %mul3A_21 : i32
      %add3A = arith.addi %mul3A_0, %mul3A_22 : i32
      "tpu.region"() ({
        %run_scoped3A = tpu.sem_alloc : memref<!tpu.dma_semaphore, #tpu.memory_space<semaphore_mem>>
        %dma_start3A_469 = arith.constant 0 : i32
        %dma_start3A_470 = tpu.memref_slice %arg3[%add3A, %dma_start3A_469] : memref<25088x128xi32, #tpu.memory_space<hbm>> -> memref<8x128xi32, #tpu.memory_space<hbm>>
        %dma_start3A_471 = arith.constant 0 : i32
        %dma_start3A_472 = tpu.memref_slice %arg3[%add3A, %dma_start3A_471] : memref<25088x128xi32, #tpu.memory_space<hbm>> -> memref<8x128xi32, #tpu.memory_space<hbm>>
        tpu.enqueue_dma source(%dma_start3A_472 : memref<8x128xi32, #tpu.memory_space<hbm>>) target(%arg8 : memref<8x128xi32, #tpu.memory_space<vmem>>) target_semaphore(%run_scoped3A : memref<!tpu.dma_semaphore, #tpu.memory_space<semaphore_mem>>)
        %dma_wait3A_473 = arith.constant 0 : i32
        %dma_wait3A_474 = tpu.memref_slice %arg3[%add3A, %dma_wait3A_473] : memref<25088x128xi32, #tpu.memory_space<hbm>> -> memref<8x128xi32, #tpu.memory_space<hbm>>
        %dma_wait3A_475 = arith.constant 0 : i32
        %dma_wait3A_476 = tpu.memref_slice %arg3[%add3A, %dma_wait3A_475] : memref<25088x128xi32, #tpu.memory_space<hbm>> -> memref<8x128xi32, #tpu.memory_space<hbm>>
        tpu.wait_dma2 semaphore(%run_scoped3A : memref<!tpu.dma_semaphore, #tpu.memory_space<semaphore_mem>>) src(%dma_wait3A_476 : memref<8x128xi32, #tpu.memory_space<hbm>>) dst(%arg8 : memref<8x128xi32, #tpu.memory_space<vmem>>)
        tpu.yield
      }) : () -> ()
      "tpu.region"() ({
        %run_scoped3A = tpu.sem_alloc : memref<!tpu.dma_semaphore, #tpu.memory_space<semaphore_mem>>
        %dma_start3A_469 = arith.constant 0 : i32
        %dma_start3A_470 = tpu.memref_slice %arg4[%add3A, %dma_start3A_469] : memref<25088x128xi32, #tpu.memory_space<hbm>> -> memref<8x128xi32, #tpu.memory_space<hbm>>
        %dma_start3A_471 = arith.constant 0 : i32
        %dma_start3A_472 = tpu.memref_slice %arg4[%add3A, %dma_start3A_471] : memref<25088x128xi32, #tpu.memory_space<hbm>> -> memref<8x128xi32, #tpu.memory_space<hbm>>
        tpu.enqueue_dma source(%dma_start3A_472 : memref<8x128xi32, #tpu.memory_space<hbm>>) target(%arg9 : memref<8x128xi32, #tpu.memory_space<vmem>>) target_semaphore(%run_scoped3A : memref<!tpu.dma_semaphore, #tpu.memory_space<semaphore_mem>>)
        %dma_wait3A_473 = arith.constant 0 : i32
        %dma_wait3A_474 = tpu.memref_slice %arg4[%add3A, %dma_wait3A_473] : memref<25088x128xi32, #tpu.memory_space<hbm>> -> memref<8x128xi32, #tpu.memory_space<hbm>>
        %dma_wait3A_475 = arith.constant 0 : i32
        %dma_wait3A_476 = tpu.memref_slice %arg4[%add3A, %dma_wait3A_475] : memref<25088x128xi32, #tpu.memory_space<hbm>> -> memref<8x128xi32, #tpu.memory_space<hbm>>
        tpu.wait_dma2 semaphore(%run_scoped3A : memref<!tpu.dma_semaphore, #tpu.memory_space<semaphore_mem>>) src(%dma_wait3A_476 : memref<8x128xi32, #tpu.memory_space<hbm>>) dst(%arg9 : memref<8x128xi32, #tpu.memory_space<vmem>>)
        tpu.yield
      }) : () -> ()
      %dma_start3A = arith.constant 0 : i32
      %dma_start3A_23 = arith.constant 0 : i32
      %dma_start3A_24 = arith.constant 0 : i32
      %dma_start3A_25 = arith.constant 0 : i32
      %dma_start3A_26 = tpu.memref_slice %arg10[%dma_start3A_23, %dma_start3A_24, %dma_start3A_25] : memref<8x128x16xf32, #tpu.memory_space<vmem>> -> memref<1x128x16xf32, #tpu.memory_space<vmem>>
      %dma_start3A_27 = tpu.memref_squeeze %dma_start3A_26 : memref<1x128x16xf32, #tpu.memory_space<vmem>> -> memref<128x16xf32, #tpu.memory_space<vmem>>
      %dma_start3A_28 = arith.constant 0 : i32
      %dma_start3A_29 = tpu.memref_slice %arg8[%dma_start3A, %dma_start3A_28] : memref<8x128xi32, #tpu.memory_space<vmem>> -> memref<1x128xi32, #tpu.memory_space<vmem>>
      %dma_start3A_30 = tpu.memref_squeeze %dma_start3A_29 : memref<1x128xi32, #tpu.memory_space<vmem>> -> memref<128xi32, #tpu.memory_space<vmem>>
      %dma_start3A_31 = arith.constant 0 : i32
      %dma_start3A_32 = arith.constant 0 : i32
      %dma_start3A_33 = tpu.memref_slice %arg2[%arg0, %dma_start3A_31, %dma_start3A_32] : memref<2x100000x16xf32, #tpu.memory_space<hbm>> -> memref<1x100000x16xf32, #tpu.memory_space<hbm>>
      %dma_start3A_34 = tpu.memref_squeeze %dma_start3A_33 : memref<1x100000x16xf32, #tpu.memory_space<hbm>> -> memref<100000x16xf32, #tpu.memory_space<hbm>>
      %dma_start3A_35 = arith.constant 0 : i32
      %dma_start3A_36 = arith.constant 0 : i32
      %dma_start3A_37 = tpu.memref_slice %dma_start3A_34[%dma_start3A_35, %dma_start3A_36] : memref<100000x16xf32, #tpu.memory_space<hbm>> -> memref<100000x16xf32, #tpu.memory_space<hbm>>
      tpu.enqueue_indirect_dma source(%dma_start3A_37 : memref<100000x16xf32, #tpu.memory_space<hbm>>) target(%dma_start3A_27 : memref<128x16xf32, #tpu.memory_space<vmem>>) offsets(%dma_start3A_30 : memref<128xi32, #tpu.memory_space<vmem>>) semaphore(%arg11 : memref<!tpu.dma_semaphore, #tpu.memory_space<semaphore_mem>>)
      %dma_start3A_38 = arith.constant 1 : i32
      %dma_start3A_39 = arith.constant 1 : i32
      %dma_start3A_40 = arith.constant 0 : i32
      %dma_start3A_41 = arith.constant 0 : i32
      %dma_start3A_42 = tpu.memref_slice %arg10[%dma_start3A_39, %dma_start3A_40, %dma_start3A_41] : memref<8x128x16xf32, #tpu.memory_space<vmem>> -> memref<1x128x16xf32, #tpu.memory_space<vmem>>
      %dma_start3A_43 = tpu.memref_squeeze %dma_start3A_42 : memref<1x128x16xf32, #tpu.memory_space<vmem>> -> memref<128x16xf32, #tpu.memory_space<vmem>>
      %dma_start3A_44 = arith.constant 0 : i32
      %dma_start3A_45 = tpu.memref_slice %arg8[%dma_start3A_38, %dma_start3A_44] : memref<8x128xi32, #tpu.memory_space<vmem>> -> memref<1x128xi32, #tpu.memory_space<vmem>>
      %dma_start3A_46 = tpu.memref_squeeze %dma_start3A_45 : memref<1x128xi32, #tpu.memory_space<vmem>> -> memref<128xi32, #tpu.memory_space<vmem>>
      %dma_start3A_47 = arith.constant 0 : i32
      %dma_start3A_48 = arith.constant 0 : i32
      %dma_start3A_49 = tpu.memref_slice %arg2[%arg0, %dma_start3A_47, %dma_start3A_48] : memref<2x100000x16xf32, #tpu.memory_space<hbm>> -> memref<1x100000x16xf32, #tpu.memory_space<hbm>>
      %dma_start3A_50 = tpu.memref_squeeze %dma_start3A_49 : memref<1x100000x16xf32, #tpu.memory_space<hbm>> -> memref<100000x16xf32, #tpu.memory_space<hbm>>
      %dma_start3A_51 = arith.constant 0 : i32
      %dma_start3A_52 = arith.constant 0 : i32
      %dma_start3A_53 = tpu.memref_slice %dma_start3A_50[%dma_start3A_51, %dma_start3A_52] : memref<100000x16xf32, #tpu.memory_space<hbm>> -> memref<100000x16xf32, #tpu.memory_space<hbm>>
      tpu.enqueue_indirect_dma source(%dma_start3A_53 : memref<100000x16xf32, #tpu.memory_space<hbm>>) target(%dma_start3A_43 : memref<128x16xf32, #tpu.memory_space<vmem>>) offsets(%dma_start3A_46 : memref<128xi32, #tpu.memory_space<vmem>>) semaphore(%arg11 : memref<!tpu.dma_semaphore, #tpu.memory_space<semaphore_mem>>)
      %dma_start3A_54 = arith.constant 2 : i32
      %dma_start3A_55 = arith.constant 2 : i32
      %dma_start3A_56 = arith.constant 0 : i32
      %dma_start3A_57 = arith.constant 0 : i32
      %dma_start3A_58 = tpu.memref_slice %arg10[%dma_start3A_55, %dma_start3A_56, %dma_start3A_57] : memref<8x128x16xf32, #tpu.memory_space<vmem>> -> memref<1x128x16xf32, #tpu.memory_space<vmem>>
      %dma_start3A_59 = tpu.memref_squeeze %dma_start3A_58 : memref<1x128x16xf32, #tpu.memory_space<vmem>> -> memref<128x16xf32, #tpu.memory_space<vmem>>
      %dma_start3A_60 = arith.constant 0 : i32
      %dma_start3A_61 = tpu.memref_slice %arg8[%dma_start3A_54, %dma_start3A_60] : memref<8x128xi32, #tpu.memory_space<vmem>> -> memref<1x128xi32, #tpu.memory_space<vmem>>
      %dma_start3A_62 = tpu.memref_squeeze %dma_start3A_61 : memref<1x128xi32, #tpu.memory_space<vmem>> -> memref<128xi32, #tpu.memory_space<vmem>>
      %dma_start3A_63 = arith.constant 0 : i32
      %dma_start3A_64 = arith.constant 0 : i32
      %dma_start3A_65 = tpu.memref_slice %arg2[%arg0, %dma_start3A_63, %dma_start3A_64] : memref<2x100000x16xf32, #tpu.memory_space<hbm>> -> memref<1x100000x16xf32, #tpu.memory_space<hbm>>
      %dma_start3A_66 = tpu.memref_squeeze %dma_start3A_65 : memref<1x100000x16xf32, #tpu.memory_space<hbm>> -> memref<100000x16xf32, #tpu.memory_space<hbm>>
      %dma_start3A_67 = arith.constant 0 : i32
      %dma_start3A_68 = arith.constant 0 : i32
      %dma_start3A_69 = tpu.memref_slice %dma_start3A_66[%dma_start3A_67, %dma_start3A_68] : memref<100000x16xf32, #tpu.memory_space<hbm>> -> memref<100000x16xf32, #tpu.memory_space<hbm>>
      tpu.enqueue_indirect_dma source(%dma_start3A_69 : memref<100000x16xf32, #tpu.memory_space<hbm>>) target(%dma_start3A_59 : memref<128x16xf32, #tpu.memory_space<vmem>>) offsets(%dma_start3A_62 : memref<128xi32, #tpu.memory_space<vmem>>) semaphore(%arg11 : memref<!tpu.dma_semaphore, #tpu.memory_space<semaphore_mem>>)
      %dma_start3A_70 = arith.constant 3 : i32
      %dma_start3A_71 = arith.constant 3 : i32
      %dma_start3A_72 = arith.constant 0 : i32
      %dma_start3A_73 = arith.constant 0 : i32
      %dma_start3A_74 = tpu.memref_slice %arg10[%dma_start3A_71, %dma_start3A_72, %dma_start3A_73] : memref<8x128x16xf32, #tpu.memory_space<vmem>> -> memref<1x128x16xf32, #tpu.memory_space<vmem>>
      %dma_start3A_75 = tpu.memref_squeeze %dma_start3A_74 : memref<1x128x16xf32, #tpu.memory_space<vmem>> -> memref<128x16xf32, #tpu.memory_space<vmem>>
      %dma_start3A_76 = arith.constant 0 : i32
      %dma_start3A_77 = tpu.memref_slice %arg8[%dma_start3A_70, %dma_start3A_76] : memref<8x128xi32, #tpu.memory_space<vmem>> -> memref<1x128xi32, #tpu.memory_space<vmem>>
      %dma_start3A_78 = tpu.memref_squeeze %dma_start3A_77 : memref<1x128xi32, #tpu.memory_space<vmem>> -> memref<128xi32, #tpu.memory_space<vmem>>
      %dma_start3A_79 = arith.constant 0 : i32
      %dma_start3A_80 = arith.constant 0 : i32
      %dma_start3A_81 = tpu.memref_slice %arg2[%arg0, %dma_start3A_79, %dma_start3A_80] : memref<2x100000x16xf32, #tpu.memory_space<hbm>> -> memref<1x100000x16xf32, #tpu.memory_space<hbm>>
      %dma_start3A_82 = tpu.memref_squeeze %dma_start3A_81 : memref<1x100000x16xf32, #tpu.memory_space<hbm>> -> memref<100000x16xf32, #tpu.memory_space<hbm>>
      %dma_start3A_83 = arith.constant 0 : i32
      %dma_start3A_84 = arith.constant 0 : i32
      %dma_start3A_85 = tpu.memref_slice %dma_start3A_82[%dma_start3A_83, %dma_start3A_84] : memref<100000x16xf32, #tpu.memory_space<hbm>> -> memref<100000x16xf32, #tpu.memory_space<hbm>>
      tpu.enqueue_indirect_dma source(%dma_start3A_85 : memref<100000x16xf32, #tpu.memory_space<hbm>>) target(%dma_start3A_75 : memref<128x16xf32, #tpu.memory_space<vmem>>) offsets(%dma_start3A_78 : memref<128xi32, #tpu.memory_space<vmem>>) semaphore(%arg11 : memref<!tpu.dma_semaphore, #tpu.memory_space<semaphore_mem>>)
      %dma_start3A_86 = arith.constant 4 : i32
      %dma_start3A_87 = arith.constant 4 : i32
      %dma_start3A_88 = arith.constant 0 : i32
      %dma_start3A_89 = arith.constant 0 : i32
      %dma_start3A_90 = tpu.memref_slice %arg10[%dma_start3A_87, %dma_start3A_88, %dma_start3A_89] : memref<8x128x16xf32, #tpu.memory_space<vmem>> -> memref<1x128x16xf32, #tpu.memory_space<vmem>>
      %dma_start3A_91 = tpu.memref_squeeze %dma_start3A_90 : memref<1x128x16xf32, #tpu.memory_space<vmem>> -> memref<128x16xf32, #tpu.memory_space<vmem>>
      %dma_start3A_92 = arith.constant 0 : i32
      %dma_start3A_93 = tpu.memref_slice %arg8[%dma_start3A_86, %dma_start3A_92] : memref<8x128xi32, #tpu.memory_space<vmem>> -> memref<1x128xi32, #tpu.memory_space<vmem>>
      %dma_start3A_94 = tpu.memref_squeeze %dma_start3A_93 : memref<1x128xi32, #tpu.memory_space<vmem>> -> memref<128xi32, #tpu.memory_space<vmem>>
      %dma_start3A_95 = arith.constant 0 : i32
      %dma_start3A_96 = arith.constant 0 : i32
      %dma_start3A_97 = tpu.memref_slice %arg2[%arg0, %dma_start3A_95, %dma_start3A_96] : memref<2x100000x16xf32, #tpu.memory_space<hbm>> -> memref<1x100000x16xf32, #tpu.memory_space<hbm>>
      %dma_start3A_98 = tpu.memref_squeeze %dma_start3A_97 : memref<1x100000x16xf32, #tpu.memory_space<hbm>> -> memref<100000x16xf32, #tpu.memory_space<hbm>>
      %dma_start3A_99 = arith.constant 0 : i32
      %dma_start3A_100 = arith.constant 0 : i32
      %dma_start3A_101 = tpu.memref_slice %dma_start3A_98[%dma_start3A_99, %dma_start3A_100] : memref<100000x16xf32, #tpu.memory_space<hbm>> -> memref<100000x16xf32, #tpu.memory_space<hbm>>
      tpu.enqueue_indirect_dma source(%dma_start3A_101 : memref<100000x16xf32, #tpu.memory_space<hbm>>) target(%dma_start3A_91 : memref<128x16xf32, #tpu.memory_space<vmem>>) offsets(%dma_start3A_94 : memref<128xi32, #tpu.memory_space<vmem>>) semaphore(%arg11 : memref<!tpu.dma_semaphore, #tpu.memory_space<semaphore_mem>>)
      %dma_start3A_102 = arith.constant 5 : i32
      %dma_start3A_103 = arith.constant 5 : i32
      %dma_start3A_104 = arith.constant 0 : i32
      %dma_start3A_105 = arith.constant 0 : i32
      %dma_start3A_106 = tpu.memref_slice %arg10[%dma_start3A_103, %dma_start3A_104, %dma_start3A_105] : memref<8x128x16xf32, #tpu.memory_space<vmem>> -> memref<1x128x16xf32, #tpu.memory_space<vmem>>
      %dma_start3A_107 = tpu.memref_squeeze %dma_start3A_106 : memref<1x128x16xf32, #tpu.memory_space<vmem>> -> memref<128x16xf32, #tpu.memory_space<vmem>>
      %dma_start3A_108 = arith.constant 0 : i32
      %dma_start3A_109 = tpu.memref_slice %arg8[%dma_start3A_102, %dma_start3A_108] : memref<8x128xi32, #tpu.memory_space<vmem>> -> memref<1x128xi32, #tpu.memory_space<vmem>>
      %dma_start3A_110 = tpu.memref_squeeze %dma_start3A_109 : memref<1x128xi32, #tpu.memory_space<vmem>> -> memref<128xi32, #tpu.memory_space<vmem>>
      %dma_start3A_111 = arith.constant 0 : i32
      %dma_start3A_112 = arith.constant 0 : i32
      %dma_start3A_113 = tpu.memref_slice %arg2[%arg0, %dma_start3A_111, %dma_start3A_112] : memref<2x100000x16xf32, #tpu.memory_space<hbm>> -> memref<1x100000x16xf32, #tpu.memory_space<hbm>>
      %dma_start3A_114 = tpu.memref_squeeze %dma_start3A_113 : memref<1x100000x16xf32, #tpu.memory_space<hbm>> -> memref<100000x16xf32, #tpu.memory_space<hbm>>
      %dma_start3A_115 = arith.constant 0 : i32
      %dma_start3A_116 = arith.constant 0 : i32
      %dma_start3A_117 = tpu.memref_slice %dma_start3A_114[%dma_start3A_115, %dma_start3A_116] : memref<100000x16xf32, #tpu.memory_space<hbm>> -> memref<100000x16xf32, #tpu.memory_space<hbm>>
      tpu.enqueue_indirect_dma source(%dma_start3A_117 : memref<100000x16xf32, #tpu.memory_space<hbm>>) target(%dma_start3A_107 : memref<128x16xf32, #tpu.memory_space<vmem>>) offsets(%dma_start3A_110 : memref<128xi32, #tpu.memory_space<vmem>>) semaphore(%arg11 : memref<!tpu.dma_semaphore, #tpu.memory_space<semaphore_mem>>)
      %dma_start3A_118 = arith.constant 6 : i32
      %dma_start3A_119 = arith.constant 6 : i32
      %dma_start3A_120 = arith.constant 0 : i32
      %dma_start3A_121 = arith.constant 0 : i32
      %dma_start3A_122 = tpu.memref_slice %arg10[%dma_start3A_119, %dma_start3A_120, %dma_start3A_121] : memref<8x128x16xf32, #tpu.memory_space<vmem>> -> memref<1x128x16xf32, #tpu.memory_space<vmem>>
      %dma_start3A_123 = tpu.memref_squeeze %dma_start3A_122 : memref<1x128x16xf32, #tpu.memory_space<vmem>> -> memref<128x16xf32, #tpu.memory_space<vmem>>
      %dma_start3A_124 = arith.constant 0 : i32
      %dma_start3A_125 = tpu.memref_slice %arg8[%dma_start3A_118, %dma_start3A_124] : memref<8x128xi32, #tpu.memory_space<vmem>> -> memref<1x128xi32, #tpu.memory_space<vmem>>
      %dma_start3A_126 = tpu.memref_squeeze %dma_start3A_125 : memref<1x128xi32, #tpu.memory_space<vmem>> -> memref<128xi32, #tpu.memory_space<vmem>>
      %dma_start3A_127 = arith.constant 0 : i32
      %dma_start3A_128 = arith.constant 0 : i32
      %dma_start3A_129 = tpu.memref_slice %arg2[%arg0, %dma_start3A_127, %dma_start3A_128] : memref<2x100000x16xf32, #tpu.memory_space<hbm>> -> memref<1x100000x16xf32, #tpu.memory_space<hbm>>
      %dma_start3A_130 = tpu.memref_squeeze %dma_start3A_129 : memref<1x100000x16xf32, #tpu.memory_space<hbm>> -> memref<100000x16xf32, #tpu.memory_space<hbm>>
      %dma_start3A_131 = arith.constant 0 : i32
      %dma_start3A_132 = arith.constant 0 : i32
      %dma_start3A_133 = tpu.memref_slice %dma_start3A_130[%dma_start3A_131, %dma_start3A_132] : memref<100000x16xf32, #tpu.memory_space<hbm>> -> memref<100000x16xf32, #tpu.memory_space<hbm>>
      tpu.enqueue_indirect_dma source(%dma_start3A_133 : memref<100000x16xf32, #tpu.memory_space<hbm>>) target(%dma_start3A_123 : memref<128x16xf32, #tpu.memory_space<vmem>>) offsets(%dma_start3A_126 : memref<128xi32, #tpu.memory_space<vmem>>) semaphore(%arg11 : memref<!tpu.dma_semaphore, #tpu.memory_space<semaphore_mem>>)
      %dma_start3A_134 = arith.constant 7 : i32
      %dma_start3A_135 = arith.constant 7 : i32
      %dma_start3A_136 = arith.constant 0 : i32
      %dma_start3A_137 = arith.constant 0 : i32
      %dma_start3A_138 = tpu.memref_slice %arg10[%dma_start3A_135, %dma_start3A_136, %dma_start3A_137] : memref<8x128x16xf32, #tpu.memory_space<vmem>> -> memref<1x128x16xf32, #tpu.memory_space<vmem>>
      %dma_start3A_139 = tpu.memref_squeeze %dma_start3A_138 : memref<1x128x16xf32, #tpu.memory_space<vmem>> -> memref<128x16xf32, #tpu.memory_space<vmem>>
      %dma_start3A_140 = arith.constant 0 : i32
      %dma_start3A_141 = tpu.memref_slice %arg8[%dma_start3A_134, %dma_start3A_140] : memref<8x128xi32, #tpu.memory_space<vmem>> -> memref<1x128xi32, #tpu.memory_space<vmem>>
      %dma_start3A_142 = tpu.memref_squeeze %dma_start3A_141 : memref<1x128xi32, #tpu.memory_space<vmem>> -> memref<128xi32, #tpu.memory_space<vmem>>
      %dma_start3A_143 = arith.constant 0 : i32
      %dma_start3A_144 = arith.constant 0 : i32
      %dma_start3A_145 = tpu.memref_slice %arg2[%arg0, %dma_start3A_143, %dma_start3A_144] : memref<2x100000x16xf32, #tpu.memory_space<hbm>> -> memref<1x100000x16xf32, #tpu.memory_space<hbm>>
      %dma_start3A_146 = tpu.memref_squeeze %dma_start3A_145 : memref<1x100000x16xf32, #tpu.memory_space<hbm>> -> memref<100000x16xf32, #tpu.memory_space<hbm>>
      %dma_start3A_147 = arith.constant 0 : i32
      %dma_start3A_148 = arith.constant 0 : i32
      %dma_start3A_149 = tpu.memref_slice %dma_start3A_146[%dma_start3A_147, %dma_start3A_148] : memref<100000x16xf32, #tpu.memory_space<hbm>> -> memref<100000x16xf32, #tpu.memory_space<hbm>>
      tpu.enqueue_indirect_dma source(%dma_start3A_149 : memref<100000x16xf32, #tpu.memory_space<hbm>>) target(%dma_start3A_139 : memref<128x16xf32, #tpu.memory_space<vmem>>) offsets(%dma_start3A_142 : memref<128xi32, #tpu.memory_space<vmem>>) semaphore(%arg11 : memref<!tpu.dma_semaphore, #tpu.memory_space<semaphore_mem>>)
      %dma_wait3A = arith.constant 0 : i32
      %dma_wait3A_150 = arith.constant 0 : i32
      %dma_wait3A_151 = arith.constant 0 : i32
      %dma_wait3A_152 = arith.constant 0 : i32
      %dma_wait3A_153 = tpu.memref_slice %arg10[%dma_wait3A_150, %dma_wait3A_151, %dma_wait3A_152] : memref<8x128x16xf32, #tpu.memory_space<vmem>> -> memref<1x128x16xf32, #tpu.memory_space<vmem>>
      %dma_wait3A_154 = tpu.memref_squeeze %dma_wait3A_153 : memref<1x128x16xf32, #tpu.memory_space<vmem>> -> memref<128x16xf32, #tpu.memory_space<vmem>>
      %dma_wait3A_155 = arith.constant 0 : i32
      %dma_wait3A_156 = tpu.memref_slice %arg8[%dma_wait3A, %dma_wait3A_155] : memref<8x128xi32, #tpu.memory_space<vmem>> -> memref<1x128xi32, #tpu.memory_space<vmem>>
      %dma_wait3A_157 = tpu.memref_squeeze %dma_wait3A_156 : memref<1x128xi32, #tpu.memory_space<vmem>> -> memref<128xi32, #tpu.memory_space<vmem>>
      %dma_wait3A_158 = arith.constant 0 : i32
      %dma_wait3A_159 = arith.constant 0 : i32
      %dma_wait3A_160 = tpu.memref_slice %arg2[%arg0, %dma_wait3A_158, %dma_wait3A_159] : memref<2x100000x16xf32, #tpu.memory_space<hbm>> -> memref<1x100000x16xf32, #tpu.memory_space<hbm>>
      %dma_wait3A_161 = tpu.memref_squeeze %dma_wait3A_160 : memref<1x100000x16xf32, #tpu.memory_space<hbm>> -> memref<100000x16xf32, #tpu.memory_space<hbm>>
      %dma_wait3A_162 = arith.constant 0 : i32
      %dma_wait3A_163 = arith.constant 0 : i32
      %dma_wait3A_164 = tpu.memref_slice %dma_wait3A_161[%dma_wait3A_162, %dma_wait3A_163] : memref<100000x16xf32, #tpu.memory_space<hbm>> -> memref<100000x16xf32, #tpu.memory_space<hbm>>
      tpu.wait_indirect_dma semaphore(%arg11 : memref<!tpu.dma_semaphore, #tpu.memory_space<semaphore_mem>>) src(%dma_wait3A_164 : memref<100000x16xf32, #tpu.memory_space<hbm>>) dst(%dma_wait3A_154 : memref<128x16xf32, #tpu.memory_space<vmem>>)
      %dma_start3A_165 = arith.constant 0 : i32
      %dma_start3A_166 = arith.constant 0 : i32
      %dma_start3A_167 = arith.constant 0 : i32
      %dma_start3A_168 = arith.constant 0 : i32
      %dma_start3A_169 = tpu.memref_slice %arg10[%dma_start3A_165, %dma_start3A_167, %dma_start3A_168] : memref<8x128x16xf32, #tpu.memory_space<vmem>> -> memref<1x128x16xf32, #tpu.memory_space<vmem>>
      %dma_start3A_170 = tpu.memref_squeeze %dma_start3A_169 : memref<1x128x16xf32, #tpu.memory_space<vmem>> -> memref<128x16xf32, #tpu.memory_space<vmem>>
      %dma_start3A_171 = arith.constant 0 : i32
      %dma_start3A_172 = tpu.memref_slice %arg9[%dma_start3A_166, %dma_start3A_171] : memref<8x128xi32, #tpu.memory_space<vmem>> -> memref<1x128xi32, #tpu.memory_space<vmem>>
      %dma_start3A_173 = tpu.memref_squeeze %dma_start3A_172 : memref<1x128xi32, #tpu.memory_space<vmem>> -> memref<128xi32, #tpu.memory_space<vmem>>
      %dma_start3A_174 = arith.constant 0 : i32
      %dma_start3A_175 = arith.constant 0 : i32
      %dma_start3A_176 = tpu.memref_slice %arg7[%dma_start3A_174, %dma_start3A_175] : memref<100008x16xf32, #tpu.memory_space<vmem_shared>> -> memref<100008x16xf32, #tpu.memory_space<vmem_shared>>
      tpu.enqueue_indirect_dma source(%dma_start3A_170 : memref<128x16xf32, #tpu.memory_space<vmem>>) target(%dma_start3A_176 : memref<100008x16xf32, #tpu.memory_space<vmem_shared>>) offsets(%dma_start3A_173 : memref<128xi32, #tpu.memory_space<vmem>>) semaphore(%arg12 : memref<!tpu.dma_semaphore, #tpu.memory_space<semaphore_mem>>) {add = true}
      %dma_wait3A_177 = arith.constant 1 : i32
      %dma_wait3A_178 = arith.constant 1 : i32
      %dma_wait3A_179 = arith.constant 0 : i32
      %dma_wait3A_180 = arith.constant 0 : i32
      %dma_wait3A_181 = tpu.memref_slice %arg10[%dma_wait3A_178, %dma_wait3A_179, %dma_wait3A_180] : memref<8x128x16xf32, #tpu.memory_space<vmem>> -> memref<1x128x16xf32, #tpu.memory_space<vmem>>
      %dma_wait3A_182 = tpu.memref_squeeze %dma_wait3A_181 : memref<1x128x16xf32, #tpu.memory_space<vmem>> -> memref<128x16xf32, #tpu.memory_space<vmem>>
      %dma_wait3A_183 = arith.constant 0 : i32
      %dma_wait3A_184 = tpu.memref_slice %arg8[%dma_wait3A_177, %dma_wait3A_183] : memref<8x128xi32, #tpu.memory_space<vmem>> -> memref<1x128xi32, #tpu.memory_space<vmem>>
      %dma_wait3A_185 = tpu.memref_squeeze %dma_wait3A_184 : memref<1x128xi32, #tpu.memory_space<vmem>> -> memref<128xi32, #tpu.memory_space<vmem>>
      %dma_wait3A_186 = arith.constant 0 : i32
      %dma_wait3A_187 = arith.constant 0 : i32
      %dma_wait3A_188 = tpu.memref_slice %arg2[%arg0, %dma_wait3A_186, %dma_wait3A_187] : memref<2x100000x16xf32, #tpu.memory_space<hbm>> -> memref<1x100000x16xf32, #tpu.memory_space<hbm>>
      %dma_wait3A_189 = tpu.memref_squeeze %dma_wait3A_188 : memref<1x100000x16xf32, #tpu.memory_space<hbm>> -> memref<100000x16xf32, #tpu.memory_space<hbm>>
      %dma_wait3A_190 = arith.constant 0 : i32
      %dma_wait3A_191 = arith.constant 0 : i32
      %dma_wait3A_192 = tpu.memref_slice %dma_wait3A_189[%dma_wait3A_190, %dma_wait3A_191] : memref<100000x16xf32, #tpu.memory_space<hbm>> -> memref<100000x16xf32, #tpu.memory_space<hbm>>
      tpu.wait_indirect_dma semaphore(%arg11 : memref<!tpu.dma_semaphore, #tpu.memory_space<semaphore_mem>>) src(%dma_wait3A_192 : memref<100000x16xf32, #tpu.memory_space<hbm>>) dst(%dma_wait3A_182 : memref<128x16xf32, #tpu.memory_space<vmem>>)
      %dma_start3A_193 = arith.constant 1 : i32
      %dma_start3A_194 = arith.constant 1 : i32
      %dma_start3A_195 = arith.constant 0 : i32
      %dma_start3A_196 = arith.constant 0 : i32
      %dma_start3A_197 = tpu.memref_slice %arg10[%dma_start3A_193, %dma_start3A_195, %dma_start3A_196] : memref<8x128x16xf32, #tpu.memory_space<vmem>> -> memref<1x128x16xf32, #tpu.memory_space<vmem>>
      %dma_start3A_198 = tpu.memref_squeeze %dma_start3A_197 : memref<1x128x16xf32, #tpu.memory_space<vmem>> -> memref<128x16xf32, #tpu.memory_space<vmem>>
      %dma_start3A_199 = arith.constant 0 : i32
      %dma_start3A_200 = tpu.memref_slice %arg9[%dma_start3A_194, %dma_start3A_199] : memref<8x128xi32, #tpu.memory_space<vmem>> -> memref<1x128xi32, #tpu.memory_space<vmem>>
      %dma_start3A_201 = tpu.memref_squeeze %dma_start3A_200 : memref<1x128xi32, #tpu.memory_space<vmem>> -> memref<128xi32, #tpu.memory_space<vmem>>
      %dma_start3A_202 = arith.constant 0 : i32
      %dma_start3A_203 = arith.constant 0 : i32
      %dma_start3A_204 = tpu.memref_slice %arg7[%dma_start3A_202, %dma_start3A_203] : memref<100008x16xf32, #tpu.memory_space<vmem_shared>> -> memref<100008x16xf32, #tpu.memory_space<vmem_shared>>
      tpu.enqueue_indirect_dma source(%dma_start3A_198 : memref<128x16xf32, #tpu.memory_space<vmem>>) target(%dma_start3A_204 : memref<100008x16xf32, #tpu.memory_space<vmem_shared>>) offsets(%dma_start3A_201 : memref<128xi32, #tpu.memory_space<vmem>>) semaphore(%arg12 : memref<!tpu.dma_semaphore, #tpu.memory_space<semaphore_mem>>) {add = true}
      %dma_wait3A_205 = arith.constant 2 : i32
      %dma_wait3A_206 = arith.constant 2 : i32
      %dma_wait3A_207 = arith.constant 0 : i32
      %dma_wait3A_208 = arith.constant 0 : i32
      %dma_wait3A_209 = tpu.memref_slice %arg10[%dma_wait3A_206, %dma_wait3A_207, %dma_wait3A_208] : memref<8x128x16xf32, #tpu.memory_space<vmem>> -> memref<1x128x16xf32, #tpu.memory_space<vmem>>
      %dma_wait3A_210 = tpu.memref_squeeze %dma_wait3A_209 : memref<1x128x16xf32, #tpu.memory_space<vmem>> -> memref<128x16xf32, #tpu.memory_space<vmem>>
      %dma_wait3A_211 = arith.constant 0 : i32
      %dma_wait3A_212 = tpu.memref_slice %arg8[%dma_wait3A_205, %dma_wait3A_211] : memref<8x128xi32, #tpu.memory_space<vmem>> -> memref<1x128xi32, #tpu.memory_space<vmem>>
      %dma_wait3A_213 = tpu.memref_squeeze %dma_wait3A_212 : memref<1x128xi32, #tpu.memory_space<vmem>> -> memref<128xi32, #tpu.memory_space<vmem>>
      %dma_wait3A_214 = arith.constant 0 : i32
      %dma_wait3A_215 = arith.constant 0 : i32
      %dma_wait3A_216 = tpu.memref_slice %arg2[%arg0, %dma_wait3A_214, %dma_wait3A_215] : memref<2x100000x16xf32, #tpu.memory_space<hbm>> -> memref<1x100000x16xf32, #tpu.memory_space<hbm>>
      %dma_wait3A_217 = tpu.memref_squeeze %dma_wait3A_216 : memref<1x100000x16xf32, #tpu.memory_space<hbm>> -> memref<100000x16xf32, #tpu.memory_space<hbm>>
      %dma_wait3A_218 = arith.constant 0 : i32
      %dma_wait3A_219 = arith.constant 0 : i32
      %dma_wait3A_220 = tpu.memref_slice %dma_wait3A_217[%dma_wait3A_218, %dma_wait3A_219] : memref<100000x16xf32, #tpu.memory_space<hbm>> -> memref<100000x16xf32, #tpu.memory_space<hbm>>
      tpu.wait_indirect_dma semaphore(%arg11 : memref<!tpu.dma_semaphore, #tpu.memory_space<semaphore_mem>>) src(%dma_wait3A_220 : memref<100000x16xf32, #tpu.memory_space<hbm>>) dst(%dma_wait3A_210 : memref<128x16xf32, #tpu.memory_space<vmem>>)
      %dma_start3A_221 = arith.constant 2 : i32
      %dma_start3A_222 = arith.constant 2 : i32
      %dma_start3A_223 = arith.constant 0 : i32
      %dma_start3A_224 = arith.constant 0 : i32
      %dma_start3A_225 = tpu.memref_slice %arg10[%dma_start3A_221, %dma_start3A_223, %dma_start3A_224] : memref<8x128x16xf32, #tpu.memory_space<vmem>> -> memref<1x128x16xf32, #tpu.memory_space<vmem>>
      %dma_start3A_226 = tpu.memref_squeeze %dma_start3A_225 : memref<1x128x16xf32, #tpu.memory_space<vmem>> -> memref<128x16xf32, #tpu.memory_space<vmem>>
      %dma_start3A_227 = arith.constant 0 : i32
      %dma_start3A_228 = tpu.memref_slice %arg9[%dma_start3A_222, %dma_start3A_227] : memref<8x128xi32, #tpu.memory_space<vmem>> -> memref<1x128xi32, #tpu.memory_space<vmem>>
      %dma_start3A_229 = tpu.memref_squeeze %dma_start3A_228 : memref<1x128xi32, #tpu.memory_space<vmem>> -> memref<128xi32, #tpu.memory_space<vmem>>
      %dma_start3A_230 = arith.constant 0 : i32
      %dma_start3A_231 = arith.constant 0 : i32
      %dma_start3A_232 = tpu.memref_slice %arg7[%dma_start3A_230, %dma_start3A_231] : memref<100008x16xf32, #tpu.memory_space<vmem_shared>> -> memref<100008x16xf32, #tpu.memory_space<vmem_shared>>
      tpu.enqueue_indirect_dma source(%dma_start3A_226 : memref<128x16xf32, #tpu.memory_space<vmem>>) target(%dma_start3A_232 : memref<100008x16xf32, #tpu.memory_space<vmem_shared>>) offsets(%dma_start3A_229 : memref<128xi32, #tpu.memory_space<vmem>>) semaphore(%arg12 : memref<!tpu.dma_semaphore, #tpu.memory_space<semaphore_mem>>) {add = true}
      %dma_wait3A_233 = arith.constant 3 : i32
      %dma_wait3A_234 = arith.constant 3 : i32
      %dma_wait3A_235 = arith.constant 0 : i32
      %dma_wait3A_236 = arith.constant 0 : i32
      %dma_wait3A_237 = tpu.memref_slice %arg10[%dma_wait3A_234, %dma_wait3A_235, %dma_wait3A_236] : memref<8x128x16xf32, #tpu.memory_space<vmem>> -> memref<1x128x16xf32, #tpu.memory_space<vmem>>
      %dma_wait3A_238 = tpu.memref_squeeze %dma_wait3A_237 : memref<1x128x16xf32, #tpu.memory_space<vmem>> -> memref<128x16xf32, #tpu.memory_space<vmem>>
      %dma_wait3A_239 = arith.constant 0 : i32
      %dma_wait3A_240 = tpu.memref_slice %arg8[%dma_wait3A_233, %dma_wait3A_239] : memref<8x128xi32, #tpu.memory_space<vmem>> -> memref<1x128xi32, #tpu.memory_space<vmem>>
      %dma_wait3A_241 = tpu.memref_squeeze %dma_wait3A_240 : memref<1x128xi32, #tpu.memory_space<vmem>> -> memref<128xi32, #tpu.memory_space<vmem>>
      %dma_wait3A_242 = arith.constant 0 : i32
      %dma_wait3A_243 = arith.constant 0 : i32
      %dma_wait3A_244 = tpu.memref_slice %arg2[%arg0, %dma_wait3A_242, %dma_wait3A_243] : memref<2x100000x16xf32, #tpu.memory_space<hbm>> -> memref<1x100000x16xf32, #tpu.memory_space<hbm>>
      %dma_wait3A_245 = tpu.memref_squeeze %dma_wait3A_244 : memref<1x100000x16xf32, #tpu.memory_space<hbm>> -> memref<100000x16xf32, #tpu.memory_space<hbm>>
      %dma_wait3A_246 = arith.constant 0 : i32
      %dma_wait3A_247 = arith.constant 0 : i32
      %dma_wait3A_248 = tpu.memref_slice %dma_wait3A_245[%dma_wait3A_246, %dma_wait3A_247] : memref<100000x16xf32, #tpu.memory_space<hbm>> -> memref<100000x16xf32, #tpu.memory_space<hbm>>
      tpu.wait_indirect_dma semaphore(%arg11 : memref<!tpu.dma_semaphore, #tpu.memory_space<semaphore_mem>>) src(%dma_wait3A_248 : memref<100000x16xf32, #tpu.memory_space<hbm>>) dst(%dma_wait3A_238 : memref<128x16xf32, #tpu.memory_space<vmem>>)
      %dma_start3A_249 = arith.constant 3 : i32
      %dma_start3A_250 = arith.constant 3 : i32
      %dma_start3A_251 = arith.constant 0 : i32
      %dma_start3A_252 = arith.constant 0 : i32
      %dma_start3A_253 = tpu.memref_slice %arg10[%dma_start3A_249, %dma_start3A_251, %dma_start3A_252] : memref<8x128x16xf32, #tpu.memory_space<vmem>> -> memref<1x128x16xf32, #tpu.memory_space<vmem>>
      %dma_start3A_254 = tpu.memref_squeeze %dma_start3A_253 : memref<1x128x16xf32, #tpu.memory_space<vmem>> -> memref<128x16xf32, #tpu.memory_space<vmem>>
      %dma_start3A_255 = arith.constant 0 : i32
      %dma_start3A_256 = tpu.memref_slice %arg9[%dma_start3A_250, %dma_start3A_255] : memref<8x128xi32, #tpu.memory_space<vmem>> -> memref<1x128xi32, #tpu.memory_space<vmem>>
      %dma_start3A_257 = tpu.memref_squeeze %dma_start3A_256 : memref<1x128xi32, #tpu.memory_space<vmem>> -> memref<128xi32, #tpu.memory_space<vmem>>
      %dma_start3A_258 = arith.constant 0 : i32
      %dma_start3A_259 = arith.constant 0 : i32
      %dma_start3A_260 = tpu.memref_slice %arg7[%dma_start3A_258, %dma_start3A_259] : memref<100008x16xf32, #tpu.memory_space<vmem_shared>> -> memref<100008x16xf32, #tpu.memory_space<vmem_shared>>
      tpu.enqueue_indirect_dma source(%dma_start3A_254 : memref<128x16xf32, #tpu.memory_space<vmem>>) target(%dma_start3A_260 : memref<100008x16xf32, #tpu.memory_space<vmem_shared>>) offsets(%dma_start3A_257 : memref<128xi32, #tpu.memory_space<vmem>>) semaphore(%arg12 : memref<!tpu.dma_semaphore, #tpu.memory_space<semaphore_mem>>) {add = true}
      %dma_wait3A_261 = arith.constant 4 : i32
      %dma_wait3A_262 = arith.constant 4 : i32
      %dma_wait3A_263 = arith.constant 0 : i32
      %dma_wait3A_264 = arith.constant 0 : i32
      %dma_wait3A_265 = tpu.memref_slice %arg10[%dma_wait3A_262, %dma_wait3A_263, %dma_wait3A_264] : memref<8x128x16xf32, #tpu.memory_space<vmem>> -> memref<1x128x16xf32, #tpu.memory_space<vmem>>
      %dma_wait3A_266 = tpu.memref_squeeze %dma_wait3A_265 : memref<1x128x16xf32, #tpu.memory_space<vmem>> -> memref<128x16xf32, #tpu.memory_space<vmem>>
      %dma_wait3A_267 = arith.constant 0 : i32
      %dma_wait3A_268 = tpu.memref_slice %arg8[%dma_wait3A_261, %dma_wait3A_267] : memref<8x128xi32, #tpu.memory_space<vmem>> -> memref<1x128xi32, #tpu.memory_space<vmem>>
      %dma_wait3A_269 = tpu.memref_squeeze %dma_wait3A_268 : memref<1x128xi32, #tpu.memory_space<vmem>> -> memref<128xi32, #tpu.memory_space<vmem>>
      %dma_wait3A_270 = arith.constant 0 : i32
      %dma_wait3A_271 = arith.constant 0 : i32
      %dma_wait3A_272 = tpu.memref_slice %arg2[%arg0, %dma_wait3A_270, %dma_wait3A_271] : memref<2x100000x16xf32, #tpu.memory_space<hbm>> -> memref<1x100000x16xf32, #tpu.memory_space<hbm>>
      %dma_wait3A_273 = tpu.memref_squeeze %dma_wait3A_272 : memref<1x100000x16xf32, #tpu.memory_space<hbm>> -> memref<100000x16xf32, #tpu.memory_space<hbm>>
      %dma_wait3A_274 = arith.constant 0 : i32
      %dma_wait3A_275 = arith.constant 0 : i32
      %dma_wait3A_276 = tpu.memref_slice %dma_wait3A_273[%dma_wait3A_274, %dma_wait3A_275] : memref<100000x16xf32, #tpu.memory_space<hbm>> -> memref<100000x16xf32, #tpu.memory_space<hbm>>
      tpu.wait_indirect_dma semaphore(%arg11 : memref<!tpu.dma_semaphore, #tpu.memory_space<semaphore_mem>>) src(%dma_wait3A_276 : memref<100000x16xf32, #tpu.memory_space<hbm>>) dst(%dma_wait3A_266 : memref<128x16xf32, #tpu.memory_space<vmem>>)
      %dma_start3A_277 = arith.constant 4 : i32
      %dma_start3A_278 = arith.constant 4 : i32
      %dma_start3A_279 = arith.constant 0 : i32
      %dma_start3A_280 = arith.constant 0 : i32
      %dma_start3A_281 = tpu.memref_slice %arg10[%dma_start3A_277, %dma_start3A_279, %dma_start3A_280] : memref<8x128x16xf32, #tpu.memory_space<vmem>> -> memref<1x128x16xf32, #tpu.memory_space<vmem>>
      %dma_start3A_282 = tpu.memref_squeeze %dma_start3A_281 : memref<1x128x16xf32, #tpu.memory_space<vmem>> -> memref<128x16xf32, #tpu.memory_space<vmem>>
      %dma_start3A_283 = arith.constant 0 : i32
      %dma_start3A_284 = tpu.memref_slice %arg9[%dma_start3A_278, %dma_start3A_283] : memref<8x128xi32, #tpu.memory_space<vmem>> -> memref<1x128xi32, #tpu.memory_space<vmem>>
      %dma_start3A_285 = tpu.memref_squeeze %dma_start3A_284 : memref<1x128xi32, #tpu.memory_space<vmem>> -> memref<128xi32, #tpu.memory_space<vmem>>
      %dma_start3A_286 = arith.constant 0 : i32
      %dma_start3A_287 = arith.constant 0 : i32
      %dma_start3A_288 = tpu.memref_slice %arg7[%dma_start3A_286, %dma_start3A_287] : memref<100008x16xf32, #tpu.memory_space<vmem_shared>> -> memref<100008x16xf32, #tpu.memory_space<vmem_shared>>
      tpu.enqueue_indirect_dma source(%dma_start3A_282 : memref<128x16xf32, #tpu.memory_space<vmem>>) target(%dma_start3A_288 : memref<100008x16xf32, #tpu.memory_space<vmem_shared>>) offsets(%dma_start3A_285 : memref<128xi32, #tpu.memory_space<vmem>>) semaphore(%arg12 : memref<!tpu.dma_semaphore, #tpu.memory_space<semaphore_mem>>) {add = true}
      %dma_wait3A_289 = arith.constant 5 : i32
      %dma_wait3A_290 = arith.constant 5 : i32
      %dma_wait3A_291 = arith.constant 0 : i32
      %dma_wait3A_292 = arith.constant 0 : i32
      %dma_wait3A_293 = tpu.memref_slice %arg10[%dma_wait3A_290, %dma_wait3A_291, %dma_wait3A_292] : memref<8x128x16xf32, #tpu.memory_space<vmem>> -> memref<1x128x16xf32, #tpu.memory_space<vmem>>
      %dma_wait3A_294 = tpu.memref_squeeze %dma_wait3A_293 : memref<1x128x16xf32, #tpu.memory_space<vmem>> -> memref<128x16xf32, #tpu.memory_space<vmem>>
      %dma_wait3A_295 = arith.constant 0 : i32
      %dma_wait3A_296 = tpu.memref_slice %arg8[%dma_wait3A_289, %dma_wait3A_295] : memref<8x128xi32, #tpu.memory_space<vmem>> -> memref<1x128xi32, #tpu.memory_space<vmem>>
      %dma_wait3A_297 = tpu.memref_squeeze %dma_wait3A_296 : memref<1x128xi32, #tpu.memory_space<vmem>> -> memref<128xi32, #tpu.memory_space<vmem>>
      %dma_wait3A_298 = arith.constant 0 : i32
      %dma_wait3A_299 = arith.constant 0 : i32
      %dma_wait3A_300 = tpu.memref_slice %arg2[%arg0, %dma_wait3A_298, %dma_wait3A_299] : memref<2x100000x16xf32, #tpu.memory_space<hbm>> -> memref<1x100000x16xf32, #tpu.memory_space<hbm>>
      %dma_wait3A_301 = tpu.memref_squeeze %dma_wait3A_300 : memref<1x100000x16xf32, #tpu.memory_space<hbm>> -> memref<100000x16xf32, #tpu.memory_space<hbm>>
      %dma_wait3A_302 = arith.constant 0 : i32
      %dma_wait3A_303 = arith.constant 0 : i32
      %dma_wait3A_304 = tpu.memref_slice %dma_wait3A_301[%dma_wait3A_302, %dma_wait3A_303] : memref<100000x16xf32, #tpu.memory_space<hbm>> -> memref<100000x16xf32, #tpu.memory_space<hbm>>
      tpu.wait_indirect_dma semaphore(%arg11 : memref<!tpu.dma_semaphore, #tpu.memory_space<semaphore_mem>>) src(%dma_wait3A_304 : memref<100000x16xf32, #tpu.memory_space<hbm>>) dst(%dma_wait3A_294 : memref<128x16xf32, #tpu.memory_space<vmem>>)
      %dma_start3A_305 = arith.constant 5 : i32
      %dma_start3A_306 = arith.constant 5 : i32
      %dma_start3A_307 = arith.constant 0 : i32
      %dma_start3A_308 = arith.constant 0 : i32
      %dma_start3A_309 = tpu.memref_slice %arg10[%dma_start3A_305, %dma_start3A_307, %dma_start3A_308] : memref<8x128x16xf32, #tpu.memory_space<vmem>> -> memref<1x128x16xf32, #tpu.memory_space<vmem>>
      %dma_start3A_310 = tpu.memref_squeeze %dma_start3A_309 : memref<1x128x16xf32, #tpu.memory_space<vmem>> -> memref<128x16xf32, #tpu.memory_space<vmem>>
      %dma_start3A_311 = arith.constant 0 : i32
      %dma_start3A_312 = tpu.memref_slice %arg9[%dma_start3A_306, %dma_start3A_311] : memref<8x128xi32, #tpu.memory_space<vmem>> -> memref<1x128xi32, #tpu.memory_space<vmem>>
      %dma_start3A_313 = tpu.memref_squeeze %dma_start3A_312 : memref<1x128xi32, #tpu.memory_space<vmem>> -> memref<128xi32, #tpu.memory_space<vmem>>
      %dma_start3A_314 = arith.constant 0 : i32
      %dma_start3A_315 = arith.constant 0 : i32
      %dma_start3A_316 = tpu.memref_slice %arg7[%dma_start3A_314, %dma_start3A_315] : memref<100008x16xf32, #tpu.memory_space<vmem_shared>> -> memref<100008x16xf32, #tpu.memory_space<vmem_shared>>
      tpu.enqueue_indirect_dma source(%dma_start3A_310 : memref<128x16xf32, #tpu.memory_space<vmem>>) target(%dma_start3A_316 : memref<100008x16xf32, #tpu.memory_space<vmem_shared>>) offsets(%dma_start3A_313 : memref<128xi32, #tpu.memory_space<vmem>>) semaphore(%arg12 : memref<!tpu.dma_semaphore, #tpu.memory_space<semaphore_mem>>) {add = true}
      %dma_wait3A_317 = arith.constant 6 : i32
      %dma_wait3A_318 = arith.constant 6 : i32
      %dma_wait3A_319 = arith.constant 0 : i32
      %dma_wait3A_320 = arith.constant 0 : i32
      %dma_wait3A_321 = tpu.memref_slice %arg10[%dma_wait3A_318, %dma_wait3A_319, %dma_wait3A_320] : memref<8x128x16xf32, #tpu.memory_space<vmem>> -> memref<1x128x16xf32, #tpu.memory_space<vmem>>
      %dma_wait3A_322 = tpu.memref_squeeze %dma_wait3A_321 : memref<1x128x16xf32, #tpu.memory_space<vmem>> -> memref<128x16xf32, #tpu.memory_space<vmem>>
      %dma_wait3A_323 = arith.constant 0 : i32
      %dma_wait3A_324 = tpu.memref_slice %arg8[%dma_wait3A_317, %dma_wait3A_323] : memref<8x128xi32, #tpu.memory_space<vmem>> -> memref<1x128xi32, #tpu.memory_space<vmem>>
      %dma_wait3A_325 = tpu.memref_squeeze %dma_wait3A_324 : memref<1x128xi32, #tpu.memory_space<vmem>> -> memref<128xi32, #tpu.memory_space<vmem>>
      %dma_wait3A_326 = arith.constant 0 : i32
      %dma_wait3A_327 = arith.constant 0 : i32
      %dma_wait3A_328 = tpu.memref_slice %arg2[%arg0, %dma_wait3A_326, %dma_wait3A_327] : memref<2x100000x16xf32, #tpu.memory_space<hbm>> -> memref<1x100000x16xf32, #tpu.memory_space<hbm>>
      %dma_wait3A_329 = tpu.memref_squeeze %dma_wait3A_328 : memref<1x100000x16xf32, #tpu.memory_space<hbm>> -> memref<100000x16xf32, #tpu.memory_space<hbm>>
      %dma_wait3A_330 = arith.constant 0 : i32
      %dma_wait3A_331 = arith.constant 0 : i32
      %dma_wait3A_332 = tpu.memref_slice %dma_wait3A_329[%dma_wait3A_330, %dma_wait3A_331] : memref<100000x16xf32, #tpu.memory_space<hbm>> -> memref<100000x16xf32, #tpu.memory_space<hbm>>
      tpu.wait_indirect_dma semaphore(%arg11 : memref<!tpu.dma_semaphore, #tpu.memory_space<semaphore_mem>>) src(%dma_wait3A_332 : memref<100000x16xf32, #tpu.memory_space<hbm>>) dst(%dma_wait3A_322 : memref<128x16xf32, #tpu.memory_space<vmem>>)
      %dma_start3A_333 = arith.constant 6 : i32
      %dma_start3A_334 = arith.constant 6 : i32
      %dma_start3A_335 = arith.constant 0 : i32
      %dma_start3A_336 = arith.constant 0 : i32
      %dma_start3A_337 = tpu.memref_slice %arg10[%dma_start3A_333, %dma_start3A_335, %dma_start3A_336] : memref<8x128x16xf32, #tpu.memory_space<vmem>> -> memref<1x128x16xf32, #tpu.memory_space<vmem>>
      %dma_start3A_338 = tpu.memref_squeeze %dma_start3A_337 : memref<1x128x16xf32, #tpu.memory_space<vmem>> -> memref<128x16xf32, #tpu.memory_space<vmem>>
      %dma_start3A_339 = arith.constant 0 : i32
      %dma_start3A_340 = tpu.memref_slice %arg9[%dma_start3A_334, %dma_start3A_339] : memref<8x128xi32, #tpu.memory_space<vmem>> -> memref<1x128xi32, #tpu.memory_space<vmem>>
      %dma_start3A_341 = tpu.memref_squeeze %dma_start3A_340 : memref<1x128xi32, #tpu.memory_space<vmem>> -> memref<128xi32, #tpu.memory_space<vmem>>
      %dma_start3A_342 = arith.constant 0 : i32
      %dma_start3A_343 = arith.constant 0 : i32
      %dma_start3A_344 = tpu.memref_slice %arg7[%dma_start3A_342, %dma_start3A_343] : memref<100008x16xf32, #tpu.memory_space<vmem_shared>> -> memref<100008x16xf32, #tpu.memory_space<vmem_shared>>
      tpu.enqueue_indirect_dma source(%dma_start3A_338 : memref<128x16xf32, #tpu.memory_space<vmem>>) target(%dma_start3A_344 : memref<100008x16xf32, #tpu.memory_space<vmem_shared>>) offsets(%dma_start3A_341 : memref<128xi32, #tpu.memory_space<vmem>>) semaphore(%arg12 : memref<!tpu.dma_semaphore, #tpu.memory_space<semaphore_mem>>) {add = true}
      %dma_wait3A_345 = arith.constant 7 : i32
      %dma_wait3A_346 = arith.constant 7 : i32
      %dma_wait3A_347 = arith.constant 0 : i32
      %dma_wait3A_348 = arith.constant 0 : i32
      %dma_wait3A_349 = tpu.memref_slice %arg10[%dma_wait3A_346, %dma_wait3A_347, %dma_wait3A_348] : memref<8x128x16xf32, #tpu.memory_space<vmem>> -> memref<1x128x16xf32, #tpu.memory_space<vmem>>
      %dma_wait3A_350 = tpu.memref_squeeze %dma_wait3A_349 : memref<1x128x16xf32, #tpu.memory_space<vmem>> -> memref<128x16xf32, #tpu.memory_space<vmem>>
      %dma_wait3A_351 = arith.constant 0 : i32
      %dma_wait3A_352 = tpu.memref_slice %arg8[%dma_wait3A_345, %dma_wait3A_351] : memref<8x128xi32, #tpu.memory_space<vmem>> -> memref<1x128xi32, #tpu.memory_space<vmem>>
      %dma_wait3A_353 = tpu.memref_squeeze %dma_wait3A_352 : memref<1x128xi32, #tpu.memory_space<vmem>> -> memref<128xi32, #tpu.memory_space<vmem>>
      %dma_wait3A_354 = arith.constant 0 : i32
      %dma_wait3A_355 = arith.constant 0 : i32
      %dma_wait3A_356 = tpu.memref_slice %arg2[%arg0, %dma_wait3A_354, %dma_wait3A_355] : memref<2x100000x16xf32, #tpu.memory_space<hbm>> -> memref<1x100000x16xf32, #tpu.memory_space<hbm>>
      %dma_wait3A_357 = tpu.memref_squeeze %dma_wait3A_356 : memref<1x100000x16xf32, #tpu.memory_space<hbm>> -> memref<100000x16xf32, #tpu.memory_space<hbm>>
      %dma_wait3A_358 = arith.constant 0 : i32
      %dma_wait3A_359 = arith.constant 0 : i32
      %dma_wait3A_360 = tpu.memref_slice %dma_wait3A_357[%dma_wait3A_358, %dma_wait3A_359] : memref<100000x16xf32, #tpu.memory_space<hbm>> -> memref<100000x16xf32, #tpu.memory_space<hbm>>
      tpu.wait_indirect_dma semaphore(%arg11 : memref<!tpu.dma_semaphore, #tpu.memory_space<semaphore_mem>>) src(%dma_wait3A_360 : memref<100000x16xf32, #tpu.memory_space<hbm>>) dst(%dma_wait3A_350 : memref<128x16xf32, #tpu.memory_space<vmem>>)
      %dma_start3A_361 = arith.constant 7 : i32
      %dma_start3A_362 = arith.constant 7 : i32
      %dma_start3A_363 = arith.constant 0 : i32
      %dma_start3A_364 = arith.constant 0 : i32
      %dma_start3A_365 = tpu.memref_slice %arg10[%dma_start3A_361, %dma_start3A_363, %dma_start3A_364] : memref<8x128x16xf32, #tpu.memory_space<vmem>> -> memref<1x128x16xf32, #tpu.memory_space<vmem>>
      %dma_start3A_366 = tpu.memref_squeeze %dma_start3A_365 : memref<1x128x16xf32, #tpu.memory_space<vmem>> -> memref<128x16xf32, #tpu.memory_space<vmem>>
      %dma_start3A_367 = arith.constant 0 : i32
      %dma_start3A_368 = tpu.memref_slice %arg9[%dma_start3A_362, %dma_start3A_367] : memref<8x128xi32, #tpu.memory_space<vmem>> -> memref<1x128xi32, #tpu.memory_space<vmem>>
      %dma_start3A_369 = tpu.memref_squeeze %dma_start3A_368 : memref<1x128xi32, #tpu.memory_space<vmem>> -> memref<128xi32, #tpu.memory_space<vmem>>
      %dma_start3A_370 = arith.constant 0 : i32
      %dma_start3A_371 = arith.constant 0 : i32
      %dma_start3A_372 = tpu.memref_slice %arg7[%dma_start3A_370, %dma_start3A_371] : memref<100008x16xf32, #tpu.memory_space<vmem_shared>> -> memref<100008x16xf32, #tpu.memory_space<vmem_shared>>
      tpu.enqueue_indirect_dma source(%dma_start3A_366 : memref<128x16xf32, #tpu.memory_space<vmem>>) target(%dma_start3A_372 : memref<100008x16xf32, #tpu.memory_space<vmem_shared>>) offsets(%dma_start3A_369 : memref<128xi32, #tpu.memory_space<vmem>>) semaphore(%arg12 : memref<!tpu.dma_semaphore, #tpu.memory_space<semaphore_mem>>) {add = true}
      %dma_wait3A_373 = arith.constant 0 : i32
      %dma_wait3A_374 = arith.constant 0 : i32
      %dma_wait3A_375 = arith.constant 0 : i32
      %dma_wait3A_376 = arith.constant 0 : i32
      %dma_wait3A_377 = tpu.memref_slice %arg10[%dma_wait3A_373, %dma_wait3A_375, %dma_wait3A_376] : memref<8x128x16xf32, #tpu.memory_space<vmem>> -> memref<1x128x16xf32, #tpu.memory_space<vmem>>
      %dma_wait3A_378 = tpu.memref_squeeze %dma_wait3A_377 : memref<1x128x16xf32, #tpu.memory_space<vmem>> -> memref<128x16xf32, #tpu.memory_space<vmem>>
      %dma_wait3A_379 = arith.constant 0 : i32
      %dma_wait3A_380 = tpu.memref_slice %arg9[%dma_wait3A_374, %dma_wait3A_379] : memref<8x128xi32, #tpu.memory_space<vmem>> -> memref<1x128xi32, #tpu.memory_space<vmem>>
      %dma_wait3A_381 = tpu.memref_squeeze %dma_wait3A_380 : memref<1x128xi32, #tpu.memory_space<vmem>> -> memref<128xi32, #tpu.memory_space<vmem>>
      %dma_wait3A_382 = arith.constant 0 : i32
      %dma_wait3A_383 = arith.constant 0 : i32
      %dma_wait3A_384 = tpu.memref_slice %arg7[%dma_wait3A_382, %dma_wait3A_383] : memref<100008x16xf32, #tpu.memory_space<vmem_shared>> -> memref<100008x16xf32, #tpu.memory_space<vmem_shared>>
      tpu.wait_indirect_dma semaphore(%arg12 : memref<!tpu.dma_semaphore, #tpu.memory_space<semaphore_mem>>) src(%dma_wait3A_378 : memref<128x16xf32, #tpu.memory_space<vmem>>) dst(%dma_wait3A_384 : memref<100008x16xf32, #tpu.memory_space<vmem_shared>>)
      %dma_wait3A_385 = arith.constant 1 : i32
      %dma_wait3A_386 = arith.constant 1 : i32
      %dma_wait3A_387 = arith.constant 0 : i32
      %dma_wait3A_388 = arith.constant 0 : i32
      %dma_wait3A_389 = tpu.memref_slice %arg10[%dma_wait3A_385, %dma_wait3A_387, %dma_wait3A_388] : memref<8x128x16xf32, #tpu.memory_space<vmem>> -> memref<1x128x16xf32, #tpu.memory_space<vmem>>
      %dma_wait3A_390 = tpu.memref_squeeze %dma_wait3A_389 : memref<1x128x16xf32, #tpu.memory_space<vmem>> -> memref<128x16xf32, #tpu.memory_space<vmem>>
      %dma_wait3A_391 = arith.constant 0 : i32
      %dma_wait3A_392 = tpu.memref_slice %arg9[%dma_wait3A_386, %dma_wait3A_391] : memref<8x128xi32, #tpu.memory_space<vmem>> -> memref<1x128xi32, #tpu.memory_space<vmem>>
      %dma_wait3A_393 = tpu.memref_squeeze %dma_wait3A_392 : memref<1x128xi32, #tpu.memory_space<vmem>> -> memref<128xi32, #tpu.memory_space<vmem>>
      %dma_wait3A_394 = arith.constant 0 : i32
      %dma_wait3A_395 = arith.constant 0 : i32
      %dma_wait3A_396 = tpu.memref_slice %arg7[%dma_wait3A_394, %dma_wait3A_395] : memref<100008x16xf32, #tpu.memory_space<vmem_shared>> -> memref<100008x16xf32, #tpu.memory_space<vmem_shared>>
      tpu.wait_indirect_dma semaphore(%arg12 : memref<!tpu.dma_semaphore, #tpu.memory_space<semaphore_mem>>) src(%dma_wait3A_390 : memref<128x16xf32, #tpu.memory_space<vmem>>) dst(%dma_wait3A_396 : memref<100008x16xf32, #tpu.memory_space<vmem_shared>>)
      %dma_wait3A_397 = arith.constant 2 : i32
      %dma_wait3A_398 = arith.constant 2 : i32
      %dma_wait3A_399 = arith.constant 0 : i32
      %dma_wait3A_400 = arith.constant 0 : i32
      %dma_wait3A_401 = tpu.memref_slice %arg10[%dma_wait3A_397, %dma_wait3A_399, %dma_wait3A_400] : memref<8x128x16xf32, #tpu.memory_space<vmem>> -> memref<1x128x16xf32, #tpu.memory_space<vmem>>
      %dma_wait3A_402 = tpu.memref_squeeze %dma_wait3A_401 : memref<1x128x16xf32, #tpu.memory_space<vmem>> -> memref<128x16xf32, #tpu.memory_space<vmem>>
      %dma_wait3A_403 = arith.constant 0 : i32
      %dma_wait3A_404 = tpu.memref_slice %arg9[%dma_wait3A_398, %dma_wait3A_403] : memref<8x128xi32, #tpu.memory_space<vmem>> -> memref<1x128xi32, #tpu.memory_space<vmem>>
      %dma_wait3A_405 = tpu.memref_squeeze %dma_wait3A_404 : memref<1x128xi32, #tpu.memory_space<vmem>> -> memref<128xi32, #tpu.memory_space<vmem>>
      %dma_wait3A_406 = arith.constant 0 : i32
      %dma_wait3A_407 = arith.constant 0 : i32
      %dma_wait3A_408 = tpu.memref_slice %arg7[%dma_wait3A_406, %dma_wait3A_407] : memref<100008x16xf32, #tpu.memory_space<vmem_shared>> -> memref<100008x16xf32, #tpu.memory_space<vmem_shared>>
      tpu.wait_indirect_dma semaphore(%arg12 : memref<!tpu.dma_semaphore, #tpu.memory_space<semaphore_mem>>) src(%dma_wait3A_402 : memref<128x16xf32, #tpu.memory_space<vmem>>) dst(%dma_wait3A_408 : memref<100008x16xf32, #tpu.memory_space<vmem_shared>>)
      %dma_wait3A_409 = arith.constant 3 : i32
      %dma_wait3A_410 = arith.constant 3 : i32
      %dma_wait3A_411 = arith.constant 0 : i32
      %dma_wait3A_412 = arith.constant 0 : i32
      %dma_wait3A_413 = tpu.memref_slice %arg10[%dma_wait3A_409, %dma_wait3A_411, %dma_wait3A_412] : memref<8x128x16xf32, #tpu.memory_space<vmem>> -> memref<1x128x16xf32, #tpu.memory_space<vmem>>
      %dma_wait3A_414 = tpu.memref_squeeze %dma_wait3A_413 : memref<1x128x16xf32, #tpu.memory_space<vmem>> -> memref<128x16xf32, #tpu.memory_space<vmem>>
      %dma_wait3A_415 = arith.constant 0 : i32
      %dma_wait3A_416 = tpu.memref_slice %arg9[%dma_wait3A_410, %dma_wait3A_415] : memref<8x128xi32, #tpu.memory_space<vmem>> -> memref<1x128xi32, #tpu.memory_space<vmem>>
      %dma_wait3A_417 = tpu.memref_squeeze %dma_wait3A_416 : memref<1x128xi32, #tpu.memory_space<vmem>> -> memref<128xi32, #tpu.memory_space<vmem>>
      %dma_wait3A_418 = arith.constant 0 : i32
      %dma_wait3A_419 = arith.constant 0 : i32
      %dma_wait3A_420 = tpu.memref_slice %arg7[%dma_wait3A_418, %dma_wait3A_419] : memref<100008x16xf32, #tpu.memory_space<vmem_shared>> -> memref<100008x16xf32, #tpu.memory_space<vmem_shared>>
      tpu.wait_indirect_dma semaphore(%arg12 : memref<!tpu.dma_semaphore, #tpu.memory_space<semaphore_mem>>) src(%dma_wait3A_414 : memref<128x16xf32, #tpu.memory_space<vmem>>) dst(%dma_wait3A_420 : memref<100008x16xf32, #tpu.memory_space<vmem_shared>>)
      %dma_wait3A_421 = arith.constant 4 : i32
      %dma_wait3A_422 = arith.constant 4 : i32
      %dma_wait3A_423 = arith.constant 0 : i32
      %dma_wait3A_424 = arith.constant 0 : i32
      %dma_wait3A_425 = tpu.memref_slice %arg10[%dma_wait3A_421, %dma_wait3A_423, %dma_wait3A_424] : memref<8x128x16xf32, #tpu.memory_space<vmem>> -> memref<1x128x16xf32, #tpu.memory_space<vmem>>
      %dma_wait3A_426 = tpu.memref_squeeze %dma_wait3A_425 : memref<1x128x16xf32, #tpu.memory_space<vmem>> -> memref<128x16xf32, #tpu.memory_space<vmem>>
      %dma_wait3A_427 = arith.constant 0 : i32
      %dma_wait3A_428 = tpu.memref_slice %arg9[%dma_wait3A_422, %dma_wait3A_427] : memref<8x128xi32, #tpu.memory_space<vmem>> -> memref<1x128xi32, #tpu.memory_space<vmem>>
      %dma_wait3A_429 = tpu.memref_squeeze %dma_wait3A_428 : memref<1x128xi32, #tpu.memory_space<vmem>> -> memref<128xi32, #tpu.memory_space<vmem>>
      %dma_wait3A_430 = arith.constant 0 : i32
      %dma_wait3A_431 = arith.constant 0 : i32
      %dma_wait3A_432 = tpu.memref_slice %arg7[%dma_wait3A_430, %dma_wait3A_431] : memref<100008x16xf32, #tpu.memory_space<vmem_shared>> -> memref<100008x16xf32, #tpu.memory_space<vmem_shared>>
      tpu.wait_indirect_dma semaphore(%arg12 : memref<!tpu.dma_semaphore, #tpu.memory_space<semaphore_mem>>) src(%dma_wait3A_426 : memref<128x16xf32, #tpu.memory_space<vmem>>) dst(%dma_wait3A_432 : memref<100008x16xf32, #tpu.memory_space<vmem_shared>>)
      %dma_wait3A_433 = arith.constant 5 : i32
      %dma_wait3A_434 = arith.constant 5 : i32
      %dma_wait3A_435 = arith.constant 0 : i32
      %dma_wait3A_436 = arith.constant 0 : i32
      %dma_wait3A_437 = tpu.memref_slice %arg10[%dma_wait3A_433, %dma_wait3A_435, %dma_wait3A_436] : memref<8x128x16xf32, #tpu.memory_space<vmem>> -> memref<1x128x16xf32, #tpu.memory_space<vmem>>
      %dma_wait3A_438 = tpu.memref_squeeze %dma_wait3A_437 : memref<1x128x16xf32, #tpu.memory_space<vmem>> -> memref<128x16xf32, #tpu.memory_space<vmem>>
      %dma_wait3A_439 = arith.constant 0 : i32
      %dma_wait3A_440 = tpu.memref_slice %arg9[%dma_wait3A_434, %dma_wait3A_439] : memref<8x128xi32, #tpu.memory_space<vmem>> -> memref<1x128xi32, #tpu.memory_space<vmem>>
      %dma_wait3A_441 = tpu.memref_squeeze %dma_wait3A_440 : memref<1x128xi32, #tpu.memory_space<vmem>> -> memref<128xi32, #tpu.memory_space<vmem>>
      %dma_wait3A_442 = arith.constant 0 : i32
      %dma_wait3A_443 = arith.constant 0 : i32
      %dma_wait3A_444 = tpu.memref_slice %arg7[%dma_wait3A_442, %dma_wait3A_443] : memref<100008x16xf32, #tpu.memory_space<vmem_shared>> -> memref<100008x16xf32, #tpu.memory_space<vmem_shared>>
      tpu.wait_indirect_dma semaphore(%arg12 : memref<!tpu.dma_semaphore, #tpu.memory_space<semaphore_mem>>) src(%dma_wait3A_438 : memref<128x16xf32, #tpu.memory_space<vmem>>) dst(%dma_wait3A_444 : memref<100008x16xf32, #tpu.memory_space<vmem_shared>>)
      %dma_wait3A_445 = arith.constant 6 : i32
      %dma_wait3A_446 = arith.constant 6 : i32
      %dma_wait3A_447 = arith.constant 0 : i32
      %dma_wait3A_448 = arith.constant 0 : i32
      %dma_wait3A_449 = tpu.memref_slice %arg10[%dma_wait3A_445, %dma_wait3A_447, %dma_wait3A_448] : memref<8x128x16xf32, #tpu.memory_space<vmem>> -> memref<1x128x16xf32, #tpu.memory_space<vmem>>
      %dma_wait3A_450 = tpu.memref_squeeze %dma_wait3A_449 : memref<1x128x16xf32, #tpu.memory_space<vmem>> -> memref<128x16xf32, #tpu.memory_space<vmem>>
      %dma_wait3A_451 = arith.constant 0 : i32
      %dma_wait3A_452 = tpu.memref_slice %arg9[%dma_wait3A_446, %dma_wait3A_451] : memref<8x128xi32, #tpu.memory_space<vmem>> -> memref<1x128xi32, #tpu.memory_space<vmem>>
      %dma_wait3A_453 = tpu.memref_squeeze %dma_wait3A_452 : memref<1x128xi32, #tpu.memory_space<vmem>> -> memref<128xi32, #tpu.memory_space<vmem>>
      %dma_wait3A_454 = arith.constant 0 : i32
      %dma_wait3A_455 = arith.constant 0 : i32
      %dma_wait3A_456 = tpu.memref_slice %arg7[%dma_wait3A_454, %dma_wait3A_455] : memref<100008x16xf32, #tpu.memory_space<vmem_shared>> -> memref<100008x16xf32, #tpu.memory_space<vmem_shared>>
      tpu.wait_indirect_dma semaphore(%arg12 : memref<!tpu.dma_semaphore, #tpu.memory_space<semaphore_mem>>) src(%dma_wait3A_450 : memref<128x16xf32, #tpu.memory_space<vmem>>) dst(%dma_wait3A_456 : memref<100008x16xf32, #tpu.memory_space<vmem_shared>>)
      %dma_wait3A_457 = arith.constant 7 : i32
      %dma_wait3A_458 = arith.constant 7 : i32
      %dma_wait3A_459 = arith.constant 0 : i32
      %dma_wait3A_460 = arith.constant 0 : i32
      %dma_wait3A_461 = tpu.memref_slice %arg10[%dma_wait3A_457, %dma_wait3A_459, %dma_wait3A_460] : memref<8x128x16xf32, #tpu.memory_space<vmem>> -> memref<1x128x16xf32, #tpu.memory_space<vmem>>
      %dma_wait3A_462 = tpu.memref_squeeze %dma_wait3A_461 : memref<1x128x16xf32, #tpu.memory_space<vmem>> -> memref<128x16xf32, #tpu.memory_space<vmem>>
      %dma_wait3A_463 = arith.constant 0 : i32
      %dma_wait3A_464 = tpu.memref_slice %arg9[%dma_wait3A_458, %dma_wait3A_463] : memref<8x128xi32, #tpu.memory_space<vmem>> -> memref<1x128xi32, #tpu.memory_space<vmem>>
      %dma_wait3A_465 = tpu.memref_squeeze %dma_wait3A_464 : memref<1x128xi32, #tpu.memory_space<vmem>> -> memref<128xi32, #tpu.memory_space<vmem>>
      %dma_wait3A_466 = arith.constant 0 : i32
      %dma_wait3A_467 = arith.constant 0 : i32
      %dma_wait3A_468 = tpu.memref_slice %arg7[%dma_wait3A_466, %dma_wait3A_467] : memref<100008x16xf32, #tpu.memory_space<vmem_shared>> -> memref<100008x16xf32, #tpu.memory_space<vmem_shared>>
      tpu.wait_indirect_dma semaphore(%arg12 : memref<!tpu.dma_semaphore, #tpu.memory_space<semaphore_mem>>) src(%dma_wait3A_462 : memref<128x16xf32, #tpu.memory_space<vmem>>) dst(%dma_wait3A_468 : memref<100008x16xf32, #tpu.memory_space<vmem_shared>>)
    }
    %scan3A_9 = arith.constant 196 : i32
    %barrier3A_10 = arith.constant 0 : index
    tpu.barrier barrier_id(%barrier3A_10)
    %mul3A_11 = arith.constant 6248 : i32
    %mul3A_12 = arith.muli %arg1, %mul3A_11 : i32
    %mul3A_13 = arith.constant 6248 : i32
    %mul3A_14 = arith.muli %arg1, %mul3A_13 : i32
    "tpu.region"() ({
      %run_scoped3A = tpu.sem_alloc : memref<!tpu.dma_semaphore, #tpu.memory_space<semaphore_mem>>
      %dma_start3A = arith.constant 0 : i32
      %dma_start3A_20 = tpu.memref_slice %arg6[%arg0, %mul3A_14, %dma_start3A] : memref<2x100000x16xf32, #tpu.memory_space<hbm>> -> memref<1x6248x16xf32, #tpu.memory_space<hbm>>
      %dma_start3A_21 = tpu.memref_squeeze %dma_start3A_20 : memref<1x6248x16xf32, #tpu.memory_space<hbm>> -> memref<6248x16xf32, #tpu.memory_space<hbm>>
      %dma_start3A_22 = arith.constant 0 : i32
      %dma_start3A_23 = tpu.memref_slice %arg7[%mul3A_12, %dma_start3A_22] : memref<100008x16xf32, #tpu.memory_space<vmem_shared>> -> memref<6248x16xf32, #tpu.memory_space<vmem_shared>>
      tpu.enqueue_dma source(%dma_start3A_23 : memref<6248x16xf32, #tpu.memory_space<vmem_shared>>) target(%dma_start3A_21 : memref<6248x16xf32, #tpu.memory_space<hbm>>) target_semaphore(%run_scoped3A : memref<!tpu.dma_semaphore, #tpu.memory_space<semaphore_mem>>)
      %dma_wait3A = arith.constant 0 : i32
      %dma_wait3A_24 = tpu.memref_slice %arg6[%arg0, %mul3A_14, %dma_wait3A] : memref<2x100000x16xf32, #tpu.memory_space<hbm>> -> memref<1x6248x16xf32, #tpu.memory_space<hbm>>
      %dma_wait3A_25 = tpu.memref_squeeze %dma_wait3A_24 : memref<1x6248x16xf32, #tpu.memory_space<hbm>> -> memref<6248x16xf32, #tpu.memory_space<hbm>>
      %dma_wait3A_26 = arith.constant 0 : i32
      %dma_wait3A_27 = tpu.memref_slice %arg7[%mul3A_12, %dma_wait3A_26] : memref<100008x16xf32, #tpu.memory_space<vmem_shared>> -> memref<6248x16xf32, #tpu.memory_space<vmem_shared>>
      tpu.wait_dma2 semaphore(%run_scoped3A : memref<!tpu.dma_semaphore, #tpu.memory_space<semaphore_mem>>) src(%dma_wait3A_27 : memref<6248x16xf32, #tpu.memory_space<vmem_shared>>) dst(%dma_wait3A_25 : memref<6248x16xf32, #tpu.memory_space<hbm>>)
      tpu.yield
    }) : () -> ()
    %eq3A_15 = arith.constant 0 : i32
    %eq3A_16 = arith.cmpi eq, %arg1, %eq3A_15 : i32
    %convert_element_type3A_17 = arith.extui %eq3A_16 : i1 to i32
    %cond3A_18 = arith.constant 0 : i32
    %cond3A_19 = arith.cmpi ne, %convert_element_type3A_17, %cond3A_18 : i32
    scf.if %cond3A_19 {
      "tpu.region"() ({
        %run_scoped3A = tpu.sem_alloc : memref<!tpu.dma_semaphore, #tpu.memory_space<semaphore_mem>>
        %dma_start3A = arith.constant 99968 : i32
        %dma_start3A_20 = arith.constant 0 : i32
        %dma_start3A_21 = tpu.memref_slice %arg6[%arg0, %dma_start3A, %dma_start3A_20] : memref<2x100000x16xf32, #tpu.memory_space<hbm>> -> memref<1x32x16xf32, #tpu.memory_space<hbm>>
        %dma_start3A_22 = tpu.memref_squeeze %dma_start3A_21 : memref<1x32x16xf32, #tpu.memory_space<hbm>> -> memref<32x16xf32, #tpu.memory_space<hbm>>
        %dma_start3A_23 = arith.constant 99968 : i32
        %dma_start3A_24 = arith.constant 0 : i32
        %dma_start3A_25 = tpu.memref_slice %arg7[%dma_start3A_23, %dma_start3A_24] : memref<100008x16xf32, #tpu.memory_space<vmem_shared>> -> memref<32x16xf32, #tpu.memory_space<vmem_shared>>
        tpu.enqueue_dma source(%dma_start3A_25 : memref<32x16xf32, #tpu.memory_space<vmem_shared>>) target(%dma_start3A_22 : memref<32x16xf32, #tpu.memory_space<hbm>>) target_semaphore(%run_scoped3A : memref<!tpu.dma_semaphore, #tpu.memory_space<semaphore_mem>>)
        %dma_wait3A = arith.constant 99968 : i32
        %dma_wait3A_26 = arith.constant 0 : i32
        %dma_wait3A_27 = tpu.memref_slice %arg6[%arg0, %dma_wait3A, %dma_wait3A_26] : memref<2x100000x16xf32, #tpu.memory_space<hbm>> -> memref<1x32x16xf32, #tpu.memory_space<hbm>>
        %dma_wait3A_28 = tpu.memref_squeeze %dma_wait3A_27 : memref<1x32x16xf32, #tpu.memory_space<hbm>> -> memref<32x16xf32, #tpu.memory_space<hbm>>
        %dma_wait3A_29 = arith.constant 99968 : i32
        %dma_wait3A_30 = arith.constant 0 : i32
        %dma_wait3A_31 = tpu.memref_slice %arg7[%dma_wait3A_29, %dma_wait3A_30] : memref<100008x16xf32, #tpu.memory_space<vmem_shared>> -> memref<32x16xf32, #tpu.memory_space<vmem_shared>>
        tpu.wait_dma2 semaphore(%run_scoped3A : memref<!tpu.dma_semaphore, #tpu.memory_space<semaphore_mem>>) src(%dma_wait3A_31 : memref<32x16xf32, #tpu.memory_space<vmem_shared>>) dst(%dma_wait3A_28 : memref<32x16xf32, #tpu.memory_space<hbm>>)
        tpu.yield
      }) : () -> ()
    } else {
    }
    return
  }
}

module attributes {stable_mosaic.version = 14 : i64} {
  func.func @_tc1_body(%arg0: i32, %arg1: memref<2x2000x16xf32, #tpu.memory_space<vmem>>, %arg2: memref<2000x20xf32, #tpu.memory_space<vmem>>, %arg3: memref<20x20xf32, #tpu.memory_space<vmem>>, %arg4: memref<20x20xf32, #tpu.memory_space<vmem>>, %arg5: memref<1x20xf32, #tpu.memory_space<vmem>>, %arg6: memref<2000x20xf32, #tpu.memory_space<vmem>>, %arg7: memref<2000x1xf32, #tpu.memory_space<vmem>>) attributes {dimension_semantics = [#tpu.dimension_semantics<arbitrary>], iteration_bounds = array<i64: 50>, scalar_prefetch = 0 : i64, scratch_operands = 0 : i64, tpu.core_type = #tpu.core_type<tc>, window_params = [{transform_indices = @transform_0, window_bounds = array<i64: 2, 2000, 16>}, {transform_indices = @transform_1, window_bounds = array<i64: 2000, 20>}, {pipeline_mode = #tpu.pipeline_mode<synchronous>, transform_indices = @transform_2, window_bounds = array<i64: 20, 20>}, {pipeline_mode = #tpu.pipeline_mode<synchronous>, transform_indices = @transform_3, window_bounds = array<i64: 20, 20>}, {pipeline_mode = #tpu.pipeline_mode<synchronous>, transform_indices = @transform_4, window_bounds = array<i64: 1, 20>}, {transform_indices = @transform_5, window_bounds = array<i64: 2000, 20>}, {transform_indices = @transform_6, window_bounds = array<i64: 2000, 1>}]} {
    %get3A = arith.constant 0 : index
    %get3A_0 = arith.constant 0 : index
    %get3A_1 = arith.constant 0 : index
    %get3A_2 = vector.load %arg1[%get3A, %get3A_0, %get3A_1] : memref<2x2000x16xf32, #tpu.memory_space<vmem>>, vector<1x2000x16xf32>
    %get3A_3 = vector.shape_cast %get3A_2 : vector<1x2000x16xf32> to vector<2000x16xf32>
    %get3A_4 = arith.constant 1 : index
    %get3A_5 = arith.constant 0 : index
    %get3A_6 = arith.constant 0 : index
    %get3A_7 = vector.load %arg1[%get3A_4, %get3A_5, %get3A_6] : memref<2x2000x16xf32, #tpu.memory_space<vmem>>, vector<1x2000x16xf32>
    %get3A_8 = vector.shape_cast %get3A_7 : vector<1x2000x16xf32> to vector<2000x16xf32>
    %slice3A = vector.extract_strided_slice %get3A_8 {offsets = [0, 4], sizes = [2000, 1], strides = [1, 1]} : vector<2000x16xf32> to vector<2000x1xf32>
    %max3A = arith.constant 1.000000e+00 : f32
    %max3A_9 = vector.broadcast %max3A : f32 to vector<2000x1xf32>
    %max3A_10 = arith.maximumf %slice3A, %max3A_9 : vector<2000x1xf32>
    %div3A = arith.constant 1.000000e+00 : f32
    %div3A_11 = vector.broadcast %div3A : f32 to vector<2000x1xf32>
    %div3A_12 = arith.divf %div3A_11, %max3A_10 : vector<2000x1xf32>
    %slice3A_13 = vector.extract_strided_slice %get3A_8 {offsets = [0, 0], sizes = [2000, 4], strides = [1, 1]} : vector<2000x16xf32> to vector<2000x4xf32>
    %concatenate3A = tpu.concatenate %get3A_3, %slice3A_13 in 1 : vector<2000x16xf32>, vector<2000x4xf32> -> vector<2000x20xf32>
    %mul3A = vector.broadcast %div3A_12 : vector<2000x1xf32> to vector<2000x20xf32>
    %mul3A_14 = arith.mulf %concatenate3A, %mul3A : vector<2000x20xf32>
    %get3A_15 = arith.constant 0 : index
    %get3A_16 = arith.constant 0 : index
    %get3A_17 = vector.load %arg3[%get3A_15, %get3A_16] : memref<20x20xf32, #tpu.memory_space<vmem>>, vector<20x20xf32>
    %dot_general3A = arith.constant dense<0.000000e+00> : vector<2000x20xf32>
    %dot_general3A_18 = tpu.matmul %mul3A_14, %get3A_17, %dot_general3A {dimension_numbers = #tpu.dot_dimension_numbers<[1], [0], [0], [1], [0, 0, 1, 1], [], []>, transpose_lhs_hint = false} : vector<2000x20xf32>, vector<20x20xf32>, vector<2000x20xf32> -> vector<2000x20xf32>
    %get3A_19 = arith.constant 0 : index
    %get3A_20 = arith.constant 0 : index
    %get3A_21 = vector.load %arg2[%get3A_19, %get3A_20] : memref<2000x20xf32, #tpu.memory_space<vmem>>, vector<2000x20xf32>
    %get3A_22 = arith.constant 0 : index
    %get3A_23 = arith.constant 0 : index
    %get3A_24 = vector.load %arg4[%get3A_22, %get3A_23] : memref<20x20xf32, #tpu.memory_space<vmem>>, vector<20x20xf32>
    %dot_general3A_25 = arith.constant dense<0.000000e+00> : vector<2000x20xf32>
    %dot_general3A_26 = tpu.matmul %get3A_21, %get3A_24, %dot_general3A_25 {dimension_numbers = #tpu.dot_dimension_numbers<[1], [0], [0], [1], [0, 0, 1, 1], [], []>, transpose_lhs_hint = false} : vector<2000x20xf32>, vector<20x20xf32>, vector<2000x20xf32> -> vector<2000x20xf32>
    %add3A = arith.addf %dot_general3A_18, %dot_general3A_26 : vector<2000x20xf32>
    %get3A_27 = arith.constant 0 : index
    %get3A_28 = arith.constant 0 : index
    %get3A_29 = vector.load %arg5[%get3A_27, %get3A_28] : memref<1x20xf32, #tpu.memory_space<vmem>>, vector<1x20xf32>
    %add3A_30 = vector.broadcast %get3A_29 : vector<1x20xf32> to vector<2000x20xf32>
    %add3A_31 = arith.addf %add3A, %add3A_30 : vector<2000x20xf32>
    %max3A_32 = arith.constant 0.000000e+00 : f32
    %max3A_33 = vector.broadcast %max3A_32 : f32 to vector<2000x20xf32>
    %max3A_34 = arith.maximumf %add3A_31, %max3A_33 : vector<2000x20xf32>
    %swap3A = arith.constant 0 : index
    %swap3A_35 = arith.constant 0 : index
    %swap3A_36 = vector.load %arg6[%swap3A, %swap3A_35] : memref<2000x20xf32, #tpu.memory_space<vmem>>, vector<2000x20xf32>
    tpu.vector_store %arg6[%swap3A, %swap3A_35], %max3A_34 {strides = array<i32>} : memref<2000x20xf32, #tpu.memory_space<vmem>>, vector<2000x20xf32>,
    %swap3A_37 = arith.constant 0 : index
    %swap3A_38 = arith.constant 0 : index
    %swap3A_39 = vector.load %arg7[%swap3A_37, %swap3A_38] : memref<2000x1xf32, #tpu.memory_space<vmem>>, vector<2000x1xf32>
    tpu.vector_store %arg7[%swap3A_37, %swap3A_38], %div3A_12 {strides = array<i32>} : memref<2000x1xf32, #tpu.memory_space<vmem>>, vector<2000x1xf32>,
    return
  }
  func.func @transform_0(%arg0: i32) -> (i32, i32, i32) {
    %c0_i32 = arith.constant 0 : i32
    %c0_i32_0 = arith.constant 0 : i32
    %c0_i32_1 = arith.constant 0 : i32
    return %c0_i32, %arg0, %c0_i32_0 : i32, i32, i32
  }
  func.func @transform_1(%arg0: i32) -> (i32, i32) {
    %c0_i32 = arith.constant 0 : i32
    %c0_i32_0 = arith.constant 0 : i32
    return %arg0, %c0_i32 : i32, i32
  }
  func.func @transform_2(%arg0: i32) -> (i32, i32) {
    %c0_i32 = arith.constant 0 : i32
    %c0_i32_0 = arith.constant 0 : i32
    %c0_i32_1 = arith.constant 0 : i32
    return %c0_i32, %c0_i32_0 : i32, i32
  }
  func.func @transform_3(%arg0: i32) -> (i32, i32) {
    %c0_i32 = arith.constant 0 : i32
    %c0_i32_0 = arith.constant 0 : i32
    %c0_i32_1 = arith.constant 0 : i32
    return %c0_i32, %c0_i32_0 : i32, i32
  }
  func.func @transform_4(%arg0: i32) -> (i32, i32) {
    %c0_i32 = arith.constant 0 : i32
    %c0_i32_0 = arith.constant 0 : i32
    %c0_i32_1 = arith.constant 0 : i32
    return %c0_i32, %c0_i32_0 : i32, i32
  }
  func.func @transform_5(%arg0: i32) -> (i32, i32) {
    %c0_i32 = arith.constant 0 : i32
    %c0_i32_0 = arith.constant 0 : i32
    return %arg0, %c0_i32 : i32, i32
  }
  func.func @transform_6(%arg0: i32) -> (i32, i32) {
    %c0_i32 = arith.constant 0 : i32
    %c0_i32_0 = arith.constant 0 : i32
    return %arg0, %c0_i32 : i32, i32
  }
}

module attributes {stable_mosaic.version = 14 : i64} {
  func.func @_tc2_body(%arg0: i32, %arg1: memref<2x2000x16xf32, #tpu.memory_space<vmem>>, %arg2: memref<2000x1xf32, #tpu.memory_space<vmem>>, %arg3: memref<2000x20xf32, #tpu.memory_space<vmem>>, %arg4: memref<20x20xf32, #tpu.memory_space<vmem>>, %arg5: memref<20x20xf32, #tpu.memory_space<vmem>>, %arg6: memref<1x20xf32, #tpu.memory_space<vmem>>, %arg7: memref<2000x20xf32, #tpu.memory_space<vmem>>) attributes {dimension_semantics = [#tpu.dimension_semantics<arbitrary>], iteration_bounds = array<i64: 50>, scalar_prefetch = 0 : i64, scratch_operands = 0 : i64, tpu.core_type = #tpu.core_type<tc>, window_params = [{transform_indices = @transform_0, window_bounds = array<i64: 2, 2000, 16>}, {transform_indices = @transform_1, window_bounds = array<i64: 2000, 1>}, {transform_indices = @transform_2, window_bounds = array<i64: 2000, 20>}, {pipeline_mode = #tpu.pipeline_mode<synchronous>, transform_indices = @transform_3, window_bounds = array<i64: 20, 20>}, {pipeline_mode = #tpu.pipeline_mode<synchronous>, transform_indices = @transform_4, window_bounds = array<i64: 20, 20>}, {pipeline_mode = #tpu.pipeline_mode<synchronous>, transform_indices = @transform_5, window_bounds = array<i64: 1, 20>}, {transform_indices = @transform_6, window_bounds = array<i64: 2000, 20>}]} {
    %get3A = arith.constant 0 : index
    %get3A_0 = arith.constant 0 : index
    %get3A_1 = arith.constant 0 : index
    %get3A_2 = vector.load %arg1[%get3A, %get3A_0, %get3A_1] : memref<2x2000x16xf32, #tpu.memory_space<vmem>>, vector<1x2000x16xf32>
    %get3A_3 = vector.shape_cast %get3A_2 : vector<1x2000x16xf32> to vector<2000x16xf32>
    %get3A_4 = arith.constant 1 : index
    %get3A_5 = arith.constant 0 : index
    %get3A_6 = arith.constant 0 : index
    %get3A_7 = vector.load %arg1[%get3A_4, %get3A_5, %get3A_6] : memref<2x2000x16xf32, #tpu.memory_space<vmem>>, vector<1x2000x16xf32>
    %get3A_8 = vector.shape_cast %get3A_7 : vector<1x2000x16xf32> to vector<2000x16xf32>
    %slice3A = vector.extract_strided_slice %get3A_8 {offsets = [0, 0], sizes = [2000, 4], strides = [1, 1]} : vector<2000x16xf32> to vector<2000x4xf32>
    %concatenate3A = tpu.concatenate %get3A_3, %slice3A in 1 : vector<2000x16xf32>, vector<2000x4xf32> -> vector<2000x20xf32>
    %get3A_9 = arith.constant 0 : index
    %get3A_10 = arith.constant 0 : index
    %get3A_11 = vector.load %arg2[%get3A_9, %get3A_10] : memref<2000x1xf32, #tpu.memory_space<vmem>>, vector<2000x1xf32>
    %mul3A = vector.broadcast %get3A_11 : vector<2000x1xf32> to vector<2000x20xf32>
    %mul3A_12 = arith.mulf %concatenate3A, %mul3A : vector<2000x20xf32>
    %get3A_13 = arith.constant 0 : index
    %get3A_14 = arith.constant 0 : index
    %get3A_15 = vector.load %arg4[%get3A_13, %get3A_14] : memref<20x20xf32, #tpu.memory_space<vmem>>, vector<20x20xf32>
    %dot_general3A = arith.constant dense<0.000000e+00> : vector<2000x20xf32>
    %dot_general3A_16 = tpu.matmul %mul3A_12, %get3A_15, %dot_general3A {dimension_numbers = #tpu.dot_dimension_numbers<[1], [0], [0], [1], [0, 0, 1, 1], [], []>, transpose_lhs_hint = false} : vector<2000x20xf32>, vector<20x20xf32>, vector<2000x20xf32> -> vector<2000x20xf32>
    %get3A_17 = arith.constant 0 : index
    %get3A_18 = arith.constant 0 : index
    %get3A_19 = vector.load %arg3[%get3A_17, %get3A_18] : memref<2000x20xf32, #tpu.memory_space<vmem>>, vector<2000x20xf32>
    %get3A_20 = arith.constant 0 : index
    %get3A_21 = arith.constant 0 : index
    %get3A_22 = vector.load %arg5[%get3A_20, %get3A_21] : memref<20x20xf32, #tpu.memory_space<vmem>>, vector<20x20xf32>
    %dot_general3A_23 = arith.constant dense<0.000000e+00> : vector<2000x20xf32>
    %dot_general3A_24 = tpu.matmul %get3A_19, %get3A_22, %dot_general3A_23 {dimension_numbers = #tpu.dot_dimension_numbers<[1], [0], [0], [1], [0, 0, 1, 1], [], []>, transpose_lhs_hint = false} : vector<2000x20xf32>, vector<20x20xf32>, vector<2000x20xf32> -> vector<2000x20xf32>
    %add3A = arith.addf %dot_general3A_16, %dot_general3A_24 : vector<2000x20xf32>
    %get3A_25 = arith.constant 0 : index
    %get3A_26 = arith.constant 0 : index
    %get3A_27 = vector.load %arg6[%get3A_25, %get3A_26] : memref<1x20xf32, #tpu.memory_space<vmem>>, vector<1x20xf32>
    %add3A_28 = vector.broadcast %get3A_27 : vector<1x20xf32> to vector<2000x20xf32>
    %add3A_29 = arith.addf %add3A, %add3A_28 : vector<2000x20xf32>
    %swap3A = arith.constant 0 : index
    %swap3A_30 = arith.constant 0 : index
    %swap3A_31 = vector.load %arg7[%swap3A, %swap3A_30] : memref<2000x20xf32, #tpu.memory_space<vmem>>, vector<2000x20xf32>
    tpu.vector_store %arg7[%swap3A, %swap3A_30], %add3A_29 {strides = array<i32>} : memref<2000x20xf32, #tpu.memory_space<vmem>>, vector<2000x20xf32>,
    return
  }
  func.func @transform_0(%arg0: i32) -> (i32, i32, i32) {
    %c0_i32 = arith.constant 0 : i32
    %c0_i32_0 = arith.constant 0 : i32
    %c0_i32_1 = arith.constant 0 : i32
    return %c0_i32, %arg0, %c0_i32_0 : i32, i32, i32
  }
  func.func @transform_1(%arg0: i32) -> (i32, i32) {
    %c0_i32 = arith.constant 0 : i32
    %c0_i32_0 = arith.constant 0 : i32
    return %arg0, %c0_i32 : i32, i32
  }
  func.func @transform_2(%arg0: i32) -> (i32, i32) {
    %c0_i32 = arith.constant 0 : i32
    %c0_i32_0 = arith.constant 0 : i32
    return %arg0, %c0_i32 : i32, i32
  }
  func.func @transform_3(%arg0: i32) -> (i32, i32) {
    %c0_i32 = arith.constant 0 : i32
    %c0_i32_0 = arith.constant 0 : i32
    %c0_i32_1 = arith.constant 0 : i32
    return %c0_i32, %c0_i32_0 : i32, i32
  }
  func.func @transform_4(%arg0: i32) -> (i32, i32) {
    %c0_i32 = arith.constant 0 : i32
    %c0_i32_0 = arith.constant 0 : i32
    %c0_i32_1 = arith.constant 0 : i32
    return %c0_i32, %c0_i32_0 : i32, i32
  }
  func.func @transform_5(%arg0: i32) -> (i32, i32) {
    %c0_i32 = arith.constant 0 : i32
    %c0_i32_0 = arith.constant 0 : i32
    %c0_i32_1 = arith.constant 0 : i32
    return %c0_i32, %c0_i32_0 : i32, i32
  }
  func.func @transform_6(%arg0: i32) -> (i32, i32) {
    %c0_i32 = arith.constant 0 : i32
    %c0_i32_0 = arith.constant 0 : i32
    return %arg0, %c0_i32 : i32, i32
  }
}

</mosaic_0001>

<sc_bundles>
// kernel: kernel.6.cloned.1.call-start
scs
__scs_entry_jumppad:
0x0: {  	(pc) =	sbr.rel $0x88, $3  }
0x1: {  	(tag) =	ssettag $0x0;
	lr =	simm.s32 $0x1  }
0x2: {  	[smem:$0x3F99] =	sst lr;
	_ =	strace $0xD0000000  }
0x3: {  	_ = 	snop  }
0x4: {  	_ = 	snop  }
0x5: {  	_ = 	snop  }
0x6: {  	_ = 	snop  }
0x7: {  	_ = 	snop  }
__scs_overlays_trampoline_lowered:
0x8: {  	[smem:$0x3FA8] =	sst s0  }
0x9: {  	[smem:$0x3FA9] =	sst s1  }
0xa: {  	[smem:$0x3FAA] =	sst s2  }
0xb: {  	[smem:$0x3FAB] =	sst s3  }
0xc: {  	[smem:$0x3FAC] =	sst s4  }
0xd: {  	[smem:$0x3FAD] =	sst s5  }
0xe: {  	[smem:$0x3FAE] =	sst s6  }
0xf: {  	[smem:$0x3FAF] =	sst s7  }
0x10: {  	[smem:$0x3FB0] =	sst s8  }
0x11: {  	[smem:$0x3FB1] =	sst s9;
	s0 =	simm.s32 @!p0 $0x0  }
0x12: {  	s1 =	sld [smem:$0x3F97];
	s0 =	simm.s32 @p0 $0x1  }
0x13: {  	[smem:$0x3FB2] =	sst s0;
	s0 =	simm.s32 @!p1 $0x0  }
0x14: {  	s2 =	sld [smem:$0x3F96];
	s0 =	simm.s32 @p1 $0x1  }
0x15: {  	[smem:$0x3FB3] =	sst s0;
	s0 =	simm.s32 @!p2 $0x0  }
0x16: {  	s3 =	sld [smem:$0x3FDB];
	s0 =	simm.s32 @p2 $0x1  }
0x17: {  	s4 =	simm.s32 $0x1BF5;
	[smem:$0x3FB5] =	sst s0  }
0x18: {  	s0 =	sld [smem:$0x3F98];
	_ =	swait.ge [sflag:s4], $0x0  }
0x19: {  	s7 =	sld [smem:$0x3F99]  }
0x1a: {  	s8 =	sadd.s32 $0xFFFFE003, lr  }
0x1b: {  	s9 =	sadd.s32 $0xFFFFFEF7, lr;
	s5 =	simm.s32 $0xFFFFFFFF;
	p2 =	slt.u32 s8, $0xFFFFF086  }
0x1c: {  	p1 =	slt.u32 s9, $0xF7A;
	s5 =	simm.s32 @!p2 $0x0  }
0x1d: {  	s5 =	simm.s32 @p1 $0x1;
	p0 =	seq.s32 s7, s2  }
0x1e: {  	s7 =	smul.u32 @!p0 $0xF7A, s2;
	p2 =	seq.s32 @!p0 s5, $0x0  }
0x1f: {  	s9 =	smul.u32 $0xF7A, s1;
	s8 =	simm.s32 @!p0 $0x1BF5;
	p2 =	por !p2, p0  }
0x20: {  	[sflag:s8] =	ssyncset.s32 @!p0 $0xFFFFF086;
	s6 =	sadd.s32 @!p0 s3, s7;
	s7 =	simm.s32 @!p0 $0x108  }
0x21: {  	s3 =	sadd.s32 s3, s9;
	s6 =	sadd.s32 @!p0 $0x88, s6;
	s7 =	simm.s32 @p2 $0x1082  }
0x22: {  	[simem:s7], [sflag:s8] =	dma.local @!p0 [hbm:s6], $0xF7A  }
0x23: {  	s9 =	sor.u32 $0xD0000000, s2;
	s6 =	simm.s32 $0x108;
	_ =	swait.ge @!p0 [sflag:s8], $0x0  }
0x24: {  	s3 =	sadd.s32 $0x88, s3;
	s6 =	simm.s32 @!p1 $0x1082;
	[sflag:s4] =	ssyncset.s32 $0xFFFFF086  }
0x25: {  	[simem:s6], [sflag:s4] =	dma.local [hbm:s3], $0xF7A  }
0x26: {  	[smem:$0x3F99] =	sst s1;
	(tag) =	ssettag s2;
	_ =	strace s9  }
0x27: {  	s1 =	sld [smem:$0x3FA9]  }
0x28: {  	s2 =	sld [smem:$0x3FAA]  }
0x29: {  	s4 =	sld [smem:$0x3FAC]  }
0x2a: {  	p0 =	seq.s32 s5, $0x0;
	s5 =	sld [smem:$0x3FAD]  }
0x2b: {  	s6 =	sld [smem:$0x3FAE]  }
0x2c: {  	s7 =	sld [smem:$0x3FAF]  }
0x2d: {  	s3 =	simm.s32 $0x108;
	s8 =	sld [smem:$0x3FB0]  }
0x2e: {  	s3 =	simm.s32 @!p0 $0x1082;
	s9 =	sld [smem:$0x3FB1]  }
0x2f: {  	lr =	sadd.s32 s0, s3;
	s0 =	sld [smem:$0x3FA8]  }
0x30: {  	s3 =	sld [smem:$0x3FAB]  }
0x31: {  	[smem:$0x3FB4] =	sst s10  }
0x32: {  	s10 =	sld [smem:$0x3FB2];
	_ =	sdelay $0x3  }
0x33: {  	p0 =	seq.s32 s10, $0x1;
	s10 =	sld [smem:$0x3FB4];
	_ =	sdelay $0x3  }
0x34: {  	[smem:$0x3FB4] =	sst s10  }
0x35: {  	s10 =	sld [smem:$0x3FB3];
	_ =	sdelay $0x3  }
0x36: {  	p1 =	seq.s32 s10, $0x1;
	s10 =	sld [smem:$0x3FB4];
	_ =	sdelay $0x3  }
0x37: {  	[smem:$0x3FB4] =	sst s10  }
0x38: {  	s10 =	sld [smem:$0x3FB5]  }
0x39: {  	_ = 	snop;
	(pc) =	sbr.ind lr, $3  }
0x3a: {  	_ = 	snop  }
0x3b: {  	_ = 	snop  }
0x3c: {  	p2 =	seq.s32 s10, $0x1;
	s10 =	sld [smem:$0x3FB4]  }
0x3d: {  	_ =	shalt  }
0x3e: {  	_ =	shalt  }
0x3f: {  	_ =	shalt  }
0x40: {  	_ =	shalt  }
0x41: {  	_ =	shalt  }
0x42: {  	_ =	shalt  }
0x43: {  	_ =	shalt  }
0x44: {  	_ =	shalt  }
0x45: {  	_ =	shalt  }
0x46: {  	_ =	shalt  }
0x47: {  	_ =	shalt  }
0x48: {  	_ =	shalt  }
0x49: {  	_ =	shalt  }
0x4a: {  	_ =	shalt  }
0x4b: {  	_ =	shalt  }
0x4c: {  	_ =	shalt  }
0x4d: {  	_ =	shalt  }
0x4e: {  	_ =	shalt  }
0x4f: {  	_ =	shalt  }
0x50: {  	_ =	shalt  }
0x51: {  	_ =	shalt  }
0x52: {  	_ =	shalt  }
0x53: {  	_ =	shalt  }
0x54: {  	_ =	shalt  }
0x55: {  	_ =	shalt  }
0x56: {  	_ =	shalt  }
0x57: {  	_ =	shalt  }
0x58: {  	_ =	shalt  }
0x59: {  	_ =	shalt  }
0x5a: {  	_ =	shalt  }
0x5b: {  	_ =	shalt  }
0x5c: {  	_ =	shalt  }
0x5d: {  	_ =	shalt  }
0x5e: {  	_ =	shalt  }
0x5f: {  	_ =	shalt  }
0x60: {  	_ =	shalt  }
0x61: {  	_ =	shalt  }
0x62: {  	_ =	shalt  }
0x63: {  	_ =	shalt  }
0x64: {  	_ =	shalt  }
0x65: {  	_ =	shalt  }
0x66: {  	_ =	shalt  }
0x67: {  	_ =	shalt  }
0x68: {  	_ =	shalt  }
0x69: {  	_ =	shalt  }
0x6a: {  	_ =	shalt  }
0x6b: {  	_ =	shalt  }
0x6c: {  	_ =	shalt  }
0x6d: {  	_ =	shalt  }
0x6e: {  	_ =	shalt  }
0x6f: {  	_ =	shalt  }
0x70: {  	_ =	shalt  }
0x71: {  	_ =	shalt  }
0x72: {  	_ =	shalt  }
0x73: {  	_ =	shalt  }
0x74: {  	_ =	shalt  }
0x75: {  	_ =	shalt  }
0x76: {  	_ =	shalt  }
0x77: {  	_ =	shalt  }
0x78: {  	_ =	shalt  }
0x79: {  	_ =	shalt  }
0x7a: {  	_ =	shalt  }
0x7b: {  	_ =	shalt  }
0x7c: {  	_ =	shalt  }
0x7d: {  	_ =	shalt  }
0x7e: {  	_ =	shalt  }
0x7f: {  	_ =	shalt  }
0x80: {  	_ =	shalt  }
0x81: {  	_ =	shalt  }
0x82: {  	_ =	shalt  }
0x83: {  	_ =	shalt  }
0x84: {  	_ =	shalt  }
0x85: {  	_ =	shalt  }
0x86: {  	_ =	shalt  }
0x87: {  	_ =	shalt  }
.Lfunc_end0:
.L_simem_size_0:
called_computation_lowered:
.L_overlay_start_0:
0x88: {  	s2 =	sld [smem:$0x3FD9]  }
0x89: {  	s3 =	sld [smem:$0x3FFE];
	_ =	sdelay $0x1  }
0x8a: {  	s1 =	srdreg.scid  }
0x8b: {  	s0 =	sand.u32 $0x1, s1  }
0x8c: {  	s17 =	sshll.u32 s0, $0xA;
	s2 =	sadd.s32 s3, s2  }
0x8d: {  	s2 =	sadd.s32 s2, s17  }
0x8e: {  	[smem:$0x3FC0] =	sst s2  }
0x8f: {  	_ = 	snop  }
0x90: {  	s2 =	sld [smem:$0x3FD0];
	(tm) =	ssettm $0x1  }
0x91: {  	s18 =	sld [smem:$0x3FFB];
	_ =	sdelay $0x3  }
0x92: {  	_ =	strace s18  }
0x93: {  	s3 =	sld [smem:$0x3FFC];
	_ =	sdelay $0x3  }
0x94: {  	_ =	strace s3  }
0x95: {  	s3 =	sld [smem:$0x3FFD];
	_ =	sdelay $0x3  }
0x96: {  	_ =	strace s3  }
0x97: {  	_ =	strace $0x8FFFFFFF  }
0x98: {  	s19 =	sld [smem:$0x3FDB];
	_ =	sdelay $0x1  }
0x99: {  	s4 =	simm.s32 $_scs_section_size  }
0x9a: {  	s5 =	simm.s32 $_size__tile_overlayer_lowered;
	s6 =	simm.s32 $_tile_overlayer_lowered  }
0x9b: {  	s22 =	simm.s32 $0x1BFF;
	s21 =	sshll.u32 s6, $0x1;
	s3 =	sadd.s32 s4, s19  }
0x9c: {  	s7 =	simm.s32 $0x0;
	s20 =	sshll.u32 s5, $0x1;
	s5 =	sadd.s32 s21, s3  }
0x9d: {  	[timem:s7], [sflag:s22] =	dma.local [hbm:s5], s20  }
0x9e: {  	_ =	swait.ge [sflag:s22], s20  }
0x9f: {  	s4 =	ssub.s32 $0x0, s20;
	[sflag:s22] =	ssyncset.done $0x0  }
0xa0: {  	[sflag:s22] =	ssyncadd.s32 s4;
	_ =	sdelay $0x1  }
0xa1: {  	s23 =	simm.s32 $0x1B8B  }
0xa2: {  	_ =	swait.ge [sflag:s23], $0x1  }
0xa3: {  	[sflag:s23] =	ssyncset.done $0x0  }
0xa4: {  	s25 =	simm.s32 $0x1B8E;
	s24 =	sld [smem:$0x3FFE];
	[sflag:s23] =	ssyncadd.s32 $0xFFFFFFFF  }
0xa5: {  	s26 =	simm.s32 $execute0_lowered;
	[smem:$0x3FD2] =	sst s25  }
0xa6: {  	s5 =	sshll.u32 s26, $0x1;
	_ =	strace $0x80000046;
	[dreg:$0x1] =	wrdreg $0xFFFFFFFF  }
0xa7: {  	s28 =	simm.s32 $_size_execute0_lowered;
	s3 =	sadd.s32 s3, s5;
	[dreg:$0x0] =	wrdreg $0x0  }
0xa8: {  	s5 =	sshll.u32 s28, $0x1;
	[dreg:$0x2] =	wrdreg s3  }
0xa9: {  	[dreg:$0x3] =	wrdreg s5  }
0xaa: {  	[dreg:$0x4] =	wrdreg $0xC0  }
0xab: {  	_ =	task [dreg:s7], $0x5FFFF  }
0xac: {  	[dreg:$0x1] =	wrdreg $0xFFFFFFFF  }
0xad: {  	[dreg:$0x0] =	wrdreg $0x60  }
0xae: {  	[dreg:$0x2] =	wrdreg s24  }
0xaf: {  	[dreg:$0x3] =	wrdreg s2  }
0xb0: {  	[dreg:$0x4] =	wrdreg $0x0  }
0xb1: {  	[dreg:$0x5] =	wrdreg $0x9  }
0xb2: {  	_ =	task.clear_ibuf [dreg:s7], $0x6FFFF;
	_ =	strace $0x90000046  }
0xb3: {  	s29 =	simm.s32 $0x9;
	_ =	strace $0x80000048  }
0xb4: {  	_ =	swait.ge [sflag:s29], $0x1  }
0xb5: {  	[sflag:s29] =	ssyncadd.s32 $0xFFFFFFFF  }
0xb6: {  	_ =	strace $0x90000048  }
0xb7: {  	_ =	sfence  }
0xb8: {  	s30 =	sld [smem:$0x0];
	_ =	sdelay $0x2  }
0xb9: {  	s31 =	sshll.u32 s1, $0xD;
	s1 =	sshrl.u32 s1, $0x2  }
0xba: {  	s3 =	sand.u32 $0x4000, s31;
	s1 =	sadd.s32 s1, s30  }
0xbb: {  	s0 =	sor.u32 s3, s0;
	s1 =	sshll.u32 s1, $0x11  }
0xbc: {  	s0 =	sor.u32 s1, s0  }
0xbd: {  	s0 =	sadd.s32 $0x8F2B, s0  }
0xbe: {  	[sflag:s0] =	ssyncadd.remote.s32 $0x1  }
0xbf: {  	_ =	sfence.sel $0xFFFF  }
0xc0: {  	[dreg:$0x0] =	wrdreg $0xFFFFFFFF;
	(pc) =	sbr.abs _section_cstart, $3  }
0xc1: {  	[dreg:$0x1] =	wrdreg $0xFFFFFFFF  }
0xc2: {  	_ =	task.clear_ibuf [dreg:s7], $0x2FFFF;
	_ =	strace $0x9FFFFFFF  }
0xc3: {  	(tm) =	ssettm $0x7FFFFFFF  }
tec
execute0_lowered:
.L_overlay_start_1:
0x0: {  	(tag) =	ssettag $0x1  }
0x1: {  	s0 =	rddreg [dreg:$0x0]  }
0x2: {  	s2 =	rddreg [dreg:$0x2];
	s3 =	simm.s32 $0x0;
	s1 =	srdreg.scid  }
0x3: {  	s6 =	stileid.u32;
	s13 =	simm.s32 $0x18AA8;
	s14 =	simm.s32 $0x80  }
0x4: {  	s15 =	simm.s32 $0x18EA8;
	s23 =	simm.s32 $0x18728;
	s24 =	simm.s32 $0x187A8  }
0x5: {  	s25 =	simm.s32 $0x18828;
	s26 =	simm.s32 $0x188A8;
	s28 =	simm.s32 $0x18B28  }
0x6: {  	s29 =	simm.s32 $0x18BA8;
	s30 =	simm.s32 $0x18C28;
	s31 =	simm.s32 $0x18CA8  }
0x7: {  	[smem:$0x7FF] =	sst s3;
	s1 =	sand.u32 $0x1, s1;
	s5 =	smul.u32 $0x6200, s6  }
0x8: {  	s8 =	smul.u32 $0x18680, s6;
	s17 =	sshll.u32 s6, $0x6;
	s11 =	sadd.s32 $0x186800, s2  }
0x9: {  	p0 =	sne.s32 s6, $0x0;
	_ =	strace $0x80000047;
	[dreg:$0x6] =	wrdreg s23  }
0xa: {  	s6 =	simm.s32 $0x18E28;
	s4 =	smul.u32 $0x30D40, s1;
	[dreg:$0x7] =	wrdreg s24  }
0xb: {  	s7 =	ssub.s32 $0x2, s1;
	s1 =	smul.u32 $0x186A00, s1;
	[dreg:$0x8] =	wrdreg s25  }
0xc: {  	s12 =	sor.u32 $0x1C03, s17;
	s17 =	simm.s32 $0x19EA8;
	[dreg:$0x9] =	wrdreg s26  }
0xd: {  	s23 =	simm.s32 $0x1BEA8;
	s24 =	simm.s32 $0x18A28;
	s25 =	simm.s32 $0x1C6A8  }
0xe: {  	s26 =	simm.s32 $0x1;
	s9 =	sadd.s32 s5, s0;
	s16 =	sshrl.u32 s7, $0x1  }
0xf: {  	s10 =	sadd.s32 s8, s2;
	s4 =	sadd.s32 s4, s0;
	s0 =	sadd.s32 $0x3600, s0  }
0x10: {  	s7 =	ssub.s32 s7, s16;
	s8 =	sadd.s32 s8, s1;
	s1 =	sshrl.u32 s1, $0x3  }
0x11: {  	s19 =	sadd.s32 $0xC7200, s9;
	s20 =	sadd.s32 $0x65200, s9;
	s22 =	sshrl.u32 s10, $0x3  }
0x12: {  	s10 =	simm.s32 $0x3;
	s9 =	sshrl.u32 @!p0 s11, $0x3;
	s16 =	simm.s32 $0x196A8  }
0x13: {  	s5 =	sadd.s32 $0x372600, s4;
	s18 =	sshrl.u32 s8, $0x3;
	[dreg:$0x4] =	wrdreg s19  }
0x14: {  	s8 =	smov.u32 s12;
	s21 =	smax.u32 s7, $0x1;
	[dreg:$0x5] =	wrdreg s20  }
0x15: {  	s11 =	smov.u32 s22;
	s12 =	simm.s32 $0x186A8;
	[dreg:$0xf] =	wrdreg s9  }
0x16: {  	s19 =	simm.s32 $0x1AEA8;
	s20 =	simm.s32 $0x18928;
	[dreg:$0xd] =	wrdreg s21  }
0x17: {  	s22 =	simm.s32 $0x189A8;
	s7 =	simm.s32 $0x2;
	[dreg:$0xa] =	wrdreg s8  }
0x18: {  	s4 =	sadd.s32 s0, s18;
	s0 =	sadd.s32 s0, s1;
	[dreg:$0xe] =	wrdreg s11  }
0x19: {  	s18 =	simm.s32 $0x1A6A8;
	[dreg:$0xb] =	wrdreg s4;
	s0 =	sadd.s32 $0x30D00, s0  }
0x1a: {  	s21 =	simm.s32 $0x1B6A8;
	s4 =	simm.s32 $0x0;
	[dreg:$0xc] =	wrdreg s0  }
0x1b: {  	s1 =	simm.s32 $0x18DA8;
	s0 =	simm.s32 $0x18D28;
	[dreg:$0x10] =	wrdreg s4  }
.LBB2_1:
0x1c: {  	s4 =	rddreg [dreg:$0x1]  }
0x1d: {  	[spmem:s11], [sflag:s8] =	dma.local [hbm:s4], $0x30D0  }
0x1e: {  	_ =	swait.ge [sflag:s10], $0x30D0  }
0x1f: {  	[sflag:s10] =	ssyncset.done $0x0  }
0x20: {  	[sflag:s10] =	ssyncadd.s32 $0xFFFFCF30  }
0x21: {  	[spmem:s9], [sflag:s8] =	dma.local @!p0 [hbm:s4], $0x50  }
0x22: {  	s4 =	simm.s32 @!p0 $0x3  }
0x23: {  	_ =	swait.ge @!p0 [sflag:s4], $0x50  }
0x24: {  	[sflag:s4] =	ssyncset.done @!p0 $0x0  }
0x25: {  	[sflag:s4] =	ssyncadd.s32 @!p0 $0xFFFFFFB0  }
0x26: {  	[bflag:$0x0] =	sbarrier.arrive $0xFFFF  }
0x27: {  	s11 =	rddreg [dreg:$0x5]  }
0x28: {  	s4 =	sadd.s32 $0x0, s11  }
0x29: {  	[tilespmem:s12], [sflag:$0x3] =	stream.linear.gather [hbm4b:s4+s3], $0x400, $0x38;
	[tilespmem:$0x1CEA8] =	vst v63  }
0x2a: {  	_ =	swait.ge [sflag:s10], $0x400  }
0x2b: {  	s8 =	rddreg [dreg:$0x4];
	[sflag:s10] =	ssyncset.done $0x0  }
0x2c: {  	[sflag:s10] =	ssyncadd.s32 $0xFFFFFC00;
	s4 =	sadd.s32 $0x0, s8  }
0x2d: {  	[tilespmem:s13], [sflag:$0x3] =	stream.linear.gather [hbm4b:s4+s3], $0x400, $0x38;
	[tilespmem:$0x1CEA8] =	vst v63  }
0x2e: {  	_ =	swait.ge [sflag:s10], $0x400  }
0x2f: {  	[sflag:s10] =	ssyncset.done $0x0  }
0x30: {  	[sflag:s10] =	ssyncadd.s32 $0xFFFFFC00  }
0x31: {  	[tilespmem:s15], [sflag:$0x1] =	stream.indirect.gather [hbm4b:s5+s14], $0x10, s12, s14, $0xb8;
	[tilespmem:$0x1CEA8] =	vst v63  }
0x32: {  	s9 =	rddreg [dreg:$0x6]  }
0x33: {  	[tilespmem:s16], [sflag:$0x1] =	stream.indirect.gather [hbm4b:s5+s14], $0x10, s9, s14, $0xb8;
	[tilespmem:$0x1CEA8] =	vst v63  }
0x34: {  	s11 =	rddreg [dreg:$0x7]  }
0x35: {  	[tilespmem:s17], [sflag:$0x1] =	stream.indirect.gather [hbm4b:s5+s14], $0x10, s11, s14, $0xb8;
	[tilespmem:$0x1CEA8] =	vst v63  }
0x36: {  	s8 =	rddreg [dreg:$0x8]  }
0x37: {  	[tilespmem:s18], [sflag:$0x1] =	stream.indirect.gather [hbm4b:s5+s14], $0x10, s8, s14, $0xb8;
	[tilespmem:$0x1CEA8] =	vst v63  }
0x38: {  	s11 =	rddreg [dreg:$0x9]  }
0x39: {  	[tilespmem:s19], [sflag:$0x1] =	stream.indirect.gather [hbm4b:s5+s14], $0x10, s11, s14, $0xb8;
	[tilespmem:$0x1CEA8] =	vst v63  }
0x3a: {  	_ = 	snop  }
0x3b: {  	[tilespmem:s21], [sflag:$0x1] =	stream.indirect.gather [hbm4b:s5+s14], $0x10, s20, s14, $0xb8;
	[tilespmem:$0x1CEA8] =	vst v63  }
0x3c: {  	_ = 	snop  }
0x3d: {  	[tilespmem:s23], [sflag:$0x1] =	stream.indirect.gather [hbm4b:s5+s14], $0x10, s22, s14, $0xb8;
	[tilespmem:$0x1CEA8] =	vst v63  }
0x3e: {  	_ = 	snop  }
0x3f: {  	[tilespmem:s25], [sflag:$0x1] =	stream.indirect.gather [hbm4b:s5+s14], $0x10, s24, s14, $0xb8;
	[tilespmem:$0x1CEA8] =	vst v63  }
0x40: {  	_ =	swait.ge [sflag:s26], $0x800  }
0x41: {  	[sflag:s26] =	ssyncset.done $0x0  }
0x42: {  	[sflag:s26] =	ssyncadd.s32 $0xFFFFF800  }
0x43: {  	[spmem:s2] =	stream.indirect.scatter.add.f32 [tilespmem:s15], [sflag:$0x2], $0x10, s13, s14, $0xb8;
	[tilespmem:$0x1CEA8] =	vst v63  }
0x44: {  	_ =	swait.ge [sflag:s26], $0x800  }
0x45: {  	[sflag:s26] =	ssyncset.done $0x0  }
0x46: {  	[sflag:s26] =	ssyncadd.s32 $0xFFFFF800  }
0x47: {  	[spmem:s2] =	stream.indirect.scatter.add.f32 [tilespmem:s16], [sflag:$0x2], $0x10, s28, s14, $0xb8;
	[tilespmem:$0x1CEA8] =	vst v63  }
0x48: {  	_ =	swait.ge [sflag:s26], $0x800  }
0x49: {  	[sflag:s26] =	ssyncset.done $0x0  }
0x4a: {  	[sflag:s26] =	ssyncadd.s32 $0xFFFFF800  }
0x4b: {  	[spmem:s2] =	stream.indirect.scatter.add.f32 [tilespmem:s17], [sflag:$0x2], $0x10, s29, s14, $0xb8;
	[tilespmem:$0x1CEA8] =	vst v63  }
0x4c: {  	_ =	swait.ge [sflag:s26], $0x800  }
0x4d: {  	[sflag:s26] =	ssyncset.done $0x0  }
0x4e: {  	[sflag:s26] =	ssyncadd.s32 $0xFFFFF800  }
0x4f: {  	[spmem:s2] =	stream.indirect.scatter.add.f32 [tilespmem:s18], [sflag:$0x2], $0x10, s30, s14, $0xb8;
	[tilespmem:$0x1CEA8] =	vst v63  }
0x50: {  	_ =	swait.ge [sflag:s26], $0x800  }
0x51: {  	[sflag:s26] =	ssyncset.done $0x0  }
0x52: {  	[sflag:s26] =	ssyncadd.s32 $0xFFFFF800  }
0x53: {  	[spmem:s2] =	stream.indirect.scatter.add.f32 [tilespmem:s19], [sflag:$0x2], $0x10, s31, s14, $0xb8;
	[tilespmem:$0x1CEA8] =	vst v63  }
0x54: {  	_ =	swait.ge [sflag:s26], $0x800  }
0x55: {  	[sflag:s26] =	ssyncset.done $0x0  }
0x56: {  	[sflag:s26] =	ssyncadd.s32 $0xFFFFF800  }
0x57: {  	[spmem:s2] =	stream.indirect.scatter.add.f32 [tilespmem:s21], [sflag:$0x2], $0x10, s0, s14, $0xb8;
	[tilespmem:$0x1CEA8] =	vst v63  }
0x58: {  	_ =	swait.ge [sflag:s26], $0x800  }
0x59: {  	[sflag:s26] =	ssyncset.done $0x0  }
0x5a: {  	[sflag:s26] =	ssyncadd.s32 $0xFFFFF800  }
0x5b: {  	[spmem:s2] =	stream.indirect.scatter.add.f32 [tilespmem:s23], [sflag:$0x2], $0x10, s1, s14, $0xb8;
	[tilespmem:$0x1CEA8] =	vst v63  }
0x5c: {  	_ =	swait.ge [sflag:s26], $0x800  }
0x5d: {  	[sflag:s26] =	ssyncset.done $0x0  }
0x5e: {  	[sflag:s26] =	ssyncadd.s32 $0xFFFFF800  }
0x5f: {  	[spmem:s2] =	stream.indirect.scatter.add.f32 [tilespmem:s25], [sflag:$0x2], $0x10, s6, s14, $0xb8;
	[tilespmem:$0x1CEA8] =	vst v63  }
0x60: {  	_ =	swait.ge [sflag:s7], $0x800  }
0x61: {  	[sflag:s7] =	ssyncset.done $0x0  }
0x62: {  	[sflag:s7] =	ssyncadd.s32 $0xFFFFF800  }
0x63: {  	_ =	swait.ge [sflag:s7], $0x800  }
0x64: {  	[sflag:s7] =	ssyncset.done $0x0  }
0x65: {  	[sflag:s7] =	ssyncadd.s32 $0xFFFFF800  }
0x66: {  	_ =	swait.ge [sflag:s7], $0x800  }
0x67: {  	[sflag:s7] =	ssyncset.done $0x0  }
0x68: {  	[sflag:s7] =	ssyncadd.s32 $0xFFFFF800  }
0x69: {  	_ =	swait.ge [sflag:s7], $0x800  }
0x6a: {  	[sflag:s7] =	ssyncset.done $0x0  }
0x6b: {  	[sflag:s7] =	ssyncadd.s32 $0xFFFFF800  }
0x6c: {  	_ =	swait.ge [sflag:s7], $0x800  }
0x6d: {  	[sflag:s7] =	ssyncset.done $0x0  }
0x6e: {  	[sflag:s7] =	ssyncadd.s32 $0xFFFFF800  }
0x6f: {  	_ =	swait.ge [sflag:s7], $0x800  }
0x70: {  	[sflag:s7] =	ssyncset.done $0x0  }
0x71: {  	[sflag:s7] =	ssyncadd.s32 $0xFFFFF800  }
0x72: {  	_ =	swait.ge [sflag:s7], $0x800  }
0x73: {  	[sflag:s7] =	ssyncset.done $0x0  }
0x74: {  	[sflag:s7] =	ssyncadd.s32 $0xFFFFF800  }
0x75: {  	s9 =	simm.s32 $0x80;
	_ =	swait.ge [sflag:s7], $0x800  }
0x76: {  	s11 =	simm.s32 $0x100;
	s4 =	rddreg [dreg:$0x5];
	[sflag:s7] =	ssyncset.done $0x0  }
.LBB2_2:
0x77: {  	[sflag:s7] =	ssyncadd.s32 $0xFFFFF800;
	s4 =	sadd.s32 s9, s4  }
0x78: {  	[tilespmem:s12], [sflag:$0x3] =	stream.linear.gather [hbm4b:s4+s3], $0x400, $0x38;
	[tilespmem:$0x1CEA8] =	vst v63  }
0x79: {  	_ =	swait.ge [sflag:s10], $0x400  }
0x7a: {  	s4 =	rddreg [dreg:$0x4];
	[sflag:s10] =	ssyncset.done $0x0  }
0x7b: {  	[sflag:s10] =	ssyncadd.s32 $0xFFFFFC00;
	s4 =	sadd.s32 s9, s4  }
0x7c: {  	[tilespmem:s13], [sflag:$0x3] =	stream.linear.gather [hbm4b:s4+s3], $0x400, $0x38;
	[tilespmem:$0x1CEA8] =	vst v63  }
0x7d: {  	_ =	swait.ge [sflag:s10], $0x400  }
0x7e: {  	[sflag:s10] =	ssyncset.done $0x0  }
0x7f: {  	[sflag:s10] =	ssyncadd.s32 $0xFFFFFC00  }
0x80: {  	[tilespmem:s15], [sflag:$0x1] =	stream.indirect.gather [hbm4b:s5+s14], $0x10, s12, s14, $0xb8;
	[tilespmem:$0x1CEA8] =	vst v63  }
0x81: {  	s8 =	smov.u32 s11;
	s4 =	rddreg [dreg:$0x6]  }
0x82: {  	[tilespmem:s16], [sflag:$0x1] =	stream.indirect.gather [hbm4b:s5+s14], $0x10, s4, s14, $0xb8;
	[tilespmem:$0x1CEA8] =	vst v63  }
0x83: {  	s9 =	smov.u32 s8;
	s8 =	rddreg [dreg:$0x7]  }
0x84: {  	[tilespmem:s17], [sflag:$0x1] =	stream.indirect.gather [hbm4b:s5+s14], $0x10, s8, s14, $0xb8;
	[tilespmem:$0x1CEA8] =	vst v63  }
0x85: {  	s4 =	rddreg [dreg:$0x8]  }
0x86: {  	[tilespmem:s18], [sflag:$0x1] =	stream.indirect.gather [hbm4b:s5+s14], $0x10, s4, s14, $0xb8;
	[tilespmem:$0x1CEA8] =	vst v63  }
0x87: {  	s8 =	rddreg [dreg:$0x9]  }
0x88: {  	[tilespmem:s19], [sflag:$0x1] =	stream.indirect.gather [hbm4b:s5+s14], $0x10, s8, s14, $0xb8;
	[tilespmem:$0x1CEA8] =	vst v63  }
0x89: {  	_ = 	snop  }
0x8a: {  	[tilespmem:s21], [sflag:$0x1] =	stream.indirect.gather [hbm4b:s5+s14], $0x10, s20, s14, $0xb8;
	[tilespmem:$0x1CEA8] =	vst v63  }
0x8b: {  	_ = 	snop  }
0x8c: {  	[tilespmem:s23], [sflag:$0x1] =	stream.indirect.gather [hbm4b:s5+s14], $0x10, s22, s14, $0xb8;
	[tilespmem:$0x1CEA8] =	vst v63  }
0x8d: {  	_ = 	snop  }
0x8e: {  	[tilespmem:s25], [sflag:$0x1] =	stream.indirect.gather [hbm4b:s5+s14], $0x10, s24, s14, $0xb8;
	[tilespmem:$0x1CEA8] =	vst v63  }
0x8f: {  	_ =	swait.ge [sflag:s26], $0x800  }
0x90: {  	[sflag:s26] =	ssyncset.done $0x0  }
0x91: {  	[sflag:s26] =	ssyncadd.s32 $0xFFFFF800  }
0x92: {  	[spmem:s2] =	stream.indirect.scatter.add.f32 [tilespmem:s15], [sflag:$0x2], $0x10, s13, s14, $0xb8;
	[tilespmem:$0x1CEA8] =	vst v63  }
0x93: {  	_ =	swait.ge [sflag:s26], $0x800  }
0x94: {  	[sflag:s26] =	ssyncset.done $0x0  }
0x95: {  	[sflag:s26] =	ssyncadd.s32 $0xFFFFF800  }
0x96: {  	[spmem:s2] =	stream.indirect.scatter.add.f32 [tilespmem:s16], [sflag:$0x2], $0x10, s28, s14, $0xb8;
	[tilespmem:$0x1CEA8] =	vst v63  }
0x97: {  	_ =	swait.ge [sflag:s26], $0x800  }
0x98: {  	[sflag:s26] =	ssyncset.done $0x0  }
0x99: {  	[sflag:s26] =	ssyncadd.s32 $0xFFFFF800  }
0x9a: {  	[spmem:s2] =	stream.indirect.scatter.add.f32 [tilespmem:s17], [sflag:$0x2], $0x10, s29, s14, $0xb8;
	[tilespmem:$0x1CEA8] =	vst v63  }
0x9b: {  	_ =	swait.ge [sflag:s26], $0x800  }
0x9c: {  	[sflag:s26] =	ssyncset.done $0x0  }
0x9d: {  	[sflag:s26] =	ssyncadd.s32 $0xFFFFF800  }
0x9e: {  	[spmem:s2] =	stream.indirect.scatter.add.f32 [tilespmem:s18], [sflag:$0x2], $0x10, s30, s14, $0xb8;
	[tilespmem:$0x1CEA8] =	vst v63  }
0x9f: {  	_ =	swait.ge [sflag:s26], $0x800  }
0xa0: {  	[sflag:s26] =	ssyncset.done $0x0  }
0xa1: {  	[sflag:s26] =	ssyncadd.s32 $0xFFFFF800  }
0xa2: {  	[spmem:s2] =	stream.indirect.scatter.add.f32 [tilespmem:s19], [sflag:$0x2], $0x10, s31, s14, $0xb8;
	[tilespmem:$0x1CEA8] =	vst v63  }
0xa3: {  	_ =	swait.ge [sflag:s26], $0x800  }
0xa4: {  	[sflag:s26] =	ssyncset.done $0x0  }
0xa5: {  	[sflag:s26] =	ssyncadd.s32 $0xFFFFF800  }
0xa6: {  	[spmem:s2] =	stream.indirect.scatter.add.f32 [tilespmem:s21], [sflag:$0x2], $0x10, s0, s14, $0xb8;
	[tilespmem:$0x1CEA8] =	vst v63  }
0xa7: {  	_ =	swait.ge [sflag:s26], $0x800  }
0xa8: {  	[sflag:s26] =	ssyncset.done $0x0  }
0xa9: {  	[sflag:s26] =	ssyncadd.s32 $0xFFFFF800  }
0xaa: {  	[spmem:s2] =	stream.indirect.scatter.add.f32 [tilespmem:s23], [sflag:$0x2], $0x10, s1, s14, $0xb8;
	[tilespmem:$0x1CEA8] =	vst v63  }
0xab: {  	_ =	swait.ge [sflag:s26], $0x800  }
0xac: {  	[sflag:s26] =	ssyncset.done $0x0  }
0xad: {  	[sflag:s26] =	ssyncadd.s32 $0xFFFFF800  }
0xae: {  	[spmem:s2] =	stream.indirect.scatter.add.f32 [tilespmem:s25], [sflag:$0x2], $0x10, s6, s14, $0xb8;
	[tilespmem:$0x1CEA8] =	vst v63  }
0xaf: {  	_ =	swait.ge [sflag:s7], $0x800  }
0xb0: {  	[sflag:s7] =	ssyncset.done $0x0  }
0xb1: {  	[sflag:s7] =	ssyncadd.s32 $0xFFFFF800  }
0xb2: {  	_ =	swait.ge [sflag:s7], $0x800  }
0xb3: {  	[sflag:s7] =	ssyncset.done $0x0  }
0xb4: {  	[sflag:s7] =	ssyncadd.s32 $0xFFFFF800  }
0xb5: {  	_ =	swait.ge [sflag:s7], $0x800  }
0xb6: {  	[sflag:s7] =	ssyncset.done $0x0  }
0xb7: {  	[sflag:s7] =	ssyncadd.s32 $0xFFFFF800  }
0xb8: {  	_ =	swait.ge [sflag:s7], $0x800  }
0xb9: {  	[sflag:s7] =	ssyncset.done $0x0  }
0xba: {  	[sflag:s7] =	ssyncadd.s32 $0xFFFFF800  }
0xbb: {  	_ =	swait.ge [sflag:s7], $0x800  }
0xbc: {  	[sflag:s7] =	ssyncset.done $0x0  }
0xbd: {  	[sflag:s7] =	ssyncadd.s32 $0xFFFFF800  }
0xbe: {  	_ =	swait.ge [sflag:s7], $0x800  }
0xbf: {  	[sflag:s7] =	ssyncset.done $0x0  }
0xc0: {  	p1 =	sne.s32 s11, $0x6180;
	[sflag:s7] =	ssyncadd.s32 $0xFFFFF800  }
.Ltmp0:
0xc1: {  	_ =	swait.ge [sflag:s7], $0x800;
	(pc) =	sbr.rel @p1 .LBB2_2-.Ltmp0, $4  }
0xc2: {  	[sflag:s7] =	ssyncset.done $0x0  }
0xc3: {  	[sflag:s7] =	ssyncadd.s32 $0xFFFFF800  }
0xc4: {  	_ =	swait.ge [sflag:s7], $0x800  }
0xc5: {  	s11 =	sadd.s32 $0x80, s11;
	s4 =	rddreg [dreg:$0x5];
	[sflag:s7] =	ssyncset.done $0x0  }
0xc6: {  	[sflag:s7] =	ssyncadd.s32 $0xFFFFF800;
	s4 =	sadd.s32 s9, s4  }
0xc7: {  	[tilespmem:s12], [sflag:$0x3] =	stream.linear.gather [hbm4b:s4+s3], $0x400, $0x38;
	[tilespmem:$0x1CEA8] =	vst v63  }
0xc8: {  	_ =	swait.ge [sflag:s10], $0x400  }
0xc9: {  	s8 =	rddreg [dreg:$0x4];
	[sflag:s10] =	ssyncset.done $0x0  }
0xca: {  	[sflag:s10] =	ssyncadd.s32 $0xFFFFFC00;
	s4 =	sadd.s32 s9, s8  }
0xcb: {  	[tilespmem:s13], [sflag:$0x3] =	stream.linear.gather [hbm4b:s4+s3], $0x400, $0x38;
	[tilespmem:$0x1CEA8] =	vst v63  }
0xcc: {  	_ =	swait.ge [sflag:s10], $0x400  }
0xcd: {  	[sflag:s10] =	ssyncset.done $0x0  }
0xce: {  	[sflag:s10] =	ssyncadd.s32 $0xFFFFFC00  }
0xcf: {  	[tilespmem:s15], [sflag:$0x1] =	stream.indirect.gather [hbm4b:s5+s14], $0x10, s12, s14, $0xb8;
	[tilespmem:$0x1CEA8] =	vst v63  }
0xd0: {  	s11 =	rddreg [dreg:$0x6]  }
0xd1: {  	[tilespmem:s16], [sflag:$0x1] =	stream.indirect.gather [hbm4b:s5+s14], $0x10, s11, s14, $0xb8;
	[tilespmem:$0x1CEA8] =	vst v63  }
0xd2: {  	s8 =	rddreg [dreg:$0x7]  }
0xd3: {  	[tilespmem:s17], [sflag:$0x1] =	stream.indirect.gather [hbm4b:s5+s14], $0x10, s8, s14, $0xb8;
	[tilespmem:$0x1CEA8] =	vst v63  }
0xd4: {  	s9 =	rddreg [dreg:$0x8]  }
0xd5: {  	[tilespmem:s18], [sflag:$0x1] =	stream.indirect.gather [hbm4b:s5+s14], $0x10, s9, s14, $0xb8;
	[tilespmem:$0x1CEA8] =	vst v63  }
0xd6: {  	s11 =	rddreg [dreg:$0x9]  }
0xd7: {  	[tilespmem:s19], [sflag:$0x1] =	stream.indirect.gather [hbm4b:s5+s14], $0x10, s11, s14, $0xb8;
	[tilespmem:$0x1CEA8] =	vst v63  }
0xd8: {  	_ = 	snop  }
0xd9: {  	[tilespmem:s21], [sflag:$0x1] =	stream.indirect.gather [hbm4b:s5+s14], $0x10, s20, s14, $0xb8;
	[tilespmem:$0x1CEA8] =	vst v63  }
0xda: {  	_ = 	snop  }
0xdb: {  	[tilespmem:s23], [sflag:$0x1] =	stream.indirect.gather [hbm4b:s5+s14], $0x10, s22, s14, $0xb8;
	[tilespmem:$0x1CEA8] =	vst v63  }
0xdc: {  	_ = 	snop  }
0xdd: {  	[tilespmem:s25], [sflag:$0x1] =	stream.indirect.gather [hbm4b:s5+s14], $0x10, s24, s14, $0xb8;
	[tilespmem:$0x1CEA8] =	vst v63  }
0xde: {  	_ =	swait.ge [sflag:s26], $0x800  }
0xdf: {  	[sflag:s26] =	ssyncset.done $0x0  }
0xe0: {  	[sflag:s26] =	ssyncadd.s32 $0xFFFFF800  }
0xe1: {  	[spmem:s2] =	stream.indirect.scatter.add.f32 [tilespmem:s15], [sflag:$0x2], $0x10, s13, s14, $0xb8;
	[tilespmem:$0x1CEA8] =	vst v63  }
0xe2: {  	_ =	swait.ge [sflag:s26], $0x800  }
0xe3: {  	[sflag:s26] =	ssyncset.done $0x0  }
0xe4: {  	[sflag:s26] =	ssyncadd.s32 $0xFFFFF800  }
0xe5: {  	[spmem:s2] =	stream.indirect.scatter.add.f32 [tilespmem:s16], [sflag:$0x2], $0x10, s28, s14, $0xb8;
	[tilespmem:$0x1CEA8] =	vst v63  }
0xe6: {  	_ =	swait.ge [sflag:s26], $0x800  }
0xe7: {  	[sflag:s26] =	ssyncset.done $0x0  }
0xe8: {  	[sflag:s26] =	ssyncadd.s32 $0xFFFFF800  }
0xe9: {  	[spmem:s2] =	stream.indirect.scatter.add.f32 [tilespmem:s17], [sflag:$0x2], $0x10, s29, s14, $0xb8;
	[tilespmem:$0x1CEA8] =	vst v63  }
0xea: {  	_ =	swait.ge [sflag:s26], $0x800  }
0xeb: {  	[sflag:s26] =	ssyncset.done $0x0  }
0xec: {  	[sflag:s26] =	ssyncadd.s32 $0xFFFFF800  }
0xed: {  	[spmem:s2] =	stream.indirect.scatter.add.f32 [tilespmem:s18], [sflag:$0x2], $0x10, s30, s14, $0xb8;
	[tilespmem:$0x1CEA8] =	vst v63  }
0xee: {  	_ =	swait.ge [sflag:s26], $0x800  }
0xef: {  	[sflag:s26] =	ssyncset.done $0x0  }
0xf0: {  	[sflag:s26] =	ssyncadd.s32 $0xFFFFF800  }
0xf1: {  	[spmem:s2] =	stream.indirect.scatter.add.f32 [tilespmem:s19], [sflag:$0x2], $0x10, s31, s14, $0xb8;
	[tilespmem:$0x1CEA8] =	vst v63  }
0xf2: {  	_ =	swait.ge [sflag:s26], $0x800  }
0xf3: {  	[sflag:s26] =	ssyncset.done $0x0  }
0xf4: {  	[sflag:s26] =	ssyncadd.s32 $0xFFFFF800  }
0xf5: {  	[spmem:s2] =	stream.indirect.scatter.add.f32 [tilespmem:s21], [sflag:$0x2], $0x10, s0, s14, $0xb8;
	[tilespmem:$0x1CEA8] =	vst v63  }
0xf6: {  	_ =	swait.ge [sflag:s26], $0x800  }
0xf7: {  	[sflag:s26] =	ssyncset.done $0x0  }
0xf8: {  	[sflag:s26] =	ssyncadd.s32 $0xFFFFF800  }
0xf9: {  	[spmem:s2] =	stream.indirect.scatter.add.f32 [tilespmem:s23], [sflag:$0x2], $0x10, s1, s14, $0xb8;
	[tilespmem:$0x1CEA8] =	vst v63  }
0xfa: {  	_ =	swait.ge [sflag:s26], $0x800  }
0xfb: {  	[sflag:s26] =	ssyncset.done $0x0  }
0xfc: {  	[sflag:s26] =	ssyncadd.s32 $0xFFFFF800  }
0xfd: {  	[spmem:s2] =	stream.indirect.scatter.add.f32 [tilespmem:s25], [sflag:$0x2], $0x10, s6, s14, $0xb8;
	[tilespmem:$0x1CEA8] =	vst v63  }
0xfe: {  	_ =	swait.ge [sflag:s7], $0x800  }
0xff: {  	[sflag:s7] =	ssyncset.done $0x0  }
0x100: {  	[sflag:s7] =	ssyncadd.s32 $0xFFFFF800  }
0x101: {  	_ =	swait.ge [sflag:s7], $0x800  }
0x102: {  	[sflag:s7] =	ssyncset.done $0x0  }
0x103: {  	[sflag:s7] =	ssyncadd.s32 $0xFFFFF800  }
0x104: {  	_ =	swait.ge [sflag:s7], $0x800  }
0x105: {  	[sflag:s7] =	ssyncset.done $0x0  }
0x106: {  	[sflag:s7] =	ssyncadd.s32 $0xFFFFF800  }
0x107: {  	_ =	swait.ge [sflag:s7], $0x800  }
0x108: {  	[sflag:s7] =	ssyncset.done $0x0  }
0x109: {  	[sflag:s7] =	ssyncadd.s32 $0xFFFFF800  }
0x10a: {  	_ =	swait.ge [sflag:s7], $0x800  }
0x10b: {  	[sflag:s7] =	ssyncset.done $0x0  }
0x10c: {  	[sflag:s7] =	ssyncadd.s32 $0xFFFFF800  }
0x10d: {  	_ =	swait.ge [sflag:s7], $0x800  }
0x10e: {  	[sflag:s7] =	ssyncset.done $0x0  }
0x10f: {  	[sflag:s7] =	ssyncadd.s32 $0xFFFFF800  }
0x110: {  	_ =	swait.ge [sflag:s7], $0x800  }
0x111: {  	[sflag:s7] =	ssyncset.done $0x0  }
0x112: {  	[sflag:s7] =	ssyncadd.s32 $0xFFFFF800  }
0x113: {  	_ =	swait.ge [sflag:s7], $0x800  }
0x114: {  	[sflag:s7] =	ssyncset.done $0x0  }
0x115: {  	[sflag:s7] =	ssyncadd.s32 $0xFFFFF800  }
0x116: {  	[bflag:$0x0] =	sbarrier.arrive $0xFFFF  }
0x117: {  	s8 =	rddreg [dreg:$0xa]  }
0x118: {  	s9 =	rddreg [dreg:$0xb]  }
0x119: {  	s11 =	rddreg [dreg:$0xe]  }
0x11a: {  	[hbm:s9], [sflag:s8] =	dma.local [spmem:s11], $0x30D0  }
0x11b: {  	_ =	swait.ge [sflag:s10], $0x30D0  }
0x11c: {  	[sflag:s10] =	ssyncset.done $0x0;
	s4 =	rddreg [dreg:$0xc]  }
0x11d: {  	s9 =	simm.s32 @!p0 $0x3;
	s11 =	rddreg [dreg:$0xf];
	[sflag:s10] =	ssyncadd.s32 $0xFFFFCF30  }
0x11e: {  	[hbm:s4], [sflag:s8] =	dma.local @!p0 [spmem:s11], $0x40  }
0x11f: {  	_ =	swait.ge @!p0 [sflag:s9], $0x40  }
0x120: {  	s4 =	rddreg [dreg:$0x10]  }
0x121: {  	[sflag:s9] =	ssyncset.done @!p0 $0x0;
	s9 =	rddreg [dreg:$0xd];
	s4 =	sadd.s32 $0x1, s4  }
0x122: {  	p1 =	sne.s32 s4, s9  }
.Ltmp1:
0x123: {  	_ = 	snop;
	(pc) =	sbr.rel @p1 .LBB2_1-.Ltmp1, $3  }
0x124: {  	_ =	sdelay $0x1  }
0x125: {  	[dreg:$0x10] =	wrdreg s4;
	s4 =	simm.s32 @!p0 $0x3  }
0x126: {  	s9 =	smov.u32 s11;
	s11 =	rddreg [dreg:$0xe];
	[sflag:s4] =	ssyncadd.s32 @!p0 $0xFFFFFFC0  }
0x127: {  	_ =	sfence.sel $0x180000  }
0x128: {  	[bflag:$0x0] =	sbarrier.arrive $0xFFFF  }
0x129: {  	_ =	strace $0x90000047  }
0x12a: {  	[bflag:$0x2] =	sbarrier.arrive $0xFFFF  }
0x12b: {  	s0 =	rddreg [dreg:$0x3]  }
0x12c: {  	s0 =	sadd.s32 @!p0 $0x100000, s0  }
0x12d: {  	[sflag:s0] =	ssyncadd.tile.s32 @!p0 $0x1;
	_ =	shalt  }
.Lfunc_end2:
_tile_overlayer_lowered:
.L_overlay_start_2:
0x12e: {  	(tag) =	ssettag $0x2  }
0x12f: {  	s0 =	rddreg [dreg:$0x0];
	s2 =	stileid.u32  }
0x130: {  	s1 =	rddreg [dreg:$0x1];
	p0 =	sne.s32 s2, $0x0  }
0x131: {  	s3 =	rddreg [dreg:$0x2];
	[bflag:$0x3] =	sbarrier.arrive $0xFFFF;
	s2 =	simm.s32 @!p0 $0x1C03  }
0x132: {  	[timem:s3], [sflag:s2] =	dma.local @!p0 [hbm:s0], s1  }
0x133: {  	s0 =	simm.s32 @!p0 $0x3  }
0x134: {  	_ =	swait.ge @!p0 [sflag:s0], s1  }
0x135: {  	s1 =	ssub.s32 @!p0 $0x0, s1;
	[sflag:s0] =	ssyncset.done @!p0 $0x0  }
0x136: {  	[sflag:s0] =	ssyncadd.s32 @!p0 s1  }
0x137: {  	[bflag:$0x3] =	sbarrier.arrive $0xFFFF  }
0x138: {  	_ =	shalt  }

// kernel: kernel.9.cloned.1.call-start
scs
__scs_entry_jumppad:
0x0: {  	(pc) =	sbr.rel $0x88, $3  }
0x1: {  	(tag) =	ssettag $0x0;
	lr =	simm.s32 $0x1  }
0x2: {  	[smem:$0x3F99] =	sst lr;
	_ =	strace $0xD0000000  }
0x3: {  	_ = 	snop  }
0x4: {  	_ = 	snop  }
0x5: {  	_ = 	snop  }
0x6: {  	_ = 	snop  }
0x7: {  	_ = 	snop  }
__scs_overlays_trampoline_lowered:
0x8: {  	[smem:$0x3FA8] =	sst s0  }
0x9: {  	[smem:$0x3FA9] =	sst s1  }
0xa: {  	[smem:$0x3FAA] =	sst s2  }
0xb: {  	[smem:$0x3FAB] =	sst s3  }
0xc: {  	[smem:$0x3FAC] =	sst s4  }
0xd: {  	[smem:$0x3FAD] =	sst s5  }
0xe: {  	[smem:$0x3FAE] =	sst s6  }
0xf: {  	[smem:$0x3FAF] =	sst s7  }
0x10: {  	[smem:$0x3FB0] =	sst s8  }
0x11: {  	[smem:$0x3FB1] =	sst s9;
	s0 =	simm.s32 @!p0 $0x0  }
0x12: {  	s1 =	sld [smem:$0x3F97];
	s0 =	simm.s32 @p0 $0x1  }
0x13: {  	[smem:$0x3FB2] =	sst s0;
	s0 =	simm.s32 @!p1 $0x0  }
0x14: {  	s2 =	sld [smem:$0x3F96];
	s0 =	simm.s32 @p1 $0x1  }
0x15: {  	[smem:$0x3FB3] =	sst s0;
	s0 =	simm.s32 @!p2 $0x0  }
0x16: {  	s3 =	sld [smem:$0x3FDB];
	s0 =	simm.s32 @p2 $0x1  }
0x17: {  	s4 =	simm.s32 $0x1BF5;
	[smem:$0x3FB5] =	sst s0  }
0x18: {  	s0 =	sld [smem:$0x3F98];
	_ =	swait.ge [sflag:s4], $0x0  }
0x19: {  	s7 =	sld [smem:$0x3F99]  }
0x1a: {  	s8 =	sadd.s32 $0xFFFFE003, lr  }
0x1b: {  	s9 =	sadd.s32 $0xFFFFFEF7, lr;
	s5 =	simm.s32 $0xFFFFFFFF;
	p2 =	slt.u32 s8, $0xFFFFF086  }
0x1c: {  	p1 =	slt.u32 s9, $0xF7A;
	s5 =	simm.s32 @!p2 $0x0  }
0x1d: {  	s5 =	simm.s32 @p1 $0x1;
	p0 =	seq.s32 s7, s2  }
0x1e: {  	s7 =	smul.u32 @!p0 $0xF7A, s2;
	p2 =	seq.s32 @!p0 s5, $0x0  }
0x1f: {  	s9 =	smul.u32 $0xF7A, s1;
	s8 =	simm.s32 @!p0 $0x1BF5;
	p2 =	por !p2, p0  }
0x20: {  	[sflag:s8] =	ssyncset.s32 @!p0 $0xFFFFF086;
	s6 =	sadd.s32 @!p0 s3, s7;
	s7 =	simm.s32 @!p0 $0x108  }
0x21: {  	s3 =	sadd.s32 s3, s9;
	s6 =	sadd.s32 @!p0 $0x88, s6;
	s7 =	simm.s32 @p2 $0x1082  }
0x22: {  	[simem:s7], [sflag:s8] =	dma.local @!p0 [hbm:s6], $0xF7A  }
0x23: {  	s9 =	sor.u32 $0xD0000000, s2;
	s6 =	simm.s32 $0x108;
	_ =	swait.ge @!p0 [sflag:s8], $0x0  }
0x24: {  	s3 =	sadd.s32 $0x88, s3;
	s6 =	simm.s32 @!p1 $0x1082;
	[sflag:s4] =	ssyncset.s32 $0xFFFFF086  }
0x25: {  	[simem:s6], [sflag:s4] =	dma.local [hbm:s3], $0xF7A  }
0x26: {  	[smem:$0x3F99] =	sst s1;
	(tag) =	ssettag s2;
	_ =	strace s9  }
0x27: {  	s1 =	sld [smem:$0x3FA9]  }
0x28: {  	s2 =	sld [smem:$0x3FAA]  }
0x29: {  	s4 =	sld [smem:$0x3FAC]  }
0x2a: {  	p0 =	seq.s32 s5, $0x0;
	s5 =	sld [smem:$0x3FAD]  }
0x2b: {  	s6 =	sld [smem:$0x3FAE]  }
0x2c: {  	s7 =	sld [smem:$0x3FAF]  }
0x2d: {  	s3 =	simm.s32 $0x108;
	s8 =	sld [smem:$0x3FB0]  }
0x2e: {  	s3 =	simm.s32 @!p0 $0x1082;
	s9 =	sld [smem:$0x3FB1]  }
0x2f: {  	lr =	sadd.s32 s0, s3;
	s0 =	sld [smem:$0x3FA8]  }
0x30: {  	s3 =	sld [smem:$0x3FAB]  }
0x31: {  	[smem:$0x3FB4] =	sst s10  }
0x32: {  	s10 =	sld [smem:$0x3FB2];
	_ =	sdelay $0x3  }
0x33: {  	p0 =	seq.s32 s10, $0x1;
	s10 =	sld [smem:$0x3FB4];
	_ =	sdelay $0x3  }
0x34: {  	[smem:$0x3FB4] =	sst s10  }
0x35: {  	s10 =	sld [smem:$0x3FB3];
	_ =	sdelay $0x3  }
0x36: {  	p1 =	seq.s32 s10, $0x1;
	s10 =	sld [smem:$0x3FB4];
	_ =	sdelay $0x3  }
0x37: {  	[smem:$0x3FB4] =	sst s10  }
0x38: {  	s10 =	sld [smem:$0x3FB5]  }
0x39: {  	_ = 	snop;
	(pc) =	sbr.ind lr, $3  }
0x3a: {  	_ = 	snop  }
0x3b: {  	_ = 	snop  }
0x3c: {  	p2 =	seq.s32 s10, $0x1;
	s10 =	sld [smem:$0x3FB4]  }
0x3d: {  	_ =	shalt  }
0x3e: {  	_ =	shalt  }
0x3f: {  	_ =	shalt  }
0x40: {  	_ =	shalt  }
0x41: {  	_ =	shalt  }
0x42: {  	_ =	shalt  }
0x43: {  	_ =	shalt  }
0x44: {  	_ =	shalt  }
0x45: {  	_ =	shalt  }
0x46: {  	_ =	shalt  }
0x47: {  	_ =	shalt  }
0x48: {  	_ =	shalt  }
0x49: {  	_ =	shalt  }
0x4a: {  	_ =	shalt  }
0x4b: {  	_ =	shalt  }
0x4c: {  	_ =	shalt  }
0x4d: {  	_ =	shalt  }
0x4e: {  	_ =	shalt  }
0x4f: {  	_ =	shalt  }
0x50: {  	_ =	shalt  }
0x51: {  	_ =	shalt  }
0x52: {  	_ =	shalt  }
0x53: {  	_ =	shalt  }
0x54: {  	_ =	shalt  }
0x55: {  	_ =	shalt  }
0x56: {  	_ =	shalt  }
0x57: {  	_ =	shalt  }
0x58: {  	_ =	shalt  }
0x59: {  	_ =	shalt  }
0x5a: {  	_ =	shalt  }
0x5b: {  	_ =	shalt  }
0x5c: {  	_ =	shalt  }
0x5d: {  	_ =	shalt  }
0x5e: {  	_ =	shalt  }
0x5f: {  	_ =	shalt  }
0x60: {  	_ =	shalt  }
0x61: {  	_ =	shalt  }
0x62: {  	_ =	shalt  }
0x63: {  	_ =	shalt  }
0x64: {  	_ =	shalt  }
0x65: {  	_ =	shalt  }
0x66: {  	_ =	shalt  }
0x67: {  	_ =	shalt  }
0x68: {  	_ =	shalt  }
0x69: {  	_ =	shalt  }
0x6a: {  	_ =	shalt  }
0x6b: {  	_ =	shalt  }
0x6c: {  	_ =	shalt  }
0x6d: {  	_ =	shalt  }
0x6e: {  	_ =	shalt  }
0x6f: {  	_ =	shalt  }
0x70: {  	_ =	shalt  }
0x71: {  	_ =	shalt  }
0x72: {  	_ =	shalt  }
0x73: {  	_ =	shalt  }
0x74: {  	_ =	shalt  }
0x75: {  	_ =	shalt  }
0x76: {  	_ =	shalt  }
0x77: {  	_ =	shalt  }
0x78: {  	_ =	shalt  }
0x79: {  	_ =	shalt  }
0x7a: {  	_ =	shalt  }
0x7b: {  	_ =	shalt  }
0x7c: {  	_ =	shalt  }
0x7d: {  	_ =	shalt  }
0x7e: {  	_ =	shalt  }
0x7f: {  	_ =	shalt  }
0x80: {  	_ =	shalt  }
0x81: {  	_ =	shalt  }
0x82: {  	_ =	shalt  }
0x83: {  	_ =	shalt  }
0x84: {  	_ =	shalt  }
0x85: {  	_ =	shalt  }
0x86: {  	_ =	shalt  }
0x87: {  	_ =	shalt  }
.Lfunc_end0:
.L_simem_size_0:
called_computation.1_lowered:
.L_overlay_start_0:
0x88: {  	s2 =	sld [smem:$0x3FD9]  }
0x89: {  	s3 =	sld [smem:$0x3FFE];
	_ =	sdelay $0x1  }
0x8a: {  	s1 =	srdreg.scid  }
0x8b: {  	s0 =	sand.u32 $0x1, s1  }
0x8c: {  	s17 =	sshll.u32 s0, $0xA;
	s2 =	sadd.s32 s3, s2  }
0x8d: {  	s2 =	sadd.s32 s2, s17  }
0x8e: {  	[smem:$0x3FC0] =	sst s2  }
0x8f: {  	_ = 	snop  }
0x90: {  	s2 =	sld [smem:$0x3FD0];
	(tm) =	ssettm $0x1  }
0x91: {  	s18 =	sld [smem:$0x3FFB];
	_ =	sdelay $0x3  }
0x92: {  	_ =	strace s18  }
0x93: {  	s3 =	sld [smem:$0x3FFC];
	_ =	sdelay $0x3  }
0x94: {  	_ =	strace s3  }
0x95: {  	s3 =	sld [smem:$0x3FFD];
	_ =	sdelay $0x3  }
0x96: {  	_ =	strace s3  }
0x97: {  	_ =	strace $0x8FFFFFFF  }
0x98: {  	s19 =	sld [smem:$0x3FDB];
	_ =	sdelay $0x1  }
0x99: {  	s4 =	simm.s32 $_scs_section_size  }
0x9a: {  	s5 =	simm.s32 $_size__tile_overlayer_lowered;
	s6 =	simm.s32 $_tile_overlayer_lowered  }
0x9b: {  	s22 =	simm.s32 $0x1BFF;
	s21 =	sshll.u32 s6, $0x1;
	s3 =	sadd.s32 s4, s19  }
0x9c: {  	s7 =	simm.s32 $0x0;
	s20 =	sshll.u32 s5, $0x1;
	s5 =	sadd.s32 s21, s3  }
0x9d: {  	[timem:s7], [sflag:s22] =	dma.local [hbm:s5], s20  }
0x9e: {  	_ =	swait.ge [sflag:s22], s20  }
0x9f: {  	s4 =	ssub.s32 $0x0, s20;
	[sflag:s22] =	ssyncset.done $0x0  }
0xa0: {  	[sflag:s22] =	ssyncadd.s32 s4;
	_ =	sdelay $0x1  }
0xa1: {  	s23 =	simm.s32 $0x1B8B  }
0xa2: {  	_ =	swait.ge [sflag:s23], $0x1  }
0xa3: {  	[sflag:s23] =	ssyncset.done $0x0  }
0xa4: {  	s25 =	simm.s32 $0x1B8E;
	s24 =	sld [smem:$0x3FFE];
	[sflag:s23] =	ssyncadd.s32 $0xFFFFFFFF  }
0xa5: {  	s26 =	simm.s32 $execute0_lowered;
	[smem:$0x3FD2] =	sst s25  }
0xa6: {  	s5 =	sshll.u32 s26, $0x1;
	_ =	strace $0x80000049;
	[dreg:$0x1] =	wrdreg $0xFFFFFFFF  }
0xa7: {  	s28 =	simm.s32 $_size_execute0_lowered;
	s3 =	sadd.s32 s3, s5;
	[dreg:$0x0] =	wrdreg $0x0  }
0xa8: {  	s5 =	sshll.u32 s28, $0x1;
	[dreg:$0x2] =	wrdreg s3  }
0xa9: {  	[dreg:$0x3] =	wrdreg s5  }
0xaa: {  	[dreg:$0x4] =	wrdreg $0xC0  }
0xab: {  	_ =	task [dreg:s7], $0x5FFFF  }
0xac: {  	[dreg:$0x1] =	wrdreg $0xFFFFFFFF  }
0xad: {  	[dreg:$0x0] =	wrdreg $0x60  }
0xae: {  	[dreg:$0x2] =	wrdreg s24  }
0xaf: {  	[dreg:$0x3] =	wrdreg s2  }
0xb0: {  	[dreg:$0x4] =	wrdreg $0x0  }
0xb1: {  	[dreg:$0x5] =	wrdreg $0x9  }
0xb2: {  	_ =	task.clear_ibuf [dreg:s7], $0x6FFFF;
	_ =	strace $0x90000049  }
0xb3: {  	s29 =	simm.s32 $0x9;
	_ =	strace $0x8000004B  }
0xb4: {  	_ =	swait.ge [sflag:s29], $0x1  }
0xb5: {  	[sflag:s29] =	ssyncadd.s32 $0xFFFFFFFF  }
0xb6: {  	_ =	strace $0x9000004B  }
0xb7: {  	_ =	sfence  }
0xb8: {  	s30 =	sld [smem:$0x0];
	_ =	sdelay $0x2  }
0xb9: {  	s31 =	sshll.u32 s1, $0xD;
	s1 =	sshrl.u32 s1, $0x2  }
0xba: {  	s3 =	sand.u32 $0x4000, s31;
	s1 =	sadd.s32 s1, s30  }
0xbb: {  	s0 =	sor.u32 s3, s0;
	s1 =	sshll.u32 s1, $0x11  }
0xbc: {  	s0 =	sor.u32 s1, s0  }
0xbd: {  	s0 =	sadd.s32 $0x8F2B, s0  }
0xbe: {  	[sflag:s0] =	ssyncadd.remote.s32 $0x1  }
0xbf: {  	_ =	sfence.sel $0xFFFF  }
0xc0: {  	[dreg:$0x0] =	wrdreg $0xFFFFFFFF;
	(pc) =	sbr.abs _section_cstart, $3  }
0xc1: {  	[dreg:$0x1] =	wrdreg $0xFFFFFFFF  }
0xc2: {  	_ =	task.clear_ibuf [dreg:s7], $0x2FFFF;
	_ =	strace $0x9FFFFFFF  }
0xc3: {  	(tm) =	ssettm $0x7FFFFFFF  }
tec
execute0_lowered:
.L_overlay_start_1:
0x0: {  	(tag) =	ssettag $0x1  }
0x1: {  	s0 =	rddreg [dreg:$0x0]  }
0x2: {  	s2 =	rddreg [dreg:$0x2];
	s3 =	simm.s32 $0x0;
	s1 =	srdreg.scid  }
0x3: {  	s6 =	stileid.u32;
	s13 =	simm.s32 $0x18AA8;
	s14 =	simm.s32 $0x80  }
0x4: {  	s15 =	simm.s32 $0x18EA8;
	s23 =	simm.s32 $0x18728;
	s24 =	simm.s32 $0x187A8  }
0x5: {  	s25 =	simm.s32 $0x18828;
	s26 =	simm.s32 $0x188A8;
	s28 =	simm.s32 $0x18B28  }
0x6: {  	s29 =	simm.s32 $0x18BA8;
	s30 =	simm.s32 $0x18C28;
	s31 =	simm.s32 $0x18CA8  }
0x7: {  	[smem:$0x7FF] =	sst s3;
	s1 =	sand.u32 $0x1, s1;
	s5 =	smul.u32 $0x6200, s6  }
0x8: {  	s8 =	smul.u32 $0x18680, s6;
	s17 =	sshll.u32 s6, $0x6;
	s11 =	sadd.s32 $0x186800, s2  }
0x9: {  	p0 =	sne.s32 s6, $0x0;
	_ =	strace $0x8000004A;
	[dreg:$0x6] =	wrdreg s23  }
0xa: {  	s6 =	simm.s32 $0x18E28;
	s4 =	smul.u32 $0x30D40, s1;
	[dreg:$0x7] =	wrdreg s24  }
0xb: {  	s7 =	ssub.s32 $0x2, s1;
	s1 =	smul.u32 $0x186A00, s1;
	[dreg:$0x8] =	wrdreg s25  }
0xc: {  	s12 =	sor.u32 $0x1C03, s17;
	s17 =	simm.s32 $0x19EA8;
	[dreg:$0x9] =	wrdreg s26  }
0xd: {  	s23 =	simm.s32 $0x1BEA8;
	s24 =	simm.s32 $0x18A28;
	s25 =	simm.s32 $0x1C6A8  }
0xe: {  	s26 =	simm.s32 $0x1;
	s9 =	sadd.s32 s5, s0;
	s16 =	sshrl.u32 s7, $0x1  }
0xf: {  	s10 =	sadd.s32 s8, s2;
	s4 =	sadd.s32 s4, s0;
	s0 =	sadd.s32 $0x129200, s0  }
0x10: {  	s7 =	ssub.s32 s7, s16;
	s8 =	sadd.s32 s8, s1;
	s1 =	sshrl.u32 s1, $0x3  }
0x11: {  	s19 =	sadd.s32 $0xC7200, s9;
	s20 =	sadd.s32 $0x65200, s9;
	s22 =	sshrl.u32 s10, $0x3  }
0x12: {  	s10 =	simm.s32 $0x3;
	s9 =	sshrl.u32 @!p0 s11, $0x3;
	s16 =	simm.s32 $0x196A8  }
0x13: {  	s5 =	sadd.s32 $0x3200, s4;
	s18 =	sshrl.u32 s8, $0x3;
	[dreg:$0x4] =	wrdreg s19  }
0x14: {  	s8 =	smov.u32 s12;
	s21 =	smax.u32 s7, $0x1;
	[dreg:$0x5] =	wrdreg s20  }
0x15: {  	s11 =	smov.u32 s22;
	s12 =	simm.s32 $0x186A8;
	[dreg:$0xf] =	wrdreg s9  }
0x16: {  	s19 =	simm.s32 $0x1AEA8;
	s20 =	simm.s32 $0x18928;
	[dreg:$0xd] =	wrdreg s21  }
0x17: {  	s22 =	simm.s32 $0x189A8;
	s7 =	simm.s32 $0x2;
	[dreg:$0xa] =	wrdreg s8  }
0x18: {  	s4 =	sadd.s32 s0, s18;
	s0 =	sadd.s32 s0, s1;
	[dreg:$0xe] =	wrdreg s11  }
0x19: {  	s18 =	simm.s32 $0x1A6A8;
	[dreg:$0xb] =	wrdreg s4;
	s0 =	sadd.s32 $0x30D00, s0  }
0x1a: {  	s21 =	simm.s32 $0x1B6A8;
	s4 =	simm.s32 $0x0;
	[dreg:$0xc] =	wrdreg s0  }
0x1b: {  	s1 =	simm.s32 $0x18DA8;
	s0 =	simm.s32 $0x18D28;
	[dreg:$0x10] =	wrdreg s4  }
.LBB2_1:
0x1c: {  	s4 =	rddreg [dreg:$0x1]  }
0x1d: {  	[spmem:s11], [sflag:s8] =	dma.local [hbm:s4], $0x30D0  }
0x1e: {  	_ =	swait.ge [sflag:s10], $0x30D0  }
0x1f: {  	[sflag:s10] =	ssyncset.done $0x0  }
0x20: {  	[sflag:s10] =	ssyncadd.s32 $0xFFFFCF30  }
0x21: {  	[spmem:s9], [sflag:s8] =	dma.local @!p0 [hbm:s4], $0x50  }
0x22: {  	s4 =	simm.s32 @!p0 $0x3  }
0x23: {  	_ =	swait.ge @!p0 [sflag:s4], $0x50  }
0x24: {  	[sflag:s4] =	ssyncset.done @!p0 $0x0  }
0x25: {  	[sflag:s4] =	ssyncadd.s32 @!p0 $0xFFFFFFB0  }
0x26: {  	[bflag:$0x0] =	sbarrier.arrive $0xFFFF  }
0x27: {  	s11 =	rddreg [dreg:$0x5]  }
0x28: {  	s4 =	sadd.s32 $0x0, s11  }
0x29: {  	[tilespmem:s12], [sflag:$0x3] =	stream.linear.gather [hbm4b:s4+s3], $0x400, $0x38;
	[tilespmem:$0x1CEA8] =	vst v63  }
0x2a: {  	_ =	swait.ge [sflag:s10], $0x400  }
0x2b: {  	s8 =	rddreg [dreg:$0x4];
	[sflag:s10] =	ssyncset.done $0x0  }
0x2c: {  	[sflag:s10] =	ssyncadd.s32 $0xFFFFFC00;
	s4 =	sadd.s32 $0x0, s8  }
0x2d: {  	[tilespmem:s13], [sflag:$0x3] =	stream.linear.gather [hbm4b:s4+s3], $0x400, $0x38;
	[tilespmem:$0x1CEA8] =	vst v63  }
0x2e: {  	_ =	swait.ge [sflag:s10], $0x400  }
0x2f: {  	[sflag:s10] =	ssyncset.done $0x0  }
0x30: {  	[sflag:s10] =	ssyncadd.s32 $0xFFFFFC00  }
0x31: {  	[tilespmem:s15], [sflag:$0x1] =	stream.indirect.gather [hbm4b:s5+s14], $0x10, s12, s14, $0xb8;
	[tilespmem:$0x1CEA8] =	vst v63  }
0x32: {  	s9 =	rddreg [dreg:$0x6]  }
0x33: {  	[tilespmem:s16], [sflag:$0x1] =	stream.indirect.gather [hbm4b:s5+s14], $0x10, s9, s14, $0xb8;
	[tilespmem:$0x1CEA8] =	vst v63  }
0x34: {  	s11 =	rddreg [dreg:$0x7]  }
0x35: {  	[tilespmem:s17], [sflag:$0x1] =	stream.indirect.gather [hbm4b:s5+s14], $0x10, s11, s14, $0xb8;
	[tilespmem:$0x1CEA8] =	vst v63  }
0x36: {  	s8 =	rddreg [dreg:$0x8]  }
0x37: {  	[tilespmem:s18], [sflag:$0x1] =	stream.indirect.gather [hbm4b:s5+s14], $0x10, s8, s14, $0xb8;
	[tilespmem:$0x1CEA8] =	vst v63  }
0x38: {  	s11 =	rddreg [dreg:$0x9]  }
0x39: {  	[tilespmem:s19], [sflag:$0x1] =	stream.indirect.gather [hbm4b:s5+s14], $0x10, s11, s14, $0xb8;
	[tilespmem:$0x1CEA8] =	vst v63  }
0x3a: {  	_ = 	snop  }
0x3b: {  	[tilespmem:s21], [sflag:$0x1] =	stream.indirect.gather [hbm4b:s5+s14], $0x10, s20, s14, $0xb8;
	[tilespmem:$0x1CEA8] =	vst v63  }
0x3c: {  	_ = 	snop  }
0x3d: {  	[tilespmem:s23], [sflag:$0x1] =	stream.indirect.gather [hbm4b:s5+s14], $0x10, s22, s14, $0xb8;
	[tilespmem:$0x1CEA8] =	vst v63  }
0x3e: {  	_ = 	snop  }
0x3f: {  	[tilespmem:s25], [sflag:$0x1] =	stream.indirect.gather [hbm4b:s5+s14], $0x10, s24, s14, $0xb8;
	[tilespmem:$0x1CEA8] =	vst v63  }
0x40: {  	_ =	swait.ge [sflag:s26], $0x800  }
0x41: {  	[sflag:s26] =	ssyncset.done $0x0  }
0x42: {  	[sflag:s26] =	ssyncadd.s32 $0xFFFFF800  }
0x43: {  	[spmem:s2] =	stream.indirect.scatter.add.f32 [tilespmem:s15], [sflag:$0x2], $0x10, s13, s14, $0xb8;
	[tilespmem:$0x1CEA8] =	vst v63  }
0x44: {  	_ =	swait.ge [sflag:s26], $0x800  }
0x45: {  	[sflag:s26] =	ssyncset.done $0x0  }
0x46: {  	[sflag:s26] =	ssyncadd.s32 $0xFFFFF800  }
0x47: {  	[spmem:s2] =	stream.indirect.scatter.add.f32 [tilespmem:s16], [sflag:$0x2], $0x10, s28, s14, $0xb8;
	[tilespmem:$0x1CEA8] =	vst v63  }
0x48: {  	_ =	swait.ge [sflag:s26], $0x800  }
0x49: {  	[sflag:s26] =	ssyncset.done $0x0  }
0x4a: {  	[sflag:s26] =	ssyncadd.s32 $0xFFFFF800  }
0x4b: {  	[spmem:s2] =	stream.indirect.scatter.add.f32 [tilespmem:s17], [sflag:$0x2], $0x10, s29, s14, $0xb8;
	[tilespmem:$0x1CEA8] =	vst v63  }
0x4c: {  	_ =	swait.ge [sflag:s26], $0x800  }
0x4d: {  	[sflag:s26] =	ssyncset.done $0x0  }
0x4e: {  	[sflag:s26] =	ssyncadd.s32 $0xFFFFF800  }
0x4f: {  	[spmem:s2] =	stream.indirect.scatter.add.f32 [tilespmem:s18], [sflag:$0x2], $0x10, s30, s14, $0xb8;
	[tilespmem:$0x1CEA8] =	vst v63  }
0x50: {  	_ =	swait.ge [sflag:s26], $0x800  }
0x51: {  	[sflag:s26] =	ssyncset.done $0x0  }
0x52: {  	[sflag:s26] =	ssyncadd.s32 $0xFFFFF800  }
0x53: {  	[spmem:s2] =	stream.indirect.scatter.add.f32 [tilespmem:s19], [sflag:$0x2], $0x10, s31, s14, $0xb8;
	[tilespmem:$0x1CEA8] =	vst v63  }
0x54: {  	_ =	swait.ge [sflag:s26], $0x800  }
0x55: {  	[sflag:s26] =	ssyncset.done $0x0  }
0x56: {  	[sflag:s26] =	ssyncadd.s32 $0xFFFFF800  }
0x57: {  	[spmem:s2] =	stream.indirect.scatter.add.f32 [tilespmem:s21], [sflag:$0x2], $0x10, s0, s14, $0xb8;
	[tilespmem:$0x1CEA8] =	vst v63  }
0x58: {  	_ =	swait.ge [sflag:s26], $0x800  }
0x59: {  	[sflag:s26] =	ssyncset.done $0x0  }
0x5a: {  	[sflag:s26] =	ssyncadd.s32 $0xFFFFF800  }
0x5b: {  	[spmem:s2] =	stream.indirect.scatter.add.f32 [tilespmem:s23], [sflag:$0x2], $0x10, s1, s14, $0xb8;
	[tilespmem:$0x1CEA8] =	vst v63  }
0x5c: {  	_ =	swait.ge [sflag:s26], $0x800  }
0x5d: {  	[sflag:s26] =	ssyncset.done $0x0  }
0x5e: {  	[sflag:s26] =	ssyncadd.s32 $0xFFFFF800  }
0x5f: {  	[spmem:s2] =	stream.indirect.scatter.add.f32 [tilespmem:s25], [sflag:$0x2], $0x10, s6, s14, $0xb8;
	[tilespmem:$0x1CEA8] =	vst v63  }
0x60: {  	_ =	swait.ge [sflag:s7], $0x800  }
0x61: {  	[sflag:s7] =	ssyncset.done $0x0  }
0x62: {  	[sflag:s7] =	ssyncadd.s32 $0xFFFFF800  }
0x63: {  	_ =	swait.ge [sflag:s7], $0x800  }
0x64: {  	[sflag:s7] =	ssyncset.done $0x0  }
0x65: {  	[sflag:s7] =	ssyncadd.s32 $0xFFFFF800  }
0x66: {  	_ =	swait.ge [sflag:s7], $0x800  }
0x67: {  	[sflag:s7] =	ssyncset.done $0x0  }
0x68: {  	[sflag:s7] =	ssyncadd.s32 $0xFFFFF800  }
0x69: {  	_ =	swait.ge [sflag:s7], $0x800  }
0x6a: {  	[sflag:s7] =	ssyncset.done $0x0  }
0x6b: {  	[sflag:s7] =	ssyncadd.s32 $0xFFFFF800  }
0x6c: {  	_ =	swait.ge [sflag:s7], $0x800  }
0x6d: {  	[sflag:s7] =	ssyncset.done $0x0  }
0x6e: {  	[sflag:s7] =	ssyncadd.s32 $0xFFFFF800  }
0x6f: {  	_ =	swait.ge [sflag:s7], $0x800  }
0x70: {  	[sflag:s7] =	ssyncset.done $0x0  }
0x71: {  	[sflag:s7] =	ssyncadd.s32 $0xFFFFF800  }
0x72: {  	_ =	swait.ge [sflag:s7], $0x800  }
0x73: {  	[sflag:s7] =	ssyncset.done $0x0  }
0x74: {  	[sflag:s7] =	ssyncadd.s32 $0xFFFFF800  }
0x75: {  	s9 =	simm.s32 $0x80;
	_ =	swait.ge [sflag:s7], $0x800  }
0x76: {  	s11 =	simm.s32 $0x100;
	s4 =	rddreg [dreg:$0x5];
	[sflag:s7] =	ssyncset.done $0x0  }
.LBB2_2:
0x77: {  	[sflag:s7] =	ssyncadd.s32 $0xFFFFF800;
	s4 =	sadd.s32 s9, s4  }
0x78: {  	[tilespmem:s12], [sflag:$0x3] =	stream.linear.gather [hbm4b:s4+s3], $0x400, $0x38;
	[tilespmem:$0x1CEA8] =	vst v63  }
0x79: {  	_ =	swait.ge [sflag:s10], $0x400  }
0x7a: {  	s4 =	rddreg [dreg:$0x4];
	[sflag:s10] =	ssyncset.done $0x0  }
0x7b: {  	[sflag:s10] =	ssyncadd.s32 $0xFFFFFC00;
	s4 =	sadd.s32 s9, s4  }
0x7c: {  	[tilespmem:s13], [sflag:$0x3] =	stream.linear.gather [hbm4b:s4+s3], $0x400, $0x38;
	[tilespmem:$0x1CEA8] =	vst v63  }
0x7d: {  	_ =	swait.ge [sflag:s10], $0x400  }
0x7e: {  	[sflag:s10] =	ssyncset.done $0x0  }
0x7f: {  	[sflag:s10] =	ssyncadd.s32 $0xFFFFFC00  }
0x80: {  	[tilespmem:s15], [sflag:$0x1] =	stream.indirect.gather [hbm4b:s5+s14], $0x10, s12, s14, $0xb8;
	[tilespmem:$0x1CEA8] =	vst v63  }
0x81: {  	s8 =	smov.u32 s11;
	s4 =	rddreg [dreg:$0x6]  }
0x82: {  	[tilespmem:s16], [sflag:$0x1] =	stream.indirect.gather [hbm4b:s5+s14], $0x10, s4, s14, $0xb8;
	[tilespmem:$0x1CEA8] =	vst v63  }
0x83: {  	s9 =	smov.u32 s8;
	s8 =	rddreg [dreg:$0x7]  }
0x84: {  	[tilespmem:s17], [sflag:$0x1] =	stream.indirect.gather [hbm4b:s5+s14], $0x10, s8, s14, $0xb8;
	[tilespmem:$0x1CEA8] =	vst v63  }
0x85: {  	s4 =	rddreg [dreg:$0x8]  }
0x86: {  	[tilespmem:s18], [sflag:$0x1] =	stream.indirect.gather [hbm4b:s5+s14], $0x10, s4, s14, $0xb8;
	[tilespmem:$0x1CEA8] =	vst v63  }
0x87: {  	s8 =	rddreg [dreg:$0x9]  }
0x88: {  	[tilespmem:s19], [sflag:$0x1] =	stream.indirect.gather [hbm4b:s5+s14], $0x10, s8, s14, $0xb8;
	[tilespmem:$0x1CEA8] =	vst v63  }
0x89: {  	_ = 	snop  }
0x8a: {  	[tilespmem:s21], [sflag:$0x1] =	stream.indirect.gather [hbm4b:s5+s14], $0x10, s20, s14, $0xb8;
	[tilespmem:$0x1CEA8] =	vst v63  }
0x8b: {  	_ = 	snop  }
0x8c: {  	[tilespmem:s23], [sflag:$0x1] =	stream.indirect.gather [hbm4b:s5+s14], $0x10, s22, s14, $0xb8;
	[tilespmem:$0x1CEA8] =	vst v63  }
0x8d: {  	_ = 	snop  }
0x8e: {  	[tilespmem:s25], [sflag:$0x1] =	stream.indirect.gather [hbm4b:s5+s14], $0x10, s24, s14, $0xb8;
	[tilespmem:$0x1CEA8] =	vst v63  }
0x8f: {  	_ =	swait.ge [sflag:s26], $0x800  }
0x90: {  	[sflag:s26] =	ssyncset.done $0x0  }
0x91: {  	[sflag:s26] =	ssyncadd.s32 $0xFFFFF800  }
0x92: {  	[spmem:s2] =	stream.indirect.scatter.add.f32 [tilespmem:s15], [sflag:$0x2], $0x10, s13, s14, $0xb8;
	[tilespmem:$0x1CEA8] =	vst v63  }
0x93: {  	_ =	swait.ge [sflag:s26], $0x800  }
0x94: {  	[sflag:s26] =	ssyncset.done $0x0  }
0x95: {  	[sflag:s26] =	ssyncadd.s32 $0xFFFFF800  }
0x96: {  	[spmem:s2] =	stream.indirect.scatter.add.f32 [tilespmem:s16], [sflag:$0x2], $0x10, s28, s14, $0xb8;
	[tilespmem:$0x1CEA8] =	vst v63  }
0x97: {  	_ =	swait.ge [sflag:s26], $0x800  }
0x98: {  	[sflag:s26] =	ssyncset.done $0x0  }
0x99: {  	[sflag:s26] =	ssyncadd.s32 $0xFFFFF800  }
0x9a: {  	[spmem:s2] =	stream.indirect.scatter.add.f32 [tilespmem:s17], [sflag:$0x2], $0x10, s29, s14, $0xb8;
	[tilespmem:$0x1CEA8] =	vst v63  }
0x9b: {  	_ =	swait.ge [sflag:s26], $0x800  }
0x9c: {  	[sflag:s26] =	ssyncset.done $0x0  }
0x9d: {  	[sflag:s26] =	ssyncadd.s32 $0xFFFFF800  }
0x9e: {  	[spmem:s2] =	stream.indirect.scatter.add.f32 [tilespmem:s18], [sflag:$0x2], $0x10, s30, s14, $0xb8;
	[tilespmem:$0x1CEA8] =	vst v63  }
0x9f: {  	_ =	swait.ge [sflag:s26], $0x800  }
0xa0: {  	[sflag:s26] =	ssyncset.done $0x0  }
0xa1: {  	[sflag:s26] =	ssyncadd.s32 $0xFFFFF800  }
0xa2: {  	[spmem:s2] =	stream.indirect.scatter.add.f32 [tilespmem:s19], [sflag:$0x2], $0x10, s31, s14, $0xb8;
	[tilespmem:$0x1CEA8] =	vst v63  }
0xa3: {  	_ =	swait.ge [sflag:s26], $0x800  }
0xa4: {  	[sflag:s26] =	ssyncset.done $0x0  }
0xa5: {  	[sflag:s26] =	ssyncadd.s32 $0xFFFFF800  }
0xa6: {  	[spmem:s2] =	stream.indirect.scatter.add.f32 [tilespmem:s21], [sflag:$0x2], $0x10, s0, s14, $0xb8;
	[tilespmem:$0x1CEA8] =	vst v63  }
0xa7: {  	_ =	swait.ge [sflag:s26], $0x800  }
0xa8: {  	[sflag:s26] =	ssyncset.done $0x0  }
0xa9: {  	[sflag:s26] =	ssyncadd.s32 $0xFFFFF800  }
0xaa: {  	[spmem:s2] =	stream.indirect.scatter.add.f32 [tilespmem:s23], [sflag:$0x2], $0x10, s1, s14, $0xb8;
	[tilespmem:$0x1CEA8] =	vst v63  }
0xab: {  	_ =	swait.ge [sflag:s26], $0x800  }
0xac: {  	[sflag:s26] =	ssyncset.done $0x0  }
0xad: {  	[sflag:s26] =	ssyncadd.s32 $0xFFFFF800  }
0xae: {  	[spmem:s2] =	stream.indirect.scatter.add.f32 [tilespmem:s25], [sflag:$0x2], $0x10, s6, s14, $0xb8;
	[tilespmem:$0x1CEA8] =	vst v63  }
0xaf: {  	_ =	swait.ge [sflag:s7], $0x800  }
0xb0: {  	[sflag:s7] =	ssyncset.done $0x0  }
0xb1: {  	[sflag:s7] =	ssyncadd.s32 $0xFFFFF800  }
0xb2: {  	_ =	swait.ge [sflag:s7], $0x800  }
0xb3: {  	[sflag:s7] =	ssyncset.done $0x0  }
0xb4: {  	[sflag:s7] =	ssyncadd.s32 $0xFFFFF800  }
0xb5: {  	_ =	swait.ge [sflag:s7], $0x800  }
0xb6: {  	[sflag:s7] =	ssyncset.done $0x0  }
0xb7: {  	[sflag:s7] =	ssyncadd.s32 $0xFFFFF800  }
0xb8: {  	_ =	swait.ge [sflag:s7], $0x800  }
0xb9: {  	[sflag:s7] =	ssyncset.done $0x0  }
0xba: {  	[sflag:s7] =	ssyncadd.s32 $0xFFFFF800  }
0xbb: {  	_ =	swait.ge [sflag:s7], $0x800  }
0xbc: {  	[sflag:s7] =	ssyncset.done $0x0  }
0xbd: {  	[sflag:s7] =	ssyncadd.s32 $0xFFFFF800  }
0xbe: {  	_ =	swait.ge [sflag:s7], $0x800  }
0xbf: {  	[sflag:s7] =	ssyncset.done $0x0  }
0xc0: {  	p1 =	sne.s32 s11, $0x6180;
	[sflag:s7] =	ssyncadd.s32 $0xFFFFF800  }
.Ltmp0:
0xc1: {  	_ =	swait.ge [sflag:s7], $0x800;
	(pc) =	sbr.rel @p1 .LBB2_2-.Ltmp0, $4  }
0xc2: {  	[sflag:s7] =	ssyncset.done $0x0  }
0xc3: {  	[sflag:s7] =	ssyncadd.s32 $0xFFFFF800  }
0xc4: {  	_ =	swait.ge [sflag:s7], $0x800  }
0xc5: {  	s11 =	sadd.s32 $0x80, s11;
	s4 =	rddreg [dreg:$0x5];
	[sflag:s7] =	ssyncset.done $0x0  }
0xc6: {  	[sflag:s7] =	ssyncadd.s32 $0xFFFFF800;
	s4 =	sadd.s32 s9, s4  }
0xc7: {  	[tilespmem:s12], [sflag:$0x3] =	stream.linear.gather [hbm4b:s4+s3], $0x400, $0x38;
	[tilespmem:$0x1CEA8] =	vst v63  }
0xc8: {  	_ =	swait.ge [sflag:s10], $0x400  }
0xc9: {  	s8 =	rddreg [dreg:$0x4];
	[sflag:s10] =	ssyncset.done $0x0  }
0xca: {  	[sflag:s10] =	ssyncadd.s32 $0xFFFFFC00;
	s4 =	sadd.s32 s9, s8  }
0xcb: {  	[tilespmem:s13], [sflag:$0x3] =	stream.linear.gather [hbm4b:s4+s3], $0x400, $0x38;
	[tilespmem:$0x1CEA8] =	vst v63  }
0xcc: {  	_ =	swait.ge [sflag:s10], $0x400  }
0xcd: {  	[sflag:s10] =	ssyncset.done $0x0  }
0xce: {  	[sflag:s10] =	ssyncadd.s32 $0xFFFFFC00  }
0xcf: {  	[tilespmem:s15], [sflag:$0x1] =	stream.indirect.gather [hbm4b:s5+s14], $0x10, s12, s14, $0xb8;
	[tilespmem:$0x1CEA8] =	vst v63  }
0xd0: {  	s11 =	rddreg [dreg:$0x6]  }
0xd1: {  	[tilespmem:s16], [sflag:$0x1] =	stream.indirect.gather [hbm4b:s5+s14], $0x10, s11, s14, $0xb8;
	[tilespmem:$0x1CEA8] =	vst v63  }
0xd2: {  	s8 =	rddreg [dreg:$0x7]  }
0xd3: {  	[tilespmem:s17], [sflag:$0x1] =	stream.indirect.gather [hbm4b:s5+s14], $0x10, s8, s14, $0xb8;
	[tilespmem:$0x1CEA8] =	vst v63  }
0xd4: {  	s9 =	rddreg [dreg:$0x8]  }
0xd5: {  	[tilespmem:s18], [sflag:$0x1] =	stream.indirect.gather [hbm4b:s5+s14], $0x10, s9, s14, $0xb8;
	[tilespmem:$0x1CEA8] =	vst v63  }
0xd6: {  	s11 =	rddreg [dreg:$0x9]  }
0xd7: {  	[tilespmem:s19], [sflag:$0x1] =	stream.indirect.gather [hbm4b:s5+s14], $0x10, s11, s14, $0xb8;
	[tilespmem:$0x1CEA8] =	vst v63  }
0xd8: {  	_ = 	snop  }
0xd9: {  	[tilespmem:s21], [sflag:$0x1] =	stream.indirect.gather [hbm4b:s5+s14], $0x10, s20, s14, $0xb8;
	[tilespmem:$0x1CEA8] =	vst v63  }
0xda: {  	_ = 	snop  }
0xdb: {  	[tilespmem:s23], [sflag:$0x1] =	stream.indirect.gather [hbm4b:s5+s14], $0x10, s22, s14, $0xb8;
	[tilespmem:$0x1CEA8] =	vst v63  }
0xdc: {  	_ = 	snop  }
0xdd: {  	[tilespmem:s25], [sflag:$0x1] =	stream.indirect.gather [hbm4b:s5+s14], $0x10, s24, s14, $0xb8;
	[tilespmem:$0x1CEA8] =	vst v63  }
0xde: {  	_ =	swait.ge [sflag:s26], $0x800  }
0xdf: {  	[sflag:s26] =	ssyncset.done $0x0  }
0xe0: {  	[sflag:s26] =	ssyncadd.s32 $0xFFFFF800  }
0xe1: {  	[spmem:s2] =	stream.indirect.scatter.add.f32 [tilespmem:s15], [sflag:$0x2], $0x10, s13, s14, $0xb8;
	[tilespmem:$0x1CEA8] =	vst v63  }
0xe2: {  	_ =	swait.ge [sflag:s26], $0x800  }
0xe3: {  	[sflag:s26] =	ssyncset.done $0x0  }
0xe4: {  	[sflag:s26] =	ssyncadd.s32 $0xFFFFF800  }
0xe5: {  	[spmem:s2] =	stream.indirect.scatter.add.f32 [tilespmem:s16], [sflag:$0x2], $0x10, s28, s14, $0xb8;
	[tilespmem:$0x1CEA8] =	vst v63  }
0xe6: {  	_ =	swait.ge [sflag:s26], $0x800  }
0xe7: {  	[sflag:s26] =	ssyncset.done $0x0  }
0xe8: {  	[sflag:s26] =	ssyncadd.s32 $0xFFFFF800  }
0xe9: {  	[spmem:s2] =	stream.indirect.scatter.add.f32 [tilespmem:s17], [sflag:$0x2], $0x10, s29, s14, $0xb8;
	[tilespmem:$0x1CEA8] =	vst v63  }
0xea: {  	_ =	swait.ge [sflag:s26], $0x800  }
0xeb: {  	[sflag:s26] =	ssyncset.done $0x0  }
0xec: {  	[sflag:s26] =	ssyncadd.s32 $0xFFFFF800  }
0xed: {  	[spmem:s2] =	stream.indirect.scatter.add.f32 [tilespmem:s18], [sflag:$0x2], $0x10, s30, s14, $0xb8;
	[tilespmem:$0x1CEA8] =	vst v63  }
0xee: {  	_ =	swait.ge [sflag:s26], $0x800  }
0xef: {  	[sflag:s26] =	ssyncset.done $0x0  }
0xf0: {  	[sflag:s26] =	ssyncadd.s32 $0xFFFFF800  }
0xf1: {  	[spmem:s2] =	stream.indirect.scatter.add.f32 [tilespmem:s19], [sflag:$0x2], $0x10, s31, s14, $0xb8;
	[tilespmem:$0x1CEA8] =	vst v63  }
0xf2: {  	_ =	swait.ge [sflag:s26], $0x800  }
0xf3: {  	[sflag:s26] =	ssyncset.done $0x0  }
0xf4: {  	[sflag:s26] =	ssyncadd.s32 $0xFFFFF800  }
0xf5: {  	[spmem:s2] =	stream.indirect.scatter.add.f32 [tilespmem:s21], [sflag:$0x2], $0x10, s0, s14, $0xb8;
	[tilespmem:$0x1CEA8] =	vst v63  }
0xf6: {  	_ =	swait.ge [sflag:s26], $0x800  }
0xf7: {  	[sflag:s26] =	ssyncset.done $0x0  }
0xf8: {  	[sflag:s26] =	ssyncadd.s32 $0xFFFFF800  }
0xf9: {  	[spmem:s2] =	stream.indirect.scatter.add.f32 [tilespmem:s23], [sflag:$0x2], $0x10, s1, s14, $0xb8;
	[tilespmem:$0x1CEA8] =	vst v63  }
0xfa: {  	_ =	swait.ge [sflag:s26], $0x800  }
0xfb: {  	[sflag:s26] =	ssyncset.done $0x0  }
0xfc: {  	[sflag:s26] =	ssyncadd.s32 $0xFFFFF800  }
0xfd: {  	[spmem:s2] =	stream.indirect.scatter.add.f32 [tilespmem:s25], [sflag:$0x2], $0x10, s6, s14, $0xb8;
	[tilespmem:$0x1CEA8] =	vst v63  }
0xfe: {  	_ =	swait.ge [sflag:s7], $0x800  }
0xff: {  	[sflag:s7] =	ssyncset.done $0x0  }
0x100: {  	[sflag:s7] =	ssyncadd.s32 $0xFFFFF800  }
0x101: {  	_ =	swait.ge [sflag:s7], $0x800  }
0x102: {  	[sflag:s7] =	ssyncset.done $0x0  }
0x103: {  	[sflag:s7] =	ssyncadd.s32 $0xFFFFF800  }
0x104: {  	_ =	swait.ge [sflag:s7], $0x800  }
0x105: {  	[sflag:s7] =	ssyncset.done $0x0  }
0x106: {  	[sflag:s7] =	ssyncadd.s32 $0xFFFFF800  }
0x107: {  	_ =	swait.ge [sflag:s7], $0x800  }
0x108: {  	[sflag:s7] =	ssyncset.done $0x0  }
0x109: {  	[sflag:s7] =	ssyncadd.s32 $0xFFFFF800  }
0x10a: {  	_ =	swait.ge [sflag:s7], $0x800  }
0x10b: {  	[sflag:s7] =	ssyncset.done $0x0  }
0x10c: {  	[sflag:s7] =	ssyncadd.s32 $0xFFFFF800  }
0x10d: {  	_ =	swait.ge [sflag:s7], $0x800  }
0x10e: {  	[sflag:s7] =	ssyncset.done $0x0  }
0x10f: {  	[sflag:s7] =	ssyncadd.s32 $0xFFFFF800  }
0x110: {  	_ =	swait.ge [sflag:s7], $0x800  }
0x111: {  	[sflag:s7] =	ssyncset.done $0x0  }
0x112: {  	[sflag:s7] =	ssyncadd.s32 $0xFFFFF800  }
0x113: {  	_ =	swait.ge [sflag:s7], $0x800  }
0x114: {  	[sflag:s7] =	ssyncset.done $0x0  }
0x115: {  	[sflag:s7] =	ssyncadd.s32 $0xFFFFF800  }
0x116: {  	[bflag:$0x0] =	sbarrier.arrive $0xFFFF  }
0x117: {  	s8 =	rddreg [dreg:$0xa]  }
0x118: {  	s9 =	rddreg [dreg:$0xb]  }
0x119: {  	s11 =	rddreg [dreg:$0xe]  }
0x11a: {  	[hbm:s9], [sflag:s8] =	dma.local [spmem:s11], $0x30D0  }
0x11b: {  	_ =	swait.ge [sflag:s10], $0x30D0  }
0x11c: {  	[sflag:s10] =	ssyncset.done $0x0;
	s4 =	rddreg [dreg:$0xc]  }
0x11d: {  	s9 =	simm.s32 @!p0 $0x3;
	s11 =	rddreg [dreg:$0xf];
	[sflag:s10] =	ssyncadd.s32 $0xFFFFCF30  }
0x11e: {  	[hbm:s4], [sflag:s8] =	dma.local @!p0 [spmem:s11], $0x40  }
0x11f: {  	_ =	swait.ge @!p0 [sflag:s9], $0x40  }
0x120: {  	s4 =	rddreg [dreg:$0x10]  }
0x121: {  	[sflag:s9] =	ssyncset.done @!p0 $0x0;
	s9 =	rddreg [dreg:$0xd];
	s4 =	sadd.s32 $0x1, s4  }
0x122: {  	p1 =	sne.s32 s4, s9  }
.Ltmp1:
0x123: {  	_ = 	snop;
	(pc) =	sbr.rel @p1 .LBB2_1-.Ltmp1, $3  }
0x124: {  	_ =	sdelay $0x1  }
0x125: {  	[dreg:$0x10] =	wrdreg s4;
	s4 =	simm.s32 @!p0 $0x3  }
0x126: {  	s9 =	smov.u32 s11;
	s11 =	rddreg [dreg:$0xe];
	[sflag:s4] =	ssyncadd.s32 @!p0 $0xFFFFFFC0  }
0x127: {  	_ =	sfence.sel $0x180000  }
0x128: {  	[bflag:$0x0] =	sbarrier.arrive $0xFFFF  }
0x129: {  	_ =	strace $0x9000004A  }
0x12a: {  	[bflag:$0x2] =	sbarrier.arrive $0xFFFF  }
0x12b: {  	s0 =	rddreg [dreg:$0x3]  }
0x12c: {  	s0 =	sadd.s32 @!p0 $0x100000, s0  }
0x12d: {  	[sflag:s0] =	ssyncadd.tile.s32 @!p0 $0x1;
	_ =	shalt  }
.Lfunc_end2:
_tile_overlayer_lowered:
.L_overlay_start_2:
0x12e: {  	(tag) =	ssettag $0x2  }
0x12f: {  	s0 =	rddreg [dreg:$0x0];
	s2 =	stileid.u32  }
0x130: {  	s1 =	rddreg [dreg:$0x1];
	p0 =	sne.s32 s2, $0x0  }
0x131: {  	s3 =	rddreg [dreg:$0x2];
	[bflag:$0x3] =	sbarrier.arrive $0xFFFF;
	s2 =	simm.s32 @!p0 $0x1C03  }
0x132: {  	[timem:s3], [sflag:s2] =	dma.local @!p0 [hbm:s0], s1  }
0x133: {  	s0 =	simm.s32 @!p0 $0x3  }
0x134: {  	_ =	swait.ge @!p0 [sflag:s0], s1  }
0x135: {  	s1 =	ssub.s32 @!p0 $0x0, s1;
	[sflag:s0] =	ssyncset.done @!p0 $0x0  }
0x136: {  	[sflag:s0] =	ssyncadd.s32 @!p0 s1  }
0x137: {  	[bflag:$0x3] =	sbarrier.arrive $0xFFFF  }
0x138: {  	_ =	shalt  }

</sc_bundles>
